<compile_context>
chip_gen: v7x
topology: tpu7x:2x2x1
jax: 0.10.2.dev20260603
libtpu: 0.0.44.dev20260713+nightly
codegen_flags: <defaults>
</compile_context>

<pallas_src>
import functools

import jax
import jax.numpy as jnp
from jax import lax
from jax.experimental import pallas as pl
from jax.experimental.pallas import tpu as pltpu
from jax.experimental.pallas import tpu_sc as plsc

N = 10000
E = 320000
D = 128
H = 128
C_OUT = 40
EPS = 1e-5

F32 = jnp.float32


_BP = 1000


def _proj_body(x_ref, wi_ref, bi_ref, wt_ref, bt_ref, wq_ref, bq_ref,
               wk_ref, bk_ref, wv_ref, bv_ref,
               img_ref, q_ref, k_ref, v_ref):
    x = x_ref[...]
    dn = (((1,), (1,)), ((), ()))
    img = jnp.maximum(
        lax.dot_general(x[:, :D], wi_ref[...], dn,
                        preferred_element_type=F32) + bi_ref[...], 0.0)
    txt = jnp.maximum(
        lax.dot_general(x[:, D:], wt_ref[...], dn,
                        preferred_element_type=F32) + bt_ref[...], 0.0)
    img_ref[...] = img
    q_ref[...] = lax.dot_general(img, wq_ref[...], dn,
                                 preferred_element_type=F32) + bq_ref[...]
    k_ref[...] = (lax.dot_general(txt, wk_ref[...], dn,
                                  preferred_element_type=F32)
                  + bk_ref[...]).astype(jnp.bfloat16)
    v_ref[...] = (lax.dot_general(txt, wv_ref[...], dn,
                                  preferred_element_type=F32)
                  + bv_ref[...]).astype(jnp.bfloat16)


def _proj(x, W_img, b_img, W_txt, b_txt, Wq, bq, Wk, bk, Wv, bv):
    full = lambda shape: pl.BlockSpec(shape, lambda i: (0, 0))
    row = lambda w: pl.BlockSpec((_BP, w), lambda i: (i, 0))
    out_sd = jax.ShapeDtypeStruct((N, H), F32)
    out_bf = jax.ShapeDtypeStruct((N, H), jnp.bfloat16)
    return pl.pallas_call(
        _proj_body,
        grid=(N // _BP,),
        in_specs=[row(2 * D), full((H, D)), full((1, H)), full((H, D)),
                  full((1, H)), full((H, H)), full((1, H)), full((H, H)),
                  full((1, H)), full((H, H)), full((1, H))],
        out_specs=[row(H)] * 4,
        out_shape=[out_sd, out_sd, out_bf, out_bf],
    )(x, W_img, b_img.reshape(1, H), W_txt, b_txt.reshape(1, H),
      Wq, bq.reshape(1, H), Wk, bk.reshape(1, H), Wv, bv.reshape(1, H))



_BQ = 1000
_BK = 1000


def _attn_body(q_ref, k_ref, v_ref, img_ref, g_ref, b_ref, o_ref):
    q = (q_ref[...] * (H ** -0.5)).astype(jnp.bfloat16)

    def body(c, carry):
        l, acc = carry
        kc = k_ref[pl.ds(c * _BK, _BK), :]
        vc = v_ref[pl.ds(c * _BK, _BK), :]
        s = lax.dot_general(q, kc, (((1,), (1,)), ((), ())),
                            preferred_element_type=F32)
        p = jnp.exp(s)
        l_new = l + jnp.sum(p, axis=1, keepdims=True)
        acc_new = acc + lax.dot_general(
            p.astype(jnp.bfloat16), vc, (((1,), (0,)), ((), ())),
            preferred_element_type=F32)
        return l_new, acc_new

    l0 = jnp.zeros((_BQ, 1), F32)
    a0 = jnp.zeros((_BQ, H), F32)
    l, acc = lax.fori_loop(0, N // _BK, body, (l0, a0))
    h = img_ref[...] + acc / l
    h = h * (g_ref[...] * (1.0 + EPS) ** -0.5) + b_ref[...]
    o_ref[...] = jnp.maximum(h, 0.0)


def _attn(q, k, v, img, gamma_f, beta_f):
    full = lambda shape: pl.BlockSpec(shape, lambda i: (0, 0))
    row = pl.BlockSpec((_BQ, H), lambda i: (i, 0))
    return pl.pallas_call(
        _attn_body,
        grid=(N // _BQ,),
        in_specs=[row, full((N, H)), full((N, H)), row,
                  full((1, H)), full((1, H))],
        out_specs=row,
        out_shape=jax.ShapeDtypeStruct((N, H), F32),
    )(q, k, v, img, gamma_f.reshape(1, H), beta_f.reshape(1, H))



_NC = 2
_NS = 16
_NW = _NC * _NS
_EPW = E // _NW
_CS = 80
_NCHUNK = _EPW // _CS
_RPT = 632
_NPAD = _NS * _RPT


_NPAIR = (_NCHUNK - 1) // 2
_NB = 4
_NGRP = _NCHUNK // _NB - 1


def _seg_body(h_hbm, src_hbm, dst_hbm, z128_hbm,
              out_hbm,
              accum, *bufs):
    iss = bufs[0:4]
    ids = bufs[4:8]
    rws = bufs[8:12]
    gsem = bufs[12:16]
    ssem = bufs[16:20]
    cid = lax.axis_index("c")
    sid = lax.axis_index("s")
    wid = sid * _NC + cid
    base0 = wid * _EPW
    pltpu.sync_copy(z128_hbm, accum.at[pl.ds(sid * _RPT, _RPT)])
    plsc.subcore_barrier()

    def load(chunk, j):
        b = pl.multiple_of(base0 + chunk * _CS, 8)
        pltpu.sync_copy(src_hbm.at[pl.ds(b, _CS)], iss[j])
        pltpu.sync_copy(dst_hbm.at[pl.ds(b, _CS)], ids[j])

    def gstart(j):
        pltpu.async_copy(h_hbm.at[iss[j]], rws[j], gsem[j])

    def gwait(j):
        pltpu.make_async_copy(h_hbm.at[iss[j]], rws[j], gsem[j]).wait()

    def sstart(j):
        pltpu.async_copy(rws[j], accum.at[ids[j]], ssem[j], add=True)

    def swait(j):
        pltpu.make_async_copy(rws[j], accum.at[ids[j]], ssem[j]).wait()

    for j in range(_NB):
        load(j, j)
        gstart(j)

    def it(t, c):
        for j in range(_NB):
            gwait(j)
            sstart(j)
        for j in range(_NB):
            swait(j)
            load(_NB * t + _NB + j, j)
            gstart(j)
        return c

    lax.fori_loop(0, _NGRP, it, 0)
    for j in range(_NB):
        gwait(j)
        sstart(j)
    swait(0)
    load(_NCHUNK - 1, 0)
    gstart(0)
    gwait(0)
    sstart(0)
    swait(0)
    for j in range(1, _NB):
        swait(j)
    plsc.subcore_barrier()
    pltpu.sync_copy(accum.at[pl.ds(sid * _RPT, _RPT)],
                    out_hbm.at[cid, pl.ds(sid * _RPT, _RPT)])


def _deg_body(dst_hbm, ones_hbm, z128_hbm, out_hbm,
              degacc, id0, id1, ones_v, sem0, sem1):
    cid = lax.axis_index("c")
    sid = lax.axis_index("s")
    wid = sid * _NC + cid
    base0 = wid * _EPW
    pltpu.sync_copy(z128_hbm, degacc.at[pl.ds(sid * _RPT, _RPT)])
    pltpu.sync_copy(ones_hbm, ones_v)
    plsc.subcore_barrier()

    def load(chunk, idx_d):
        b = pl.multiple_of(base0 + chunk * _CS, 8)
        pltpu.sync_copy(dst_hbm.at[pl.ds(b, _CS)], idx_d)

    load(0, id0)
    pltpu.async_copy(ones_v, degacc.at[id0], sem0, add=True)

    def it(t, c):
        load(2 * t + 1, id1)
        pltpu.async_copy(ones_v, degacc.at[id1], sem1, add=True)
        pltpu.make_async_copy(ones_v, degacc.at[id0], sem0).wait()
        load(2 * t + 2, id0)
        pltpu.async_copy(ones_v, degacc.at[id0], sem0, add=True)
        pltpu.make_async_copy(ones_v, degacc.at[id1], sem1).wait()
        return c

    lax.fori_loop(0, _NPAIR, it, 0)
    pltpu.make_async_copy(ones_v, degacc.at[id0], sem0).wait()
    plsc.subcore_barrier()
    pltpu.sync_copy(degacc.at[pl.ds(sid * _RPT, _RPT)],
                    out_hbm.at[cid, pl.ds(sid * _RPT, _RPT)])


def _sc_mesh():
    return plsc.VectorSubcoreMesh(core_axis_name="c", subcore_axis_name="s")


def _seg(h, src, dst, z128):
    k = pl.kernel(
        _seg_body,
        mesh=_sc_mesh(),
        out_type=jax.ShapeDtypeStruct((_NC, _NPAD, H), F32),
        scratch_types=([pltpu.VMEM_SHARED((_NPAD, H), F32)]
                       + [pltpu.VMEM((_CS,), jnp.int32)] * 8
                       + [pltpu.VMEM((_CS, H), F32)] * 4
                       + [pltpu.SemaphoreType.DMA] * 8),
    )
    return k(h, src, dst, z128)


def _deg(dst, ones, z128):
    k = pl.kernel(
        _deg_body,
        mesh=_sc_mesh(),
        out_type=jax.ShapeDtypeStruct((_NC, _NPAD, H), F32),
        scratch_types=[
            pltpu.VMEM_SHARED((_NPAD, H), F32),
            pltpu.VMEM((_CS,), jnp.int32),
            pltpu.VMEM((_CS,), jnp.int32),
            pltpu.VMEM((_CS, H), F32),
            pltpu.SemaphoreType.DMA,
            pltpu.SemaphoreType.DMA,
        ],
    )
    return k(dst, ones, z128)



def _sage_body(p0_ref, p1_ref, d0_ref, d1_ref, h_ref, wl_ref, bl_ref,
               wr_ref, o_ref):
    deg = jnp.maximum((d0_ref[...] + d1_ref[...])[:, 0:1], 1.0)
    agg = (p0_ref[...] + p1_ref[...]) / deg
    dn = (((1,), (1,)), ((), ()))
    o = (lax.dot_general(agg, wl_ref[...], dn, preferred_element_type=F32)
         + bl_ref[...]
         + lax.dot_general(h_ref[...], wr_ref[...], dn,
                           preferred_element_type=F32))
    o_ref[...] = jnp.maximum(o, 0.0)


def _sage(p0, p1, d0, d1, h, Wl, bl, Wr):
    full = lambda shape: pl.BlockSpec(shape, lambda i: (0, 0))
    row = lambda w: pl.BlockSpec((_BP, w), lambda i: (i, 0))
    return pl.pallas_call(
        _sage_body,
        grid=(N // _BP,),
        in_specs=[row(H), row(H), row(H), row(H), row(H),
                  full((H, H)), full((1, H)), full((H, H))],
        out_specs=row(H),
        out_shape=jax.ShapeDtypeStruct((N, H), F32),
    )(p0, p1, d0, d1, h, Wl, bl.reshape(1, H), Wr)


def _cls_body(h_ref, wc_ref, bc_ref, g_ref, b_ref, o_ref):
    dn = (((1,), (1,)), ((), ()))
    o = lax.dot_general(h_ref[...], wc_ref[...], dn,
                        preferred_element_type=F32) + bc_ref[...]
    o_ref[...] = o * (g_ref[...] * (1.0 + EPS) ** -0.5) + b_ref[...]


def _cls(h, Wc, bc, gamma_c, beta_c):
    full = lambda shape: pl.BlockSpec(shape, lambda i: (0, 0))
    row = lambda w: pl.BlockSpec((_BP, w), lambda i: (i, 0))
    return pl.pallas_call(
        _cls_body,
        grid=(N // _BP,),
        in_specs=[row(H), full((C_OUT, H)), full((1, C_OUT)),
                  full((1, C_OUT)), full((1, C_OUT))],
        out_specs=row(C_OUT),
        out_shape=jax.ShapeDtypeStruct((N, C_OUT), F32),
    )(h, Wc, bc.reshape(1, C_OUT), gamma_c.reshape(1, C_OUT),
      beta_c.reshape(1, C_OUT))



def kernel(x, edge_index, W_img, b_img, W_txt, b_txt, Wq, bq, Wk, bk, Wv, bv,
           gamma_f, beta_f, Wl1, bl1, Wr1, Wl2, bl2, Wr2, Wc, bc,
           gamma_c, beta_c):
    src = edge_index[0]
    dst = edge_index[1]
    z128 = jnp.zeros((_RPT, H), F32)
    ones = jnp.ones((_CS, H), F32)
    dp = _deg(dst, ones, z128)

    img, q, k, v = _proj(x, W_img, b_img, W_txt, b_txt, Wq, bq, Wk, bk,
                         Wv, bv)
    h0 = _attn(q, k, v, img, gamma_f, beta_f)

    p1 = _seg(h0, src, dst, z128)
    h1 = _sage(p1[0], p1[1], dp[0], dp[1], h0, Wl1, bl1, Wr1)

    p2 = _seg(h1, src, dst, z128)
    h2 = _sage(p2[0], p2[1], dp[0], dp[1], h1, Wl2, bl2, Wr2)

    return _cls(h2, Wc, bc, gamma_c, beta_c)

# --- scband reference (transcript-rebuilt; emitter-appended) ---
"""Pipeline reference for scband-multi-modal-gnn-76751065579703 (READ-ONLY COPY).

The authoritative reference and input builder live on the scoring server;
editing this copy changes nothing except your own understanding.
"""

import jax, jax.numpy as jnp
import numpy as np

N = 10000
E = 320000
D = 128
H = 128
C = 40
EPS = 1e-5

def setup_inputs(seed: int = 0) -> dict:
    key = jax.random.key(seed)
    ks = jax.random.split(key, 32)
    def p(k, shape):
        return jax.random.normal(k, shape, dtype=jnp.float32) * 0.05
    inp = {}
    inp["x"] = jax.random.normal(ks[0], (N, 2 * D), dtype=jnp.float32)
    inp["edge_index"] = jax.random.randint(ks[1], (2, E), 0, N, dtype=jnp.int32)
    inp["W_img"] = p(ks[2], (H, D)); inp["b_img"] = p(ks[3], (H,))
    inp["W_txt"] = p(ks[4], (H, D)); inp["b_txt"] = p(ks[5], (H,))
    inp["Wq"] = p(ks[6], (H, H)); inp["bq"] = p(ks[7], (H,))
    inp["Wk"] = p(ks[8], (H, H)); inp["bk"] = p(ks[9], (H,))
    inp["Wv"] = p(ks[10], (H, H)); inp["bv"] = p(ks[11], (H,))
    inp["gamma_f"] = jnp.ones((H,), dtype=jnp.float32)
    inp["beta_f"] = jnp.zeros((H,), dtype=jnp.float32)
    inp["Wl1"] = p(ks[12], (H, H)); inp["bl1"] = p(ks[13], (H,)); inp["Wr1"] = p(ks[14], (H, H))
    inp["Wl2"] = p(ks[15], (H, H)); inp["bl2"] = p(ks[16], (H,)); inp["Wr2"] = p(ks[17], (H, H))
    inp["Wc"] = p(ks[18], (C, H)); inp["bc"] = p(ks[19], (C,))
    inp["gamma_c"] = jnp.ones((C,), dtype=jnp.float32)
    inp["beta_c"] = jnp.zeros((C,), dtype=jnp.float32)
    return inp

def _bn_eval(x, gamma, beta):
    # BatchNorm1d in eval mode with fresh running stats (mean=0, var=1)
    return (x / jnp.sqrt(1.0 + EPS)) * gamma + beta

def reference(x, edge_index, W_img, b_img, W_txt, b_txt, Wq, bq, Wk, bk, Wv, bv,
              gamma_f, beta_f, Wl1, bl1, Wr1, Wl2, bl2, Wr2, Wc, bc, gamma_c, beta_c):
    src = edge_index[0]
    dst = edge_index[1]
    image_x = x[:, :D]
    text_x = x[:, D:]
    img = jax.nn.relu(image_x @ W_img.T + b_img)
    txt = jax.nn.relu(text_x @ W_txt.T + b_txt)
    # CrossModalAttention (edge_index non-empty branch); dropout is identity in eval
    q = img @ Wq.T + bq
    k = txt @ Wk.T + bk
    v = txt @ Wv.T + bv
    attn = jax.nn.softmax((q @ k.T) * (H ** -0.5), axis=-1)
    attended = attn @ v
    h = img + attended
    h = jax.nn.relu(_bn_eval(h, gamma_f, beta_f))
    def sage(h_in, Wl, bl, Wr):
        # PyG SAGEConv: lin_l(mean_{j->i} x_j) + lin_r(x_i); only lin_l has bias
        msg = h_in[src]
        agg = jax.ops.segment_sum(msg, dst, num_segments=N)
        deg = jax.ops.segment_sum(jnp.ones((E,), dtype=h_in.dtype), dst, num_segments=N)
        agg = agg / jnp.maximum(deg, 1.0)[:, None]
        return agg @ Wl.T + bl + h_in @ Wr.T
    h = jax.nn.relu(sage(h, Wl1, bl1, Wr1))
    h = jax.nn.relu(sage(h, Wl2, bl2, Wr2))
    out = h @ Wc.T + bc
    out = _bn_eval(out, gamma_c, beta_c)  # N > 1 so bn_classifier applies
    return out

if __name__ == "__main__":
    import jax
    _d = setup_inputs()
    print(jax.jit(kernel)(*tuple(_d.values())))

</pallas_src>

<mosaic_0001>
#map = affine_map<(d0, d1) -> (0)>
#map1 = affine_map<(d0, d1) -> (0, 0)>
#map2 = affine_map<(d0, d1) -> (0, 0, 0)>
module attributes {stable_mosaic.version = 14 : i64} {
  func.func @_deg_body(%arg0: i32, %arg1: i32, %arg2: memref<320000xi32, #tpu.memory_space<hbm>>, %arg3: memref<80x128xf32, #tpu.memory_space<hbm>>, %arg4: memref<632x128xf32, #tpu.memory_space<hbm>>, %arg5: memref<2x10112x128xf32, #tpu.memory_space<hbm>>, %arg6: memref<10112x128xf32, #tpu.memory_space<vmem_shared>>, %arg7: memref<80xi32, #tpu.memory_space<vmem>>, %arg8: memref<80xi32, #tpu.memory_space<vmem>>, %arg9: memref<80x128xf32, #tpu.memory_space<vmem>>, %arg10: memref<!tpu.dma_semaphore, #tpu.memory_space<semaphore_mem>>, %arg11: memref<!tpu.dma_semaphore, #tpu.memory_space<semaphore_mem>>) attributes {dimension_semantics = [#tpu.dimension_semantics<core_parallel>, #tpu.dimension_semantics<subcore_parallel>], iteration_bounds = array<i64: 2, 16>, scalar_prefetch = 0 : i64, scratch_operands = 6 : i64, tpu.core_type = #tpu.core_type<sc_vector_subcore>, window_params = [{transform_indices = #map}, {transform_indices = #map1}, {transform_indices = #map1}, {transform_indices = #map2}]} {
    %mul3A = arith.constant 2 : i32
    %mul3A_0 = arith.muli %arg1, %mul3A : i32
    %add3A = arith.addi %mul3A_0, %arg0 : i32
    %mul3A_1 = arith.constant 10000 : i32
    %mul3A_2 = arith.muli %add3A, %mul3A_1 : i32
    %mul3A_3 = arith.constant 632 : i32
    %mul3A_4 = arith.muli %arg1, %mul3A_3 : i32
    "tpu.region"() ({
      %run_scoped3A = tpu.sem_alloc : memref<!tpu.dma_semaphore, #tpu.memory_space<semaphore_mem>>
      %dma_start3A_21 = arith.constant 0 : i32
      %dma_start3A_22 = tpu.memref_slice %arg6[%mul3A_4, %dma_start3A_21] : memref<10112x128xf32, #tpu.memory_space<vmem_shared>> -> memref<632x128xf32, #tpu.memory_space<vmem_shared>>
      tpu.enqueue_dma source(%arg4 : memref<632x128xf32, #tpu.memory_space<hbm>>) target(%dma_start3A_22 : memref<632x128xf32, #tpu.memory_space<vmem_shared>>) target_semaphore(%run_scoped3A : memref<!tpu.dma_semaphore, #tpu.memory_space<semaphore_mem>>)
      %dma_wait3A_23 = arith.constant 0 : i32
      %dma_wait3A_24 = tpu.memref_slice %arg6[%mul3A_4, %dma_wait3A_23] : memref<10112x128xf32, #tpu.memory_space<vmem_shared>> -> memref<632x128xf32, #tpu.memory_space<vmem_shared>>
      tpu.wait_dma2 semaphore(%run_scoped3A : memref<!tpu.dma_semaphore, #tpu.memory_space<semaphore_mem>>) src(%arg4 : memref<632x128xf32, #tpu.memory_space<hbm>>) dst(%dma_wait3A_24 : memref<632x128xf32, #tpu.memory_space<vmem_shared>>)
      tpu.yield
    }) : () -> ()
    "tpu.region"() ({
      %run_scoped3A = tpu.sem_alloc : memref<!tpu.dma_semaphore, #tpu.memory_space<semaphore_mem>>
      tpu.enqueue_dma source(%arg3 : memref<80x128xf32, #tpu.memory_space<hbm>>) target(%arg9 : memref<80x128xf32, #tpu.memory_space<vmem>>) target_semaphore(%run_scoped3A : memref<!tpu.dma_semaphore, #tpu.memory_space<semaphore_mem>>)
      tpu.wait_dma2 semaphore(%run_scoped3A : memref<!tpu.dma_semaphore, #tpu.memory_space<semaphore_mem>>) src(%arg3 : memref<80x128xf32, #tpu.memory_space<hbm>>) dst(%arg9 : memref<80x128xf32, #tpu.memory_space<vmem>>)
      tpu.yield
    }) : () -> ()
    %barrier3A = arith.constant 0 : index
    tpu.barrier barrier_id(%barrier3A)
    %add3A_5 = arith.constant 0 : i32
    %add3A_6 = arith.addi %mul3A_2, %add3A_5 : i32
    %multiple_of3A = tpu.assume_multiple %add3A_6, 8 : i32
    "tpu.region"() ({
      %run_scoped3A = tpu.sem_alloc : memref<!tpu.dma_semaphore, #tpu.memory_space<semaphore_mem>>
      %dma_start3A_21 = tpu.memref_slice %arg2[%multiple_of3A] : memref<320000xi32, #tpu.memory_space<hbm>> -> memref<80xi32, #tpu.memory_space<hbm>>
      %dma_start3A_22 = tpu.memref_slice %arg2[%multiple_of3A] : memref<320000xi32, #tpu.memory_space<hbm>> -> memref<80xi32, #tpu.memory_space<hbm>>
      tpu.enqueue_dma source(%dma_start3A_22 : memref<80xi32, #tpu.memory_space<hbm>>) target(%arg7 : memref<80xi32, #tpu.memory_space<vmem>>) target_semaphore(%run_scoped3A : memref<!tpu.dma_semaphore, #tpu.memory_space<semaphore_mem>>)
      %dma_wait3A_23 = tpu.memref_slice %arg2[%multiple_of3A] : memref<320000xi32, #tpu.memory_space<hbm>> -> memref<80xi32, #tpu.memory_space<hbm>>
      %dma_wait3A_24 = tpu.memref_slice %arg2[%multiple_of3A] : memref<320000xi32, #tpu.memory_space<hbm>> -> memref<80xi32, #tpu.memory_space<hbm>>
      tpu.wait_dma2 semaphore(%run_scoped3A : memref<!tpu.dma_semaphore, #tpu.memory_space<semaphore_mem>>) src(%dma_wait3A_24 : memref<80xi32, #tpu.memory_space<hbm>>) dst(%arg7 : memref<80xi32, #tpu.memory_space<vmem>>)
      tpu.yield
    }) : () -> ()
    %dma_start3A = arith.constant 0 : i32
    %dma_start3A_7 = arith.constant 0 : i32
    %dma_start3A_8 = tpu.memref_slice %arg6[%dma_start3A, %dma_start3A_7] : memref<10112x128xf32, #tpu.memory_space<vmem_shared>> -> memref<10112x128xf32, #tpu.memory_space<vmem_shared>>
    tpu.enqueue_indirect_dma source(%arg9 : memref<80x128xf32, #tpu.memory_space<vmem>>) target(%dma_start3A_8 : memref<10112x128xf32, #tpu.memory_space<vmem_shared>>) offsets(%arg7 : memref<80xi32, #tpu.memory_space<vmem>>) semaphore(%arg10 : memref<!tpu.dma_semaphore, #tpu.memory_space<semaphore_mem>>) {add = true}
    %scan3A = arith.constant 0 : i32
    %scan3A_9 = arith.constant 0 : i32
    %scan3A_10 = arith.constant 62 : i32
    %scan3A_11 = arith.addi %scan3A_9, %scan3A_10 : i32
    %scan3A_12 = arith.constant 1 : i32
    scf.for %scan3A_21 = %scan3A_9 to %scan3A_11 step %scan3A_12  : i32 {
      %mul3A_22 = arith.constant 2 : i32
      %mul3A_23 = arith.muli %mul3A_22, %scan3A_21 : i32
      %add3A_24 = arith.constant 1 : i32
      %add3A_25 = arith.addi %mul3A_23, %add3A_24 : i32
      %mul3A_26 = arith.constant 80 : i32
      %mul3A_27 = arith.muli %add3A_25, %mul3A_26 : i32
      %add3A_28 = arith.addi %mul3A_2, %mul3A_27 : i32
      %multiple_of3A_29 = tpu.assume_multiple %add3A_28, 8 : i32
      "tpu.region"() ({
        %run_scoped3A = tpu.sem_alloc : memref<!tpu.dma_semaphore, #tpu.memory_space<semaphore_mem>>
        %dma_start3A_50 = tpu.memref_slice %arg2[%multiple_of3A_29] : memref<320000xi32, #tpu.memory_space<hbm>> -> memref<80xi32, #tpu.memory_space<hbm>>
        %dma_start3A_51 = tpu.memref_slice %arg2[%multiple_of3A_29] : memref<320000xi32, #tpu.memory_space<hbm>> -> memref<80xi32, #tpu.memory_space<hbm>>
        tpu.enqueue_dma source(%dma_start3A_51 : memref<80xi32, #tpu.memory_space<hbm>>) target(%arg8 : memref<80xi32, #tpu.memory_space<vmem>>) target_semaphore(%run_scoped3A : memref<!tpu.dma_semaphore, #tpu.memory_space<semaphore_mem>>)
        %dma_wait3A_52 = tpu.memref_slice %arg2[%multiple_of3A_29] : memref<320000xi32, #tpu.memory_space<hbm>> -> memref<80xi32, #tpu.memory_space<hbm>>
        %dma_wait3A_53 = tpu.memref_slice %arg2[%multiple_of3A_29] : memref<320000xi32, #tpu.memory_space<hbm>> -> memref<80xi32, #tpu.memory_space<hbm>>
        tpu.wait_dma2 semaphore(%run_scoped3A : memref<!tpu.dma_semaphore, #tpu.memory_space<semaphore_mem>>) src(%dma_wait3A_53 : memref<80xi32, #tpu.memory_space<hbm>>) dst(%arg8 : memref<80xi32, #tpu.memory_space<vmem>>)
        tpu.yield
      }) : () -> ()
      %dma_start3A_30 = arith.constant 0 : i32
      %dma_start3A_31 = arith.constant 0 : i32
      %dma_start3A_32 = tpu.memref_slice %arg6[%dma_start3A_30, %dma_start3A_31] : memref<10112x128xf32, #tpu.memory_space<vmem_shared>> -> memref<10112x128xf32, #tpu.memory_space<vmem_shared>>
      tpu.enqueue_indirect_dma source(%arg9 : memref<80x128xf32, #tpu.memory_space<vmem>>) target(%dma_start3A_32 : memref<10112x128xf32, #tpu.memory_space<vmem_shared>>) offsets(%arg8 : memref<80xi32, #tpu.memory_space<vmem>>) semaphore(%arg11 : memref<!tpu.dma_semaphore, #tpu.memory_space<semaphore_mem>>) {add = true}
      %dma_wait3A_33 = arith.constant 0 : i32
      %dma_wait3A_34 = arith.constant 0 : i32
      %dma_wait3A_35 = tpu.memref_slice %arg6[%dma_wait3A_33, %dma_wait3A_34] : memref<10112x128xf32, #tpu.memory_space<vmem_shared>> -> memref<10112x128xf32, #tpu.memory_space<vmem_shared>>
      tpu.wait_indirect_dma semaphore(%arg10 : memref<!tpu.dma_semaphore, #tpu.memory_space<semaphore_mem>>) src(%arg9 : memref<80x128xf32, #tpu.memory_space<vmem>>) dst(%dma_wait3A_35 : memref<10112x128xf32, #tpu.memory_space<vmem_shared>>)
      %mul3A_36 = arith.constant 2 : i32
      %mul3A_37 = arith.muli %mul3A_36, %scan3A_21 : i32
      %add3A_38 = arith.constant 2 : i32
      %add3A_39 = arith.addi %mul3A_37, %add3A_38 : i32
      %mul3A_40 = arith.constant 80 : i32
      %mul3A_41 = arith.muli %add3A_39, %mul3A_40 : i32
      %add3A_42 = arith.addi %mul3A_2, %mul3A_41 : i32
      %multiple_of3A_43 = tpu.assume_multiple %add3A_42, 8 : i32
      "tpu.region"() ({
        %run_scoped3A = tpu.sem_alloc : memref<!tpu.dma_semaphore, #tpu.memory_space<semaphore_mem>>
        %dma_start3A_50 = tpu.memref_slice %arg2[%multiple_of3A_43] : memref<320000xi32, #tpu.memory_space<hbm>> -> memref<80xi32, #tpu.memory_space<hbm>>
        %dma_start3A_51 = tpu.memref_slice %arg2[%multiple_of3A_43] : memref<320000xi32, #tpu.memory_space<hbm>> -> memref<80xi32, #tpu.memory_space<hbm>>
        tpu.enqueue_dma source(%dma_start3A_51 : memref<80xi32, #tpu.memory_space<hbm>>) target(%arg7 : memref<80xi32, #tpu.memory_space<vmem>>) target_semaphore(%run_scoped3A : memref<!tpu.dma_semaphore, #tpu.memory_space<semaphore_mem>>)
        %dma_wait3A_52 = tpu.memref_slice %arg2[%multiple_of3A_43] : memref<320000xi32, #tpu.memory_space<hbm>> -> memref<80xi32, #tpu.memory_space<hbm>>
        %dma_wait3A_53 = tpu.memref_slice %arg2[%multiple_of3A_43] : memref<320000xi32, #tpu.memory_space<hbm>> -> memref<80xi32, #tpu.memory_space<hbm>>
        tpu.wait_dma2 semaphore(%run_scoped3A : memref<!tpu.dma_semaphore, #tpu.memory_space<semaphore_mem>>) src(%dma_wait3A_53 : memref<80xi32, #tpu.memory_space<hbm>>) dst(%arg7 : memref<80xi32, #tpu.memory_space<vmem>>)
        tpu.yield
      }) : () -> ()
      %dma_start3A_44 = arith.constant 0 : i32
      %dma_start3A_45 = arith.constant 0 : i32
      %dma_start3A_46 = tpu.memref_slice %arg6[%dma_start3A_44, %dma_start3A_45] : memref<10112x128xf32, #tpu.memory_space<vmem_shared>> -> memref<10112x128xf32, #tpu.memory_space<vmem_shared>>
      tpu.enqueue_indirect_dma source(%arg9 : memref<80x128xf32, #tpu.memory_space<vmem>>) target(%dma_start3A_46 : memref<10112x128xf32, #tpu.memory_space<vmem_shared>>) offsets(%arg7 : memref<80xi32, #tpu.memory_space<vmem>>) semaphore(%arg10 : memref<!tpu.dma_semaphore, #tpu.memory_space<semaphore_mem>>) {add = true}
      %dma_wait3A_47 = arith.constant 0 : i32
      %dma_wait3A_48 = arith.constant 0 : i32
      %dma_wait3A_49 = tpu.memref_slice %arg6[%dma_wait3A_47, %dma_wait3A_48] : memref<10112x128xf32, #tpu.memory_space<vmem_shared>> -> memref<10112x128xf32, #tpu.memory_space<vmem_shared>>
      tpu.wait_indirect_dma semaphore(%arg11 : memref<!tpu.dma_semaphore, #tpu.memory_space<semaphore_mem>>) src(%arg9 : memref<80x128xf32, #tpu.memory_space<vmem>>) dst(%dma_wait3A_49 : memref<10112x128xf32, #tpu.memory_space<vmem_shared>>)
    }
    %scan3A_13 = arith.constant 62 : i32
    %dma_wait3A = arith.constant 0 : i32
    %dma_wait3A_14 = arith.constant 0 : i32
    %dma_wait3A_15 = tpu.memref_slice %arg6[%dma_wait3A, %dma_wait3A_14] : memref<10112x128xf32, #tpu.memory_space<vmem_shared>> -> memref<10112x128xf32, #tpu.memory_space<vmem_shared>>
    tpu.wait_indirect_dma semaphore(%arg10 : memref<!tpu.dma_semaphore, #tpu.memory_space<semaphore_mem>>) src(%arg9 : memref<80x128xf32, #tpu.memory_space<vmem>>) dst(%dma_wait3A_15 : memref<10112x128xf32, #tpu.memory_space<vmem_shared>>)
    %barrier3A_16 = arith.constant 0 : index
    tpu.barrier barrier_id(%barrier3A_16)
    %mul3A_17 = arith.constant 632 : i32
    %mul3A_18 = arith.muli %arg1, %mul3A_17 : i32
    %mul3A_19 = arith.constant 632 : i32
    %mul3A_20 = arith.muli %arg1, %mul3A_19 : i32
    "tpu.region"() ({
      %run_scoped3A = tpu.sem_alloc : memref<!tpu.dma_semaphore, #tpu.memory_space<semaphore_mem>>
      %dma_start3A_21 = arith.constant 0 : i32
      %dma_start3A_22 = tpu.memref_slice %arg5[%arg0, %mul3A_20, %dma_start3A_21] : memref<2x10112x128xf32, #tpu.memory_space<hbm>> -> memref<1x632x128xf32, #tpu.memory_space<hbm>>
      %dma_start3A_23 = tpu.memref_squeeze %dma_start3A_22 : memref<1x632x128xf32, #tpu.memory_space<hbm>> -> memref<632x128xf32, #tpu.memory_space<hbm>>
      %dma_start3A_24 = arith.constant 0 : i32
      %dma_start3A_25 = tpu.memref_slice %arg6[%mul3A_18, %dma_start3A_24] : memref<10112x128xf32, #tpu.memory_space<vmem_shared>> -> memref<632x128xf32, #tpu.memory_space<vmem_shared>>
      tpu.enqueue_dma source(%dma_start3A_25 : memref<632x128xf32, #tpu.memory_space<vmem_shared>>) target(%dma_start3A_23 : memref<632x128xf32, #tpu.memory_space<hbm>>) target_semaphore(%run_scoped3A : memref<!tpu.dma_semaphore, #tpu.memory_space<semaphore_mem>>)
      %dma_wait3A_26 = arith.constant 0 : i32
      %dma_wait3A_27 = tpu.memref_slice %arg5[%arg0, %mul3A_20, %dma_wait3A_26] : memref<2x10112x128xf32, #tpu.memory_space<hbm>> -> memref<1x632x128xf32, #tpu.memory_space<hbm>>
      %dma_wait3A_28 = tpu.memref_squeeze %dma_wait3A_27 : memref<1x632x128xf32, #tpu.memory_space<hbm>> -> memref<632x128xf32, #tpu.memory_space<hbm>>
      %dma_wait3A_29 = arith.constant 0 : i32
      %dma_wait3A_30 = tpu.memref_slice %arg6[%mul3A_18, %dma_wait3A_29] : memref<10112x128xf32, #tpu.memory_space<vmem_shared>> -> memref<632x128xf32, #tpu.memory_space<vmem_shared>>
      tpu.wait_dma2 semaphore(%run_scoped3A : memref<!tpu.dma_semaphore, #tpu.memory_space<semaphore_mem>>) src(%dma_wait3A_30 : memref<632x128xf32, #tpu.memory_space<vmem_shared>>) dst(%dma_wait3A_28 : memref<632x128xf32, #tpu.memory_space<hbm>>)
      tpu.yield
    }) : () -> ()
    return
  }
}

#map = affine_map<(d0, d1) -> (0, 0)>
#map1 = affine_map<(d0, d1) -> (0)>
#map2 = affine_map<(d0, d1) -> (0, 0, 0)>
module attributes {stable_mosaic.version = 14 : i64} {
  func.func @_seg_body(%arg0: i32, %arg1: i32, %arg2: memref<10000x128xf32, #tpu.memory_space<hbm>>, %arg3: memref<320000xi32, #tpu.memory_space<hbm>>, %arg4: memref<320000xi32, #tpu.memory_space<hbm>>, %arg5: memref<632x128xf32, #tpu.memory_space<hbm>>, %arg6: memref<2x10112x128xf32, #tpu.memory_space<hbm>>, %arg7: memref<10112x128xf32, #tpu.memory_space<vmem_shared>>, %arg8: memref<80xi32, #tpu.memory_space<vmem>>, %arg9: memref<80xi32, #tpu.memory_space<vmem>>, %arg10: memref<80xi32, #tpu.memory_space<vmem>>, %arg11: memref<80xi32, #tpu.memory_space<vmem>>, %arg12: memref<80xi32, #tpu.memory_space<vmem>>, %arg13: memref<80xi32, #tpu.memory_space<vmem>>, %arg14: memref<80xi32, #tpu.memory_space<vmem>>, %arg15: memref<80xi32, #tpu.memory_space<vmem>>, %arg16: memref<80x128xf32, #tpu.memory_space<vmem>>, %arg17: memref<80x128xf32, #tpu.memory_space<vmem>>, %arg18: memref<80x128xf32, #tpu.memory_space<vmem>>, %arg19: memref<80x128xf32, #tpu.memory_space<vmem>>, %arg20: memref<!tpu.dma_semaphore, #tpu.memory_space<semaphore_mem>>, %arg21: memref<!tpu.dma_semaphore, #tpu.memory_space<semaphore_mem>>, %arg22: memref<!tpu.dma_semaphore, #tpu.memory_space<semaphore_mem>>, %arg23: memref<!tpu.dma_semaphore, #tpu.memory_space<semaphore_mem>>, %arg24: memref<!tpu.dma_semaphore, #tpu.memory_space<semaphore_mem>>, %arg25: memref<!tpu.dma_semaphore, #tpu.memory_space<semaphore_mem>>, %arg26: memref<!tpu.dma_semaphore, #tpu.memory_space<semaphore_mem>>, %arg27: memref<!tpu.dma_semaphore, #tpu.memory_space<semaphore_mem>>) attributes {dimension_semantics = [#tpu.dimension_semantics<core_parallel>, #tpu.dimension_semantics<subcore_parallel>], iteration_bounds = array<i64: 2, 16>, scalar_prefetch = 0 : i64, scratch_operands = 21 : i64, tpu.core_type = #tpu.core_type<sc_vector_subcore>, window_params = [{transform_indices = #map}, {transform_indices = #map1}, {transform_indices = #map1}, {transform_indices = #map}, {transform_indices = #map2}]} {
    %mul3A = arith.constant 2 : i32
    %mul3A_0 = arith.muli %arg1, %mul3A : i32
    %add3A = arith.addi %mul3A_0, %arg0 : i32
    %mul3A_1 = arith.constant 10000 : i32
    %mul3A_2 = arith.muli %add3A, %mul3A_1 : i32
    %mul3A_3 = arith.constant 632 : i32
    %mul3A_4 = arith.muli %arg1, %mul3A_3 : i32
    "tpu.region"() ({
      %run_scoped3A = tpu.sem_alloc : memref<!tpu.dma_semaphore, #tpu.memory_space<semaphore_mem>>
      %dma_start3A_87 = arith.constant 0 : i32
      %dma_start3A_88 = tpu.memref_slice %arg7[%mul3A_4, %dma_start3A_87] : memref<10112x128xf32, #tpu.memory_space<vmem_shared>> -> memref<632x128xf32, #tpu.memory_space<vmem_shared>>
      tpu.enqueue_dma source(%arg5 : memref<632x128xf32, #tpu.memory_space<hbm>>) target(%dma_start3A_88 : memref<632x128xf32, #tpu.memory_space<vmem_shared>>) target_semaphore(%run_scoped3A : memref<!tpu.dma_semaphore, #tpu.memory_space<semaphore_mem>>)
      %dma_wait3A_89 = arith.constant 0 : i32
      %dma_wait3A_90 = tpu.memref_slice %arg7[%mul3A_4, %dma_wait3A_89] : memref<10112x128xf32, #tpu.memory_space<vmem_shared>> -> memref<632x128xf32, #tpu.memory_space<vmem_shared>>
      tpu.wait_dma2 semaphore(%run_scoped3A : memref<!tpu.dma_semaphore, #tpu.memory_space<semaphore_mem>>) src(%arg5 : memref<632x128xf32, #tpu.memory_space<hbm>>) dst(%dma_wait3A_90 : memref<632x128xf32, #tpu.memory_space<vmem_shared>>)
      tpu.yield
    }) : () -> ()
    %barrier3A = arith.constant 0 : index
    tpu.barrier barrier_id(%barrier3A)
    %add3A_5 = arith.constant 0 : i32
    %add3A_6 = arith.addi %mul3A_2, %add3A_5 : i32
    %multiple_of3A = tpu.assume_multiple %add3A_6, 8 : i32
    "tpu.region"() ({
      %run_scoped3A = tpu.sem_alloc : memref<!tpu.dma_semaphore, #tpu.memory_space<semaphore_mem>>
      %dma_start3A_87 = tpu.memref_slice %arg3[%multiple_of3A] : memref<320000xi32, #tpu.memory_space<hbm>> -> memref<80xi32, #tpu.memory_space<hbm>>
      %dma_start3A_88 = tpu.memref_slice %arg3[%multiple_of3A] : memref<320000xi32, #tpu.memory_space<hbm>> -> memref<80xi32, #tpu.memory_space<hbm>>
      tpu.enqueue_dma source(%dma_start3A_88 : memref<80xi32, #tpu.memory_space<hbm>>) target(%arg8 : memref<80xi32, #tpu.memory_space<vmem>>) target_semaphore(%run_scoped3A : memref<!tpu.dma_semaphore, #tpu.memory_space<semaphore_mem>>)
      %dma_wait3A_89 = tpu.memref_slice %arg3[%multiple_of3A] : memref<320000xi32, #tpu.memory_space<hbm>> -> memref<80xi32, #tpu.memory_space<hbm>>
      %dma_wait3A_90 = tpu.memref_slice %arg3[%multiple_of3A] : memref<320000xi32, #tpu.memory_space<hbm>> -> memref<80xi32, #tpu.memory_space<hbm>>
      tpu.wait_dma2 semaphore(%run_scoped3A : memref<!tpu.dma_semaphore, #tpu.memory_space<semaphore_mem>>) src(%dma_wait3A_90 : memref<80xi32, #tpu.memory_space<hbm>>) dst(%arg8 : memref<80xi32, #tpu.memory_space<vmem>>)
      tpu.yield
    }) : () -> ()
    "tpu.region"() ({
      %run_scoped3A = tpu.sem_alloc : memref<!tpu.dma_semaphore, #tpu.memory_space<semaphore_mem>>
      %dma_start3A_87 = tpu.memref_slice %arg4[%multiple_of3A] : memref<320000xi32, #tpu.memory_space<hbm>> -> memref<80xi32, #tpu.memory_space<hbm>>
      %dma_start3A_88 = tpu.memref_slice %arg4[%multiple_of3A] : memref<320000xi32, #tpu.memory_space<hbm>> -> memref<80xi32, #tpu.memory_space<hbm>>
      tpu.enqueue_dma source(%dma_start3A_88 : memref<80xi32, #tpu.memory_space<hbm>>) target(%arg12 : memref<80xi32, #tpu.memory_space<vmem>>) target_semaphore(%run_scoped3A : memref<!tpu.dma_semaphore, #tpu.memory_space<semaphore_mem>>)
      %dma_wait3A_89 = tpu.memref_slice %arg4[%multiple_of3A] : memref<320000xi32, #tpu.memory_space<hbm>> -> memref<80xi32, #tpu.memory_space<hbm>>
      %dma_wait3A_90 = tpu.memref_slice %arg4[%multiple_of3A] : memref<320000xi32, #tpu.memory_space<hbm>> -> memref<80xi32, #tpu.memory_space<hbm>>
      tpu.wait_dma2 semaphore(%run_scoped3A : memref<!tpu.dma_semaphore, #tpu.memory_space<semaphore_mem>>) src(%dma_wait3A_90 : memref<80xi32, #tpu.memory_space<hbm>>) dst(%arg12 : memref<80xi32, #tpu.memory_space<vmem>>)
      tpu.yield
    }) : () -> ()
    %dma_start3A = arith.constant 0 : i32
    %dma_start3A_7 = arith.constant 0 : i32
    %dma_start3A_8 = tpu.memref_slice %arg2[%dma_start3A, %dma_start3A_7] : memref<10000x128xf32, #tpu.memory_space<hbm>> -> memref<10000x128xf32, #tpu.memory_space<hbm>>
    tpu.enqueue_indirect_dma source(%dma_start3A_8 : memref<10000x128xf32, #tpu.memory_space<hbm>>) target(%arg16 : memref<80x128xf32, #tpu.memory_space<vmem>>) offsets(%arg8 : memref<80xi32, #tpu.memory_space<vmem>>) semaphore(%arg20 : memref<!tpu.dma_semaphore, #tpu.memory_space<semaphore_mem>>)
    %add3A_9 = arith.constant 80 : i32
    %add3A_10 = arith.addi %mul3A_2, %add3A_9 : i32
    %multiple_of3A_11 = tpu.assume_multiple %add3A_10, 8 : i32
    "tpu.region"() ({
      %run_scoped3A = tpu.sem_alloc : memref<!tpu.dma_semaphore, #tpu.memory_space<semaphore_mem>>
      %dma_start3A_87 = tpu.memref_slice %arg3[%multiple_of3A_11] : memref<320000xi32, #tpu.memory_space<hbm>> -> memref<80xi32, #tpu.memory_space<hbm>>
      %dma_start3A_88 = tpu.memref_slice %arg3[%multiple_of3A_11] : memref<320000xi32, #tpu.memory_space<hbm>> -> memref<80xi32, #tpu.memory_space<hbm>>
      tpu.enqueue_dma source(%dma_start3A_88 : memref<80xi32, #tpu.memory_space<hbm>>) target(%arg9 : memref<80xi32, #tpu.memory_space<vmem>>) target_semaphore(%run_scoped3A : memref<!tpu.dma_semaphore, #tpu.memory_space<semaphore_mem>>)
      %dma_wait3A_89 = tpu.memref_slice %arg3[%multiple_of3A_11] : memref<320000xi32, #tpu.memory_space<hbm>> -> memref<80xi32, #tpu.memory_space<hbm>>
      %dma_wait3A_90 = tpu.memref_slice %arg3[%multiple_of3A_11] : memref<320000xi32, #tpu.memory_space<hbm>> -> memref<80xi32, #tpu.memory_space<hbm>>
      tpu.wait_dma2 semaphore(%run_scoped3A : memref<!tpu.dma_semaphore, #tpu.memory_space<semaphore_mem>>) src(%dma_wait3A_90 : memref<80xi32, #tpu.memory_space<hbm>>) dst(%arg9 : memref<80xi32, #tpu.memory_space<vmem>>)
      tpu.yield
    }) : () -> ()
    "tpu.region"() ({
      %run_scoped3A = tpu.sem_alloc : memref<!tpu.dma_semaphore, #tpu.memory_space<semaphore_mem>>
      %dma_start3A_87 = tpu.memref_slice %arg4[%multiple_of3A_11] : memref<320000xi32, #tpu.memory_space<hbm>> -> memref<80xi32, #tpu.memory_space<hbm>>
      %dma_start3A_88 = tpu.memref_slice %arg4[%multiple_of3A_11] : memref<320000xi32, #tpu.memory_space<hbm>> -> memref<80xi32, #tpu.memory_space<hbm>>
      tpu.enqueue_dma source(%dma_start3A_88 : memref<80xi32, #tpu.memory_space<hbm>>) target(%arg13 : memref<80xi32, #tpu.memory_space<vmem>>) target_semaphore(%run_scoped3A : memref<!tpu.dma_semaphore, #tpu.memory_space<semaphore_mem>>)
      %dma_wait3A_89 = tpu.memref_slice %arg4[%multiple_of3A_11] : memref<320000xi32, #tpu.memory_space<hbm>> -> memref<80xi32, #tpu.memory_space<hbm>>
      %dma_wait3A_90 = tpu.memref_slice %arg4[%multiple_of3A_11] : memref<320000xi32, #tpu.memory_space<hbm>> -> memref<80xi32, #tpu.memory_space<hbm>>
      tpu.wait_dma2 semaphore(%run_scoped3A : memref<!tpu.dma_semaphore, #tpu.memory_space<semaphore_mem>>) src(%dma_wait3A_90 : memref<80xi32, #tpu.memory_space<hbm>>) dst(%arg13 : memref<80xi32, #tpu.memory_space<vmem>>)
      tpu.yield
    }) : () -> ()
    %dma_start3A_12 = arith.constant 0 : i32
    %dma_start3A_13 = arith.constant 0 : i32
    %dma_start3A_14 = tpu.memref_slice %arg2[%dma_start3A_12, %dma_start3A_13] : memref<10000x128xf32, #tpu.memory_space<hbm>> -> memref<10000x128xf32, #tpu.memory_space<hbm>>
    tpu.enqueue_indirect_dma source(%dma_start3A_14 : memref<10000x128xf32, #tpu.memory_space<hbm>>) target(%arg17 : memref<80x128xf32, #tpu.memory_space<vmem>>) offsets(%arg9 : memref<80xi32, #tpu.memory_space<vmem>>) semaphore(%arg21 : memref<!tpu.dma_semaphore, #tpu.memory_space<semaphore_mem>>)
    %add3A_15 = arith.constant 160 : i32
    %add3A_16 = arith.addi %mul3A_2, %add3A_15 : i32
    %multiple_of3A_17 = tpu.assume_multiple %add3A_16, 8 : i32
    "tpu.region"() ({
      %run_scoped3A = tpu.sem_alloc : memref<!tpu.dma_semaphore, #tpu.memory_space<semaphore_mem>>
      %dma_start3A_87 = tpu.memref_slice %arg3[%multiple_of3A_17] : memref<320000xi32, #tpu.memory_space<hbm>> -> memref<80xi32, #tpu.memory_space<hbm>>
      %dma_start3A_88 = tpu.memref_slice %arg3[%multiple_of3A_17] : memref<320000xi32, #tpu.memory_space<hbm>> -> memref<80xi32, #tpu.memory_space<hbm>>
      tpu.enqueue_dma source(%dma_start3A_88 : memref<80xi32, #tpu.memory_space<hbm>>) target(%arg10 : memref<80xi32, #tpu.memory_space<vmem>>) target_semaphore(%run_scoped3A : memref<!tpu.dma_semaphore, #tpu.memory_space<semaphore_mem>>)
      %dma_wait3A_89 = tpu.memref_slice %arg3[%multiple_of3A_17] : memref<320000xi32, #tpu.memory_space<hbm>> -> memref<80xi32, #tpu.memory_space<hbm>>
      %dma_wait3A_90 = tpu.memref_slice %arg3[%multiple_of3A_17] : memref<320000xi32, #tpu.memory_space<hbm>> -> memref<80xi32, #tpu.memory_space<hbm>>
      tpu.wait_dma2 semaphore(%run_scoped3A : memref<!tpu.dma_semaphore, #tpu.memory_space<semaphore_mem>>) src(%dma_wait3A_90 : memref<80xi32, #tpu.memory_space<hbm>>) dst(%arg10 : memref<80xi32, #tpu.memory_space<vmem>>)
      tpu.yield
    }) : () -> ()
    "tpu.region"() ({
      %run_scoped3A = tpu.sem_alloc : memref<!tpu.dma_semaphore, #tpu.memory_space<semaphore_mem>>
      %dma_start3A_87 = tpu.memref_slice %arg4[%multiple_of3A_17] : memref<320000xi32, #tpu.memory_space<hbm>> -> memref<80xi32, #tpu.memory_space<hbm>>
      %dma_start3A_88 = tpu.memref_slice %arg4[%multiple_of3A_17] : memref<320000xi32, #tpu.memory_space<hbm>> -> memref<80xi32, #tpu.memory_space<hbm>>
      tpu.enqueue_dma source(%dma_start3A_88 : memref<80xi32, #tpu.memory_space<hbm>>) target(%arg14 : memref<80xi32, #tpu.memory_space<vmem>>) target_semaphore(%run_scoped3A : memref<!tpu.dma_semaphore, #tpu.memory_space<semaphore_mem>>)
      %dma_wait3A_89 = tpu.memref_slice %arg4[%multiple_of3A_17] : memref<320000xi32, #tpu.memory_space<hbm>> -> memref<80xi32, #tpu.memory_space<hbm>>
      %dma_wait3A_90 = tpu.memref_slice %arg4[%multiple_of3A_17] : memref<320000xi32, #tpu.memory_space<hbm>> -> memref<80xi32, #tpu.memory_space<hbm>>
      tpu.wait_dma2 semaphore(%run_scoped3A : memref<!tpu.dma_semaphore, #tpu.memory_space<semaphore_mem>>) src(%dma_wait3A_90 : memref<80xi32, #tpu.memory_space<hbm>>) dst(%arg14 : memref<80xi32, #tpu.memory_space<vmem>>)
      tpu.yield
    }) : () -> ()
    %dma_start3A_18 = arith.constant 0 : i32
    %dma_start3A_19 = arith.constant 0 : i32
    %dma_start3A_20 = tpu.memref_slice %arg2[%dma_start3A_18, %dma_start3A_19] : memref<10000x128xf32, #tpu.memory_space<hbm>> -> memref<10000x128xf32, #tpu.memory_space<hbm>>
    tpu.enqueue_indirect_dma source(%dma_start3A_20 : memref<10000x128xf32, #tpu.memory_space<hbm>>) target(%arg18 : memref<80x128xf32, #tpu.memory_space<vmem>>) offsets(%arg10 : memref<80xi32, #tpu.memory_space<vmem>>) semaphore(%arg22 : memref<!tpu.dma_semaphore, #tpu.memory_space<semaphore_mem>>)
    %add3A_21 = arith.constant 240 : i32
    %add3A_22 = arith.addi %mul3A_2, %add3A_21 : i32
    %multiple_of3A_23 = tpu.assume_multiple %add3A_22, 8 : i32
    "tpu.region"() ({
      %run_scoped3A = tpu.sem_alloc : memref<!tpu.dma_semaphore, #tpu.memory_space<semaphore_mem>>
      %dma_start3A_87 = tpu.memref_slice %arg3[%multiple_of3A_23] : memref<320000xi32, #tpu.memory_space<hbm>> -> memref<80xi32, #tpu.memory_space<hbm>>
      %dma_start3A_88 = tpu.memref_slice %arg3[%multiple_of3A_23] : memref<320000xi32, #tpu.memory_space<hbm>> -> memref<80xi32, #tpu.memory_space<hbm>>
      tpu.enqueue_dma source(%dma_start3A_88 : memref<80xi32, #tpu.memory_space<hbm>>) target(%arg11 : memref<80xi32, #tpu.memory_space<vmem>>) target_semaphore(%run_scoped3A : memref<!tpu.dma_semaphore, #tpu.memory_space<semaphore_mem>>)
      %dma_wait3A_89 = tpu.memref_slice %arg3[%multiple_of3A_23] : memref<320000xi32, #tpu.memory_space<hbm>> -> memref<80xi32, #tpu.memory_space<hbm>>
      %dma_wait3A_90 = tpu.memref_slice %arg3[%multiple_of3A_23] : memref<320000xi32, #tpu.memory_space<hbm>> -> memref<80xi32, #tpu.memory_space<hbm>>
      tpu.wait_dma2 semaphore(%run_scoped3A : memref<!tpu.dma_semaphore, #tpu.memory_space<semaphore_mem>>) src(%dma_wait3A_90 : memref<80xi32, #tpu.memory_space<hbm>>) dst(%arg11 : memref<80xi32, #tpu.memory_space<vmem>>)
      tpu.yield
    }) : () -> ()
    "tpu.region"() ({
      %run_scoped3A = tpu.sem_alloc : memref<!tpu.dma_semaphore, #tpu.memory_space<semaphore_mem>>
      %dma_start3A_87 = tpu.memref_slice %arg4[%multiple_of3A_23] : memref<320000xi32, #tpu.memory_space<hbm>> -> memref<80xi32, #tpu.memory_space<hbm>>
      %dma_start3A_88 = tpu.memref_slice %arg4[%multiple_of3A_23] : memref<320000xi32, #tpu.memory_space<hbm>> -> memref<80xi32, #tpu.memory_space<hbm>>
      tpu.enqueue_dma source(%dma_start3A_88 : memref<80xi32, #tpu.memory_space<hbm>>) target(%arg15 : memref<80xi32, #tpu.memory_space<vmem>>) target_semaphore(%run_scoped3A : memref<!tpu.dma_semaphore, #tpu.memory_space<semaphore_mem>>)
      %dma_wait3A_89 = tpu.memref_slice %arg4[%multiple_of3A_23] : memref<320000xi32, #tpu.memory_space<hbm>> -> memref<80xi32, #tpu.memory_space<hbm>>
      %dma_wait3A_90 = tpu.memref_slice %arg4[%multiple_of3A_23] : memref<320000xi32, #tpu.memory_space<hbm>> -> memref<80xi32, #tpu.memory_space<hbm>>
      tpu.wait_dma2 semaphore(%run_scoped3A : memref<!tpu.dma_semaphore, #tpu.memory_space<semaphore_mem>>) src(%dma_wait3A_90 : memref<80xi32, #tpu.memory_space<hbm>>) dst(%arg15 : memref<80xi32, #tpu.memory_space<vmem>>)
      tpu.yield
    }) : () -> ()
    %dma_start3A_24 = arith.constant 0 : i32
    %dma_start3A_25 = arith.constant 0 : i32
    %dma_start3A_26 = tpu.memref_slice %arg2[%dma_start3A_24, %dma_start3A_25] : memref<10000x128xf32, #tpu.memory_space<hbm>> -> memref<10000x128xf32, #tpu.memory_space<hbm>>
    tpu.enqueue_indirect_dma source(%dma_start3A_26 : memref<10000x128xf32, #tpu.memory_space<hbm>>) target(%arg19 : memref<80x128xf32, #tpu.memory_space<vmem>>) offsets(%arg11 : memref<80xi32, #tpu.memory_space<vmem>>) semaphore(%arg23 : memref<!tpu.dma_semaphore, #tpu.memory_space<semaphore_mem>>)
    %scan3A = arith.constant 0 : i32
    %scan3A_27 = arith.constant 0 : i32
    %scan3A_28 = arith.constant 30 : i32
    %scan3A_29 = arith.addi %scan3A_27, %scan3A_28 : i32
    %scan3A_30 = arith.constant 1 : i32
    scf.for %scan3A_87 = %scan3A_27 to %scan3A_29 step %scan3A_30  : i32 {
      %dma_wait3A_88 = arith.constant 0 : i32
      %dma_wait3A_89 = arith.constant 0 : i32
      %dma_wait3A_90 = tpu.memref_slice %arg2[%dma_wait3A_88, %dma_wait3A_89] : memref<10000x128xf32, #tpu.memory_space<hbm>> -> memref<10000x128xf32, #tpu.memory_space<hbm>>
      tpu.wait_indirect_dma semaphore(%arg20 : memref<!tpu.dma_semaphore, #tpu.memory_space<semaphore_mem>>) src(%dma_wait3A_90 : memref<10000x128xf32, #tpu.memory_space<hbm>>) dst(%arg16 : memref<80x128xf32, #tpu.memory_space<vmem>>)
      %dma_start3A_91 = arith.constant 0 : i32
      %dma_start3A_92 = arith.constant 0 : i32
      %dma_start3A_93 = tpu.memref_slice %arg7[%dma_start3A_91, %dma_start3A_92] : memref<10112x128xf32, #tpu.memory_space<vmem_shared>> -> memref<10112x128xf32, #tpu.memory_space<vmem_shared>>
      tpu.enqueue_indirect_dma source(%arg16 : memref<80x128xf32, #tpu.memory_space<vmem>>) target(%dma_start3A_93 : memref<10112x128xf32, #tpu.memory_space<vmem_shared>>) offsets(%arg12 : memref<80xi32, #tpu.memory_space<vmem>>) semaphore(%arg24 : memref<!tpu.dma_semaphore, #tpu.memory_space<semaphore_mem>>) {add = true}
      %dma_wait3A_94 = arith.constant 0 : i32
      %dma_wait3A_95 = arith.constant 0 : i32
      %dma_wait3A_96 = tpu.memref_slice %arg2[%dma_wait3A_94, %dma_wait3A_95] : memref<10000x128xf32, #tpu.memory_space<hbm>> -> memref<10000x128xf32, #tpu.memory_space<hbm>>
      tpu.wait_indirect_dma semaphore(%arg21 : memref<!tpu.dma_semaphore, #tpu.memory_space<semaphore_mem>>) src(%dma_wait3A_96 : memref<10000x128xf32, #tpu.memory_space<hbm>>) dst(%arg17 : memref<80x128xf32, #tpu.memory_space<vmem>>)
      %dma_start3A_97 = arith.constant 0 : i32
      %dma_start3A_98 = arith.constant 0 : i32
      %dma_start3A_99 = tpu.memref_slice %arg7[%dma_start3A_97, %dma_start3A_98] : memref<10112x128xf32, #tpu.memory_space<vmem_shared>> -> memref<10112x128xf32, #tpu.memory_space<vmem_shared>>
      tpu.enqueue_indirect_dma source(%arg17 : memref<80x128xf32, #tpu.memory_space<vmem>>) target(%dma_start3A_99 : memref<10112x128xf32, #tpu.memory_space<vmem_shared>>) offsets(%arg13 : memref<80xi32, #tpu.memory_space<vmem>>) semaphore(%arg25 : memref<!tpu.dma_semaphore, #tpu.memory_space<semaphore_mem>>) {add = true}
      %dma_wait3A_100 = arith.constant 0 : i32
      %dma_wait3A_101 = arith.constant 0 : i32
      %dma_wait3A_102 = tpu.memref_slice %arg2[%dma_wait3A_100, %dma_wait3A_101] : memref<10000x128xf32, #tpu.memory_space<hbm>> -> memref<10000x128xf32, #tpu.memory_space<hbm>>
      tpu.wait_indirect_dma semaphore(%arg22 : memref<!tpu.dma_semaphore, #tpu.memory_space<semaphore_mem>>) src(%dma_wait3A_102 : memref<10000x128xf32, #tpu.memory_space<hbm>>) dst(%arg18 : memref<80x128xf32, #tpu.memory_space<vmem>>)
      %dma_start3A_103 = arith.constant 0 : i32
      %dma_start3A_104 = arith.constant 0 : i32
      %dma_start3A_105 = tpu.memref_slice %arg7[%dma_start3A_103, %dma_start3A_104] : memref<10112x128xf32, #tpu.memory_space<vmem_shared>> -> memref<10112x128xf32, #tpu.memory_space<vmem_shared>>
      tpu.enqueue_indirect_dma source(%arg18 : memref<80x128xf32, #tpu.memory_space<vmem>>) target(%dma_start3A_105 : memref<10112x128xf32, #tpu.memory_space<vmem_shared>>) offsets(%arg14 : memref<80xi32, #tpu.memory_space<vmem>>) semaphore(%arg26 : memref<!tpu.dma_semaphore, #tpu.memory_space<semaphore_mem>>) {add = true}
      %dma_wait3A_106 = arith.constant 0 : i32
      %dma_wait3A_107 = arith.constant 0 : i32
      %dma_wait3A_108 = tpu.memref_slice %arg2[%dma_wait3A_106, %dma_wait3A_107] : memref<10000x128xf32, #tpu.memory_space<hbm>> -> memref<10000x128xf32, #tpu.memory_space<hbm>>
      tpu.wait_indirect_dma semaphore(%arg23 : memref<!tpu.dma_semaphore, #tpu.memory_space<semaphore_mem>>) src(%dma_wait3A_108 : memref<10000x128xf32, #tpu.memory_space<hbm>>) dst(%arg19 : memref<80x128xf32, #tpu.memory_space<vmem>>)
      %dma_start3A_109 = arith.constant 0 : i32
      %dma_start3A_110 = arith.constant 0 : i32
      %dma_start3A_111 = tpu.memref_slice %arg7[%dma_start3A_109, %dma_start3A_110] : memref<10112x128xf32, #tpu.memory_space<vmem_shared>> -> memref<10112x128xf32, #tpu.memory_space<vmem_shared>>
      tpu.enqueue_indirect_dma source(%arg19 : memref<80x128xf32, #tpu.memory_space<vmem>>) target(%dma_start3A_111 : memref<10112x128xf32, #tpu.memory_space<vmem_shared>>) offsets(%arg15 : memref<80xi32, #tpu.memory_space<vmem>>) semaphore(%arg27 : memref<!tpu.dma_semaphore, #tpu.memory_space<semaphore_mem>>) {add = true}
      %dma_wait3A_112 = arith.constant 0 : i32
      %dma_wait3A_113 = arith.constant 0 : i32
      %dma_wait3A_114 = tpu.memref_slice %arg7[%dma_wait3A_112, %dma_wait3A_113] : memref<10112x128xf32, #tpu.memory_space<vmem_shared>> -> memref<10112x128xf32, #tpu.memory_space<vmem_shared>>
      tpu.wait_indirect_dma semaphore(%arg24 : memref<!tpu.dma_semaphore, #tpu.memory_space<semaphore_mem>>) src(%arg16 : memref<80x128xf32, #tpu.memory_space<vmem>>) dst(%dma_wait3A_114 : memref<10112x128xf32, #tpu.memory_space<vmem_shared>>)
      %mul3A_115 = arith.constant 4 : i32
      %mul3A_116 = arith.muli %mul3A_115, %scan3A_87 : i32
      %add3A_117 = arith.constant 4 : i32
      %add3A_118 = arith.addi %mul3A_116, %add3A_117 : i32
      %add3A_119 = arith.constant 0 : i32
      %add3A_120 = arith.addi %add3A_118, %add3A_119 : i32
      %mul3A_121 = arith.constant 80 : i32
      %mul3A_122 = arith.muli %add3A_120, %mul3A_121 : i32
      %add3A_123 = arith.addi %mul3A_2, %mul3A_122 : i32
      %multiple_of3A_124 = tpu.assume_multiple %add3A_123, 8 : i32
      "tpu.region"() ({
        %run_scoped3A = tpu.sem_alloc : memref<!tpu.dma_semaphore, #tpu.memory_space<semaphore_mem>>
        %dma_start3A_176 = tpu.memref_slice %arg3[%multiple_of3A_124] : memref<320000xi32, #tpu.memory_space<hbm>> -> memref<80xi32, #tpu.memory_space<hbm>>
        %dma_start3A_177 = tpu.memref_slice %arg3[%multiple_of3A_124] : memref<320000xi32, #tpu.memory_space<hbm>> -> memref<80xi32, #tpu.memory_space<hbm>>
        tpu.enqueue_dma source(%dma_start3A_177 : memref<80xi32, #tpu.memory_space<hbm>>) target(%arg8 : memref<80xi32, #tpu.memory_space<vmem>>) target_semaphore(%run_scoped3A : memref<!tpu.dma_semaphore, #tpu.memory_space<semaphore_mem>>)
        %dma_wait3A_178 = tpu.memref_slice %arg3[%multiple_of3A_124] : memref<320000xi32, #tpu.memory_space<hbm>> -> memref<80xi32, #tpu.memory_space<hbm>>
        %dma_wait3A_179 = tpu.memref_slice %arg3[%multiple_of3A_124] : memref<320000xi32, #tpu.memory_space<hbm>> -> memref<80xi32, #tpu.memory_space<hbm>>
        tpu.wait_dma2 semaphore(%run_scoped3A : memref<!tpu.dma_semaphore, #tpu.memory_space<semaphore_mem>>) src(%dma_wait3A_179 : memref<80xi32, #tpu.memory_space<hbm>>) dst(%arg8 : memref<80xi32, #tpu.memory_space<vmem>>)
        tpu.yield
      }) : () -> ()
      "tpu.region"() ({
        %run_scoped3A = tpu.sem_alloc : memref<!tpu.dma_semaphore, #tpu.memory_space<semaphore_mem>>
        %dma_start3A_176 = tpu.memref_slice %arg4[%multiple_of3A_124] : memref<320000xi32, #tpu.memory_space<hbm>> -> memref<80xi32, #tpu.memory_space<hbm>>
        %dma_start3A_177 = tpu.memref_slice %arg4[%multiple_of3A_124] : memref<320000xi32, #tpu.memory_space<hbm>> -> memref<80xi32, #tpu.memory_space<hbm>>
        tpu.enqueue_dma source(%dma_start3A_177 : memref<80xi32, #tpu.memory_space<hbm>>) target(%arg12 : memref<80xi32, #tpu.memory_space<vmem>>) target_semaphore(%run_scoped3A : memref<!tpu.dma_semaphore, #tpu.memory_space<semaphore_mem>>)
        %dma_wait3A_178 = tpu.memref_slice %arg4[%multiple_of3A_124] : memref<320000xi32, #tpu.memory_space<hbm>> -> memref<80xi32, #tpu.memory_space<hbm>>
        %dma_wait3A_179 = tpu.memref_slice %arg4[%multiple_of3A_124] : memref<320000xi32, #tpu.memory_space<hbm>> -> memref<80xi32, #tpu.memory_space<hbm>>
        tpu.wait_dma2 semaphore(%run_scoped3A : memref<!tpu.dma_semaphore, #tpu.memory_space<semaphore_mem>>) src(%dma_wait3A_179 : memref<80xi32, #tpu.memory_space<hbm>>) dst(%arg12 : memref<80xi32, #tpu.memory_space<vmem>>)
        tpu.yield
      }) : () -> ()
      %dma_start3A_125 = arith.constant 0 : i32
      %dma_start3A_126 = arith.constant 0 : i32
      %dma_start3A_127 = tpu.memref_slice %arg2[%dma_start3A_125, %dma_start3A_126] : memref<10000x128xf32, #tpu.memory_space<hbm>> -> memref<10000x128xf32, #tpu.memory_space<hbm>>
      tpu.enqueue_indirect_dma source(%dma_start3A_127 : memref<10000x128xf32, #tpu.memory_space<hbm>>) target(%arg16 : memref<80x128xf32, #tpu.memory_space<vmem>>) offsets(%arg8 : memref<80xi32, #tpu.memory_space<vmem>>) semaphore(%arg20 : memref<!tpu.dma_semaphore, #tpu.memory_space<semaphore_mem>>)
      %dma_wait3A_128 = arith.constant 0 : i32
      %dma_wait3A_129 = arith.constant 0 : i32
      %dma_wait3A_130 = tpu.memref_slice %arg7[%dma_wait3A_128, %dma_wait3A_129] : memref<10112x128xf32, #tpu.memory_space<vmem_shared>> -> memref<10112x128xf32, #tpu.memory_space<vmem_shared>>
      tpu.wait_indirect_dma semaphore(%arg25 : memref<!tpu.dma_semaphore, #tpu.memory_space<semaphore_mem>>) src(%arg17 : memref<80x128xf32, #tpu.memory_space<vmem>>) dst(%dma_wait3A_130 : memref<10112x128xf32, #tpu.memory_space<vmem_shared>>)
      %mul3A_131 = arith.constant 4 : i32
      %mul3A_132 = arith.muli %mul3A_131, %scan3A_87 : i32
      %add3A_133 = arith.constant 4 : i32
      %add3A_134 = arith.addi %mul3A_132, %add3A_133 : i32
      %add3A_135 = arith.constant 1 : i32
      %add3A_136 = arith.addi %add3A_134, %add3A_135 : i32
      %mul3A_137 = arith.constant 80 : i32
      %mul3A_138 = arith.muli %add3A_136, %mul3A_137 : i32
      %add3A_139 = arith.addi %mul3A_2, %mul3A_138 : i32
      %multiple_of3A_140 = tpu.assume_multiple %add3A_139, 8 : i32
      "tpu.region"() ({
        %run_scoped3A = tpu.sem_alloc : memref<!tpu.dma_semaphore, #tpu.memory_space<semaphore_mem>>
        %dma_start3A_176 = tpu.memref_slice %arg3[%multiple_of3A_140] : memref<320000xi32, #tpu.memory_space<hbm>> -> memref<80xi32, #tpu.memory_space<hbm>>
        %dma_start3A_177 = tpu.memref_slice %arg3[%multiple_of3A_140] : memref<320000xi32, #tpu.memory_space<hbm>> -> memref<80xi32, #tpu.memory_space<hbm>>
        tpu.enqueue_dma source(%dma_start3A_177 : memref<80xi32, #tpu.memory_space<hbm>>) target(%arg9 : memref<80xi32, #tpu.memory_space<vmem>>) target_semaphore(%run_scoped3A : memref<!tpu.dma_semaphore, #tpu.memory_space<semaphore_mem>>)
        %dma_wait3A_178 = tpu.memref_slice %arg3[%multiple_of3A_140] : memref<320000xi32, #tpu.memory_space<hbm>> -> memref<80xi32, #tpu.memory_space<hbm>>
        %dma_wait3A_179 = tpu.memref_slice %arg3[%multiple_of3A_140] : memref<320000xi32, #tpu.memory_space<hbm>> -> memref<80xi32, #tpu.memory_space<hbm>>
        tpu.wait_dma2 semaphore(%run_scoped3A : memref<!tpu.dma_semaphore, #tpu.memory_space<semaphore_mem>>) src(%dma_wait3A_179 : memref<80xi32, #tpu.memory_space<hbm>>) dst(%arg9 : memref<80xi32, #tpu.memory_space<vmem>>)
        tpu.yield
      }) : () -> ()
      "tpu.region"() ({
        %run_scoped3A = tpu.sem_alloc : memref<!tpu.dma_semaphore, #tpu.memory_space<semaphore_mem>>
        %dma_start3A_176 = tpu.memref_slice %arg4[%multiple_of3A_140] : memref<320000xi32, #tpu.memory_space<hbm>> -> memref<80xi32, #tpu.memory_space<hbm>>
        %dma_start3A_177 = tpu.memref_slice %arg4[%multiple_of3A_140] : memref<320000xi32, #tpu.memory_space<hbm>> -> memref<80xi32, #tpu.memory_space<hbm>>
        tpu.enqueue_dma source(%dma_start3A_177 : memref<80xi32, #tpu.memory_space<hbm>>) target(%arg13 : memref<80xi32, #tpu.memory_space<vmem>>) target_semaphore(%run_scoped3A : memref<!tpu.dma_semaphore, #tpu.memory_space<semaphore_mem>>)
        %dma_wait3A_178 = tpu.memref_slice %arg4[%multiple_of3A_140] : memref<320000xi32, #tpu.memory_space<hbm>> -> memref<80xi32, #tpu.memory_space<hbm>>
        %dma_wait3A_179 = tpu.memref_slice %arg4[%multiple_of3A_140] : memref<320000xi32, #tpu.memory_space<hbm>> -> memref<80xi32, #tpu.memory_space<hbm>>
        tpu.wait_dma2 semaphore(%run_scoped3A : memref<!tpu.dma_semaphore, #tpu.memory_space<semaphore_mem>>) src(%dma_wait3A_179 : memref<80xi32, #tpu.memory_space<hbm>>) dst(%arg13 : memref<80xi32, #tpu.memory_space<vmem>>)
        tpu.yield
      }) : () -> ()
      %dma_start3A_141 = arith.constant 0 : i32
      %dma_start3A_142 = arith.constant 0 : i32
      %dma_start3A_143 = tpu.memref_slice %arg2[%dma_start3A_141, %dma_start3A_142] : memref<10000x128xf32, #tpu.memory_space<hbm>> -> memref<10000x128xf32, #tpu.memory_space<hbm>>
      tpu.enqueue_indirect_dma source(%dma_start3A_143 : memref<10000x128xf32, #tpu.memory_space<hbm>>) target(%arg17 : memref<80x128xf32, #tpu.memory_space<vmem>>) offsets(%arg9 : memref<80xi32, #tpu.memory_space<vmem>>) semaphore(%arg21 : memref<!tpu.dma_semaphore, #tpu.memory_space<semaphore_mem>>)
      %dma_wait3A_144 = arith.constant 0 : i32
      %dma_wait3A_145 = arith.constant 0 : i32
      %dma_wait3A_146 = tpu.memref_slice %arg7[%dma_wait3A_144, %dma_wait3A_145] : memref<10112x128xf32, #tpu.memory_space<vmem_shared>> -> memref<10112x128xf32, #tpu.memory_space<vmem_shared>>
      tpu.wait_indirect_dma semaphore(%arg26 : memref<!tpu.dma_semaphore, #tpu.memory_space<semaphore_mem>>) src(%arg18 : memref<80x128xf32, #tpu.memory_space<vmem>>) dst(%dma_wait3A_146 : memref<10112x128xf32, #tpu.memory_space<vmem_shared>>)
      %mul3A_147 = arith.constant 4 : i32
      %mul3A_148 = arith.muli %mul3A_147, %scan3A_87 : i32
      %add3A_149 = arith.constant 4 : i32
      %add3A_150 = arith.addi %mul3A_148, %add3A_149 : i32
      %add3A_151 = arith.constant 2 : i32
      %add3A_152 = arith.addi %add3A_150, %add3A_151 : i32
      %mul3A_153 = arith.constant 80 : i32
      %mul3A_154 = arith.muli %add3A_152, %mul3A_153 : i32
      %add3A_155 = arith.addi %mul3A_2, %mul3A_154 : i32
      %multiple_of3A_156 = tpu.assume_multiple %add3A_155, 8 : i32
      "tpu.region"() ({
        %run_scoped3A = tpu.sem_alloc : memref<!tpu.dma_semaphore, #tpu.memory_space<semaphore_mem>>
        %dma_start3A_176 = tpu.memref_slice %arg3[%multiple_of3A_156] : memref<320000xi32, #tpu.memory_space<hbm>> -> memref<80xi32, #tpu.memory_space<hbm>>
        %dma_start3A_177 = tpu.memref_slice %arg3[%multiple_of3A_156] : memref<320000xi32, #tpu.memory_space<hbm>> -> memref<80xi32, #tpu.memory_space<hbm>>
        tpu.enqueue_dma source(%dma_start3A_177 : memref<80xi32, #tpu.memory_space<hbm>>) target(%arg10 : memref<80xi32, #tpu.memory_space<vmem>>) target_semaphore(%run_scoped3A : memref<!tpu.dma_semaphore, #tpu.memory_space<semaphore_mem>>)
        %dma_wait3A_178 = tpu.memref_slice %arg3[%multiple_of3A_156] : memref<320000xi32, #tpu.memory_space<hbm>> -> memref<80xi32, #tpu.memory_space<hbm>>
        %dma_wait3A_179 = tpu.memref_slice %arg3[%multiple_of3A_156] : memref<320000xi32, #tpu.memory_space<hbm>> -> memref<80xi32, #tpu.memory_space<hbm>>
        tpu.wait_dma2 semaphore(%run_scoped3A : memref<!tpu.dma_semaphore, #tpu.memory_space<semaphore_mem>>) src(%dma_wait3A_179 : memref<80xi32, #tpu.memory_space<hbm>>) dst(%arg10 : memref<80xi32, #tpu.memory_space<vmem>>)
        tpu.yield
      }) : () -> ()
      "tpu.region"() ({
        %run_scoped3A = tpu.sem_alloc : memref<!tpu.dma_semaphore, #tpu.memory_space<semaphore_mem>>
        %dma_start3A_176 = tpu.memref_slice %arg4[%multiple_of3A_156] : memref<320000xi32, #tpu.memory_space<hbm>> -> memref<80xi32, #tpu.memory_space<hbm>>
        %dma_start3A_177 = tpu.memref_slice %arg4[%multiple_of3A_156] : memref<320000xi32, #tpu.memory_space<hbm>> -> memref<80xi32, #tpu.memory_space<hbm>>
        tpu.enqueue_dma source(%dma_start3A_177 : memref<80xi32, #tpu.memory_space<hbm>>) target(%arg14 : memref<80xi32, #tpu.memory_space<vmem>>) target_semaphore(%run_scoped3A : memref<!tpu.dma_semaphore, #tpu.memory_space<semaphore_mem>>)
        %dma_wait3A_178 = tpu.memref_slice %arg4[%multiple_of3A_156] : memref<320000xi32, #tpu.memory_space<hbm>> -> memref<80xi32, #tpu.memory_space<hbm>>
        %dma_wait3A_179 = tpu.memref_slice %arg4[%multiple_of3A_156] : memref<320000xi32, #tpu.memory_space<hbm>> -> memref<80xi32, #tpu.memory_space<hbm>>
        tpu.wait_dma2 semaphore(%run_scoped3A : memref<!tpu.dma_semaphore, #tpu.memory_space<semaphore_mem>>) src(%dma_wait3A_179 : memref<80xi32, #tpu.memory_space<hbm>>) dst(%arg14 : memref<80xi32, #tpu.memory_space<vmem>>)
        tpu.yield
      }) : () -> ()
      %dma_start3A_157 = arith.constant 0 : i32
      %dma_start3A_158 = arith.constant 0 : i32
      %dma_start3A_159 = tpu.memref_slice %arg2[%dma_start3A_157, %dma_start3A_158] : memref<10000x128xf32, #tpu.memory_space<hbm>> -> memref<10000x128xf32, #tpu.memory_space<hbm>>
      tpu.enqueue_indirect_dma source(%dma_start3A_159 : memref<10000x128xf32, #tpu.memory_space<hbm>>) target(%arg18 : memref<80x128xf32, #tpu.memory_space<vmem>>) offsets(%arg10 : memref<80xi32, #tpu.memory_space<vmem>>) semaphore(%arg22 : memref<!tpu.dma_semaphore, #tpu.memory_space<semaphore_mem>>)
      %dma_wait3A_160 = arith.constant 0 : i32
      %dma_wait3A_161 = arith.constant 0 : i32
      %dma_wait3A_162 = tpu.memref_slice %arg7[%dma_wait3A_160, %dma_wait3A_161] : memref<10112x128xf32, #tpu.memory_space<vmem_shared>> -> memref<10112x128xf32, #tpu.memory_space<vmem_shared>>
      tpu.wait_indirect_dma semaphore(%arg27 : memref<!tpu.dma_semaphore, #tpu.memory_space<semaphore_mem>>) src(%arg19 : memref<80x128xf32, #tpu.memory_space<vmem>>) dst(%dma_wait3A_162 : memref<10112x128xf32, #tpu.memory_space<vmem_shared>>)
      %mul3A_163 = arith.constant 4 : i32
      %mul3A_164 = arith.muli %mul3A_163, %scan3A_87 : i32
      %add3A_165 = arith.constant 4 : i32
      %add3A_166 = arith.addi %mul3A_164, %add3A_165 : i32
      %add3A_167 = arith.constant 3 : i32
      %add3A_168 = arith.addi %add3A_166, %add3A_167 : i32
      %mul3A_169 = arith.constant 80 : i32
      %mul3A_170 = arith.muli %add3A_168, %mul3A_169 : i32
      %add3A_171 = arith.addi %mul3A_2, %mul3A_170 : i32
      %multiple_of3A_172 = tpu.assume_multiple %add3A_171, 8 : i32
      "tpu.region"() ({
        %run_scoped3A = tpu.sem_alloc : memref<!tpu.dma_semaphore, #tpu.memory_space<semaphore_mem>>
        %dma_start3A_176 = tpu.memref_slice %arg3[%multiple_of3A_172] : memref<320000xi32, #tpu.memory_space<hbm>> -> memref<80xi32, #tpu.memory_space<hbm>>
        %dma_start3A_177 = tpu.memref_slice %arg3[%multiple_of3A_172] : memref<320000xi32, #tpu.memory_space<hbm>> -> memref<80xi32, #tpu.memory_space<hbm>>
        tpu.enqueue_dma source(%dma_start3A_177 : memref<80xi32, #tpu.memory_space<hbm>>) target(%arg11 : memref<80xi32, #tpu.memory_space<vmem>>) target_semaphore(%run_scoped3A : memref<!tpu.dma_semaphore, #tpu.memory_space<semaphore_mem>>)
        %dma_wait3A_178 = tpu.memref_slice %arg3[%multiple_of3A_172] : memref<320000xi32, #tpu.memory_space<hbm>> -> memref<80xi32, #tpu.memory_space<hbm>>
        %dma_wait3A_179 = tpu.memref_slice %arg3[%multiple_of3A_172] : memref<320000xi32, #tpu.memory_space<hbm>> -> memref<80xi32, #tpu.memory_space<hbm>>
        tpu.wait_dma2 semaphore(%run_scoped3A : memref<!tpu.dma_semaphore, #tpu.memory_space<semaphore_mem>>) src(%dma_wait3A_179 : memref<80xi32, #tpu.memory_space<hbm>>) dst(%arg11 : memref<80xi32, #tpu.memory_space<vmem>>)
        tpu.yield
      }) : () -> ()
      "tpu.region"() ({
        %run_scoped3A = tpu.sem_alloc : memref<!tpu.dma_semaphore, #tpu.memory_space<semaphore_mem>>
        %dma_start3A_176 = tpu.memref_slice %arg4[%multiple_of3A_172] : memref<320000xi32, #tpu.memory_space<hbm>> -> memref<80xi32, #tpu.memory_space<hbm>>
        %dma_start3A_177 = tpu.memref_slice %arg4[%multiple_of3A_172] : memref<320000xi32, #tpu.memory_space<hbm>> -> memref<80xi32, #tpu.memory_space<hbm>>
        tpu.enqueue_dma source(%dma_start3A_177 : memref<80xi32, #tpu.memory_space<hbm>>) target(%arg15 : memref<80xi32, #tpu.memory_space<vmem>>) target_semaphore(%run_scoped3A : memref<!tpu.dma_semaphore, #tpu.memory_space<semaphore_mem>>)
        %dma_wait3A_178 = tpu.memref_slice %arg4[%multiple_of3A_172] : memref<320000xi32, #tpu.memory_space<hbm>> -> memref<80xi32, #tpu.memory_space<hbm>>
        %dma_wait3A_179 = tpu.memref_slice %arg4[%multiple_of3A_172] : memref<320000xi32, #tpu.memory_space<hbm>> -> memref<80xi32, #tpu.memory_space<hbm>>
        tpu.wait_dma2 semaphore(%run_scoped3A : memref<!tpu.dma_semaphore, #tpu.memory_space<semaphore_mem>>) src(%dma_wait3A_179 : memref<80xi32, #tpu.memory_space<hbm>>) dst(%arg15 : memref<80xi32, #tpu.memory_space<vmem>>)
        tpu.yield
      }) : () -> ()
      %dma_start3A_173 = arith.constant 0 : i32
      %dma_start3A_174 = arith.constant 0 : i32
      %dma_start3A_175 = tpu.memref_slice %arg2[%dma_start3A_173, %dma_start3A_174] : memref<10000x128xf32, #tpu.memory_space<hbm>> -> memref<10000x128xf32, #tpu.memory_space<hbm>>
      tpu.enqueue_indirect_dma source(%dma_start3A_175 : memref<10000x128xf32, #tpu.memory_space<hbm>>) target(%arg19 : memref<80x128xf32, #tpu.memory_space<vmem>>) offsets(%arg11 : memref<80xi32, #tpu.memory_space<vmem>>) semaphore(%arg23 : memref<!tpu.dma_semaphore, #tpu.memory_space<semaphore_mem>>)
    }
    %scan3A_31 = arith.constant 30 : i32
    %dma_wait3A = arith.constant 0 : i32
    %dma_wait3A_32 = arith.constant 0 : i32
    %dma_wait3A_33 = tpu.memref_slice %arg2[%dma_wait3A, %dma_wait3A_32] : memref<10000x128xf32, #tpu.memory_space<hbm>> -> memref<10000x128xf32, #tpu.memory_space<hbm>>
    tpu.wait_indirect_dma semaphore(%arg20 : memref<!tpu.dma_semaphore, #tpu.memory_space<semaphore_mem>>) src(%dma_wait3A_33 : memref<10000x128xf32, #tpu.memory_space<hbm>>) dst(%arg16 : memref<80x128xf32, #tpu.memory_space<vmem>>)
    %dma_start3A_34 = arith.constant 0 : i32
    %dma_start3A_35 = arith.constant 0 : i32
    %dma_start3A_36 = tpu.memref_slice %arg7[%dma_start3A_34, %dma_start3A_35] : memref<10112x128xf32, #tpu.memory_space<vmem_shared>> -> memref<10112x128xf32, #tpu.memory_space<vmem_shared>>
    tpu.enqueue_indirect_dma source(%arg16 : memref<80x128xf32, #tpu.memory_space<vmem>>) target(%dma_start3A_36 : memref<10112x128xf32, #tpu.memory_space<vmem_shared>>) offsets(%arg12 : memref<80xi32, #tpu.memory_space<vmem>>) semaphore(%arg24 : memref<!tpu.dma_semaphore, #tpu.memory_space<semaphore_mem>>) {add = true}
    %dma_wait3A_37 = arith.constant 0 : i32
    %dma_wait3A_38 = arith.constant 0 : i32
    %dma_wait3A_39 = tpu.memref_slice %arg2[%dma_wait3A_37, %dma_wait3A_38] : memref<10000x128xf32, #tpu.memory_space<hbm>> -> memref<10000x128xf32, #tpu.memory_space<hbm>>
    tpu.wait_indirect_dma semaphore(%arg21 : memref<!tpu.dma_semaphore, #tpu.memory_space<semaphore_mem>>) src(%dma_wait3A_39 : memref<10000x128xf32, #tpu.memory_space<hbm>>) dst(%arg17 : memref<80x128xf32, #tpu.memory_space<vmem>>)
    %dma_start3A_40 = arith.constant 0 : i32
    %dma_start3A_41 = arith.constant 0 : i32
    %dma_start3A_42 = tpu.memref_slice %arg7[%dma_start3A_40, %dma_start3A_41] : memref<10112x128xf32, #tpu.memory_space<vmem_shared>> -> memref<10112x128xf32, #tpu.memory_space<vmem_shared>>
    tpu.enqueue_indirect_dma source(%arg17 : memref<80x128xf32, #tpu.memory_space<vmem>>) target(%dma_start3A_42 : memref<10112x128xf32, #tpu.memory_space<vmem_shared>>) offsets(%arg13 : memref<80xi32, #tpu.memory_space<vmem>>) semaphore(%arg25 : memref<!tpu.dma_semaphore, #tpu.memory_space<semaphore_mem>>) {add = true}
    %dma_wait3A_43 = arith.constant 0 : i32
    %dma_wait3A_44 = arith.constant 0 : i32
    %dma_wait3A_45 = tpu.memref_slice %arg2[%dma_wait3A_43, %dma_wait3A_44] : memref<10000x128xf32, #tpu.memory_space<hbm>> -> memref<10000x128xf32, #tpu.memory_space<hbm>>
    tpu.wait_indirect_dma semaphore(%arg22 : memref<!tpu.dma_semaphore, #tpu.memory_space<semaphore_mem>>) src(%dma_wait3A_45 : memref<10000x128xf32, #tpu.memory_space<hbm>>) dst(%arg18 : memref<80x128xf32, #tpu.memory_space<vmem>>)
    %dma_start3A_46 = arith.constant 0 : i32
    %dma_start3A_47 = arith.constant 0 : i32
    %dma_start3A_48 = tpu.memref_slice %arg7[%dma_start3A_46, %dma_start3A_47] : memref<10112x128xf32, #tpu.memory_space<vmem_shared>> -> memref<10112x128xf32, #tpu.memory_space<vmem_shared>>
    tpu.enqueue_indirect_dma source(%arg18 : memref<80x128xf32, #tpu.memory_space<vmem>>) target(%dma_start3A_48 : memref<10112x128xf32, #tpu.memory_space<vmem_shared>>) offsets(%arg14 : memref<80xi32, #tpu.memory_space<vmem>>) semaphore(%arg26 : memref<!tpu.dma_semaphore, #tpu.memory_space<semaphore_mem>>) {add = true}
    %dma_wait3A_49 = arith.constant 0 : i32
    %dma_wait3A_50 = arith.constant 0 : i32
    %dma_wait3A_51 = tpu.memref_slice %arg2[%dma_wait3A_49, %dma_wait3A_50] : memref<10000x128xf32, #tpu.memory_space<hbm>> -> memref<10000x128xf32, #tpu.memory_space<hbm>>
    tpu.wait_indirect_dma semaphore(%arg23 : memref<!tpu.dma_semaphore, #tpu.memory_space<semaphore_mem>>) src(%dma_wait3A_51 : memref<10000x128xf32, #tpu.memory_space<hbm>>) dst(%arg19 : memref<80x128xf32, #tpu.memory_space<vmem>>)
    %dma_start3A_52 = arith.constant 0 : i32
    %dma_start3A_53 = arith.constant 0 : i32
    %dma_start3A_54 = tpu.memref_slice %arg7[%dma_start3A_52, %dma_start3A_53] : memref<10112x128xf32, #tpu.memory_space<vmem_shared>> -> memref<10112x128xf32, #tpu.memory_space<vmem_shared>>
    tpu.enqueue_indirect_dma source(%arg19 : memref<80x128xf32, #tpu.memory_space<vmem>>) target(%dma_start3A_54 : memref<10112x128xf32, #tpu.memory_space<vmem_shared>>) offsets(%arg15 : memref<80xi32, #tpu.memory_space<vmem>>) semaphore(%arg27 : memref<!tpu.dma_semaphore, #tpu.memory_space<semaphore_mem>>) {add = true}
    %dma_wait3A_55 = arith.constant 0 : i32
    %dma_wait3A_56 = arith.constant 0 : i32
    %dma_wait3A_57 = tpu.memref_slice %arg7[%dma_wait3A_55, %dma_wait3A_56] : memref<10112x128xf32, #tpu.memory_space<vmem_shared>> -> memref<10112x128xf32, #tpu.memory_space<vmem_shared>>
    tpu.wait_indirect_dma semaphore(%arg24 : memref<!tpu.dma_semaphore, #tpu.memory_space<semaphore_mem>>) src(%arg16 : memref<80x128xf32, #tpu.memory_space<vmem>>) dst(%dma_wait3A_57 : memref<10112x128xf32, #tpu.memory_space<vmem_shared>>)
    %add3A_58 = arith.constant 9920 : i32
    %add3A_59 = arith.addi %mul3A_2, %add3A_58 : i32
    %multiple_of3A_60 = tpu.assume_multiple %add3A_59, 8 : i32
    "tpu.region"() ({
      %run_scoped3A = tpu.sem_alloc : memref<!tpu.dma_semaphore, #tpu.memory_space<semaphore_mem>>
      %dma_start3A_87 = tpu.memref_slice %arg3[%multiple_of3A_60] : memref<320000xi32, #tpu.memory_space<hbm>> -> memref<80xi32, #tpu.memory_space<hbm>>
      %dma_start3A_88 = tpu.memref_slice %arg3[%multiple_of3A_60] : memref<320000xi32, #tpu.memory_space<hbm>> -> memref<80xi32, #tpu.memory_space<hbm>>
      tpu.enqueue_dma source(%dma_start3A_88 : memref<80xi32, #tpu.memory_space<hbm>>) target(%arg8 : memref<80xi32, #tpu.memory_space<vmem>>) target_semaphore(%run_scoped3A : memref<!tpu.dma_semaphore, #tpu.memory_space<semaphore_mem>>)
      %dma_wait3A_89 = tpu.memref_slice %arg3[%multiple_of3A_60] : memref<320000xi32, #tpu.memory_space<hbm>> -> memref<80xi32, #tpu.memory_space<hbm>>
      %dma_wait3A_90 = tpu.memref_slice %arg3[%multiple_of3A_60] : memref<320000xi32, #tpu.memory_space<hbm>> -> memref<80xi32, #tpu.memory_space<hbm>>
      tpu.wait_dma2 semaphore(%run_scoped3A : memref<!tpu.dma_semaphore, #tpu.memory_space<semaphore_mem>>) src(%dma_wait3A_90 : memref<80xi32, #tpu.memory_space<hbm>>) dst(%arg8 : memref<80xi32, #tpu.memory_space<vmem>>)
      tpu.yield
    }) : () -> ()
    "tpu.region"() ({
      %run_scoped3A = tpu.sem_alloc : memref<!tpu.dma_semaphore, #tpu.memory_space<semaphore_mem>>
      %dma_start3A_87 = tpu.memref_slice %arg4[%multiple_of3A_60] : memref<320000xi32, #tpu.memory_space<hbm>> -> memref<80xi32, #tpu.memory_space<hbm>>
      %dma_start3A_88 = tpu.memref_slice %arg4[%multiple_of3A_60] : memref<320000xi32, #tpu.memory_space<hbm>> -> memref<80xi32, #tpu.memory_space<hbm>>
      tpu.enqueue_dma source(%dma_start3A_88 : memref<80xi32, #tpu.memory_space<hbm>>) target(%arg12 : memref<80xi32, #tpu.memory_space<vmem>>) target_semaphore(%run_scoped3A : memref<!tpu.dma_semaphore, #tpu.memory_space<semaphore_mem>>)
      %dma_wait3A_89 = tpu.memref_slice %arg4[%multiple_of3A_60] : memref<320000xi32, #tpu.memory_space<hbm>> -> memref<80xi32, #tpu.memory_space<hbm>>
      %dma_wait3A_90 = tpu.memref_slice %arg4[%multiple_of3A_60] : memref<320000xi32, #tpu.memory_space<hbm>> -> memref<80xi32, #tpu.memory_space<hbm>>
      tpu.wait_dma2 semaphore(%run_scoped3A : memref<!tpu.dma_semaphore, #tpu.memory_space<semaphore_mem>>) src(%dma_wait3A_90 : memref<80xi32, #tpu.memory_space<hbm>>) dst(%arg12 : memref<80xi32, #tpu.memory_space<vmem>>)
      tpu.yield
    }) : () -> ()
    %dma_start3A_61 = arith.constant 0 : i32
    %dma_start3A_62 = arith.constant 0 : i32
    %dma_start3A_63 = tpu.memref_slice %arg2[%dma_start3A_61, %dma_start3A_62] : memref<10000x128xf32, #tpu.memory_space<hbm>> -> memref<10000x128xf32, #tpu.memory_space<hbm>>
    tpu.enqueue_indirect_dma source(%dma_start3A_63 : memref<10000x128xf32, #tpu.memory_space<hbm>>) target(%arg16 : memref<80x128xf32, #tpu.memory_space<vmem>>) offsets(%arg8 : memref<80xi32, #tpu.memory_space<vmem>>) semaphore(%arg20 : memref<!tpu.dma_semaphore, #tpu.memory_space<semaphore_mem>>)
    %dma_wait3A_64 = arith.constant 0 : i32
    %dma_wait3A_65 = arith.constant 0 : i32
    %dma_wait3A_66 = tpu.memref_slice %arg2[%dma_wait3A_64, %dma_wait3A_65] : memref<10000x128xf32, #tpu.memory_space<hbm>> -> memref<10000x128xf32, #tpu.memory_space<hbm>>
    tpu.wait_indirect_dma semaphore(%arg20 : memref<!tpu.dma_semaphore, #tpu.memory_space<semaphore_mem>>) src(%dma_wait3A_66 : memref<10000x128xf32, #tpu.memory_space<hbm>>) dst(%arg16 : memref<80x128xf32, #tpu.memory_space<vmem>>)
    %dma_start3A_67 = arith.constant 0 : i32
    %dma_start3A_68 = arith.constant 0 : i32
    %dma_start3A_69 = tpu.memref_slice %arg7[%dma_start3A_67, %dma_start3A_68] : memref<10112x128xf32, #tpu.memory_space<vmem_shared>> -> memref<10112x128xf32, #tpu.memory_space<vmem_shared>>
    tpu.enqueue_indirect_dma source(%arg16 : memref<80x128xf32, #tpu.memory_space<vmem>>) target(%dma_start3A_69 : memref<10112x128xf32, #tpu.memory_space<vmem_shared>>) offsets(%arg12 : memref<80xi32, #tpu.memory_space<vmem>>) semaphore(%arg24 : memref<!tpu.dma_semaphore, #tpu.memory_space<semaphore_mem>>) {add = true}
    %dma_wait3A_70 = arith.constant 0 : i32
    %dma_wait3A_71 = arith.constant 0 : i32
    %dma_wait3A_72 = tpu.memref_slice %arg7[%dma_wait3A_70, %dma_wait3A_71] : memref<10112x128xf32, #tpu.memory_space<vmem_shared>> -> memref<10112x128xf32, #tpu.memory_space<vmem_shared>>
    tpu.wait_indirect_dma semaphore(%arg24 : memref<!tpu.dma_semaphore, #tpu.memory_space<semaphore_mem>>) src(%arg16 : memref<80x128xf32, #tpu.memory_space<vmem>>) dst(%dma_wait3A_72 : memref<10112x128xf32, #tpu.memory_space<vmem_shared>>)
    %dma_wait3A_73 = arith.constant 0 : i32
    %dma_wait3A_74 = arith.constant 0 : i32
    %dma_wait3A_75 = tpu.memref_slice %arg7[%dma_wait3A_73, %dma_wait3A_74] : memref<10112x128xf32, #tpu.memory_space<vmem_shared>> -> memref<10112x128xf32, #tpu.memory_space<vmem_shared>>
    tpu.wait_indirect_dma semaphore(%arg25 : memref<!tpu.dma_semaphore, #tpu.memory_space<semaphore_mem>>) src(%arg17 : memref<80x128xf32, #tpu.memory_space<vmem>>) dst(%dma_wait3A_75 : memref<10112x128xf32, #tpu.memory_space<vmem_shared>>)
    %dma_wait3A_76 = arith.constant 0 : i32
    %dma_wait3A_77 = arith.constant 0 : i32
    %dma_wait3A_78 = tpu.memref_slice %arg7[%dma_wait3A_76, %dma_wait3A_77] : memref<10112x128xf32, #tpu.memory_space<vmem_shared>> -> memref<10112x128xf32, #tpu.memory_space<vmem_shared>>
    tpu.wait_indirect_dma semaphore(%arg26 : memref<!tpu.dma_semaphore, #tpu.memory_space<semaphore_mem>>) src(%arg18 : memref<80x128xf32, #tpu.memory_space<vmem>>) dst(%dma_wait3A_78 : memref<10112x128xf32, #tpu.memory_space<vmem_shared>>)
    %dma_wait3A_79 = arith.constant 0 : i32
    %dma_wait3A_80 = arith.constant 0 : i32
    %dma_wait3A_81 = tpu.memref_slice %arg7[%dma_wait3A_79, %dma_wait3A_80] : memref<10112x128xf32, #tpu.memory_space<vmem_shared>> -> memref<10112x128xf32, #tpu.memory_space<vmem_shared>>
    tpu.wait_indirect_dma semaphore(%arg27 : memref<!tpu.dma_semaphore, #tpu.memory_space<semaphore_mem>>) src(%arg19 : memref<80x128xf32, #tpu.memory_space<vmem>>) dst(%dma_wait3A_81 : memref<10112x128xf32, #tpu.memory_space<vmem_shared>>)
    %barrier3A_82 = arith.constant 0 : index
    tpu.barrier barrier_id(%barrier3A_82)
    %mul3A_83 = arith.constant 632 : i32
    %mul3A_84 = arith.muli %arg1, %mul3A_83 : i32
    %mul3A_85 = arith.constant 632 : i32
    %mul3A_86 = arith.muli %arg1, %mul3A_85 : i32
    "tpu.region"() ({
      %run_scoped3A = tpu.sem_alloc : memref<!tpu.dma_semaphore, #tpu.memory_space<semaphore_mem>>
      %dma_start3A_87 = arith.constant 0 : i32
      %dma_start3A_88 = tpu.memref_slice %arg6[%arg0, %mul3A_86, %dma_start3A_87] : memref<2x10112x128xf32, #tpu.memory_space<hbm>> -> memref<1x632x128xf32, #tpu.memory_space<hbm>>
      %dma_start3A_89 = tpu.memref_squeeze %dma_start3A_88 : memref<1x632x128xf32, #tpu.memory_space<hbm>> -> memref<632x128xf32, #tpu.memory_space<hbm>>
      %dma_start3A_90 = arith.constant 0 : i32
      %dma_start3A_91 = tpu.memref_slice %arg7[%mul3A_84, %dma_start3A_90] : memref<10112x128xf32, #tpu.memory_space<vmem_shared>> -> memref<632x128xf32, #tpu.memory_space<vmem_shared>>
      tpu.enqueue_dma source(%dma_start3A_91 : memref<632x128xf32, #tpu.memory_space<vmem_shared>>) target(%dma_start3A_89 : memref<632x128xf32, #tpu.memory_space<hbm>>) target_semaphore(%run_scoped3A : memref<!tpu.dma_semaphore, #tpu.memory_space<semaphore_mem>>)
      %dma_wait3A_92 = arith.constant 0 : i32
      %dma_wait3A_93 = tpu.memref_slice %arg6[%arg0, %mul3A_86, %dma_wait3A_92] : memref<2x10112x128xf32, #tpu.memory_space<hbm>> -> memref<1x632x128xf32, #tpu.memory_space<hbm>>
      %dma_wait3A_94 = tpu.memref_squeeze %dma_wait3A_93 : memref<1x632x128xf32, #tpu.memory_space<hbm>> -> memref<632x128xf32, #tpu.memory_space<hbm>>
      %dma_wait3A_95 = arith.constant 0 : i32
      %dma_wait3A_96 = tpu.memref_slice %arg7[%mul3A_84, %dma_wait3A_95] : memref<10112x128xf32, #tpu.memory_space<vmem_shared>> -> memref<632x128xf32, #tpu.memory_space<vmem_shared>>
      tpu.wait_dma2 semaphore(%run_scoped3A : memref<!tpu.dma_semaphore, #tpu.memory_space<semaphore_mem>>) src(%dma_wait3A_96 : memref<632x128xf32, #tpu.memory_space<vmem_shared>>) dst(%dma_wait3A_94 : memref<632x128xf32, #tpu.memory_space<hbm>>)
      tpu.yield
    }) : () -> ()
    return
  }
}

#map = affine_map<(d0, d1) -> (0, 0)>
#map1 = affine_map<(d0, d1) -> (0)>
#map2 = affine_map<(d0, d1) -> (0, 0, 0)>
module attributes {stable_mosaic.version = 14 : i64} {
  func.func @_seg_body(%arg0: i32, %arg1: i32, %arg2: memref<10000x128xf32, #tpu.memory_space<hbm>>, %arg3: memref<320000xi32, #tpu.memory_space<hbm>>, %arg4: memref<320000xi32, #tpu.memory_space<hbm>>, %arg5: memref<632x128xf32, #tpu.memory_space<hbm>>, %arg6: memref<2x10112x128xf32, #tpu.memory_space<hbm>>, %arg7: memref<10112x128xf32, #tpu.memory_space<vmem_shared>>, %arg8: memref<80xi32, #tpu.memory_space<vmem>>, %arg9: memref<80xi32, #tpu.memory_space<vmem>>, %arg10: memref<80xi32, #tpu.memory_space<vmem>>, %arg11: memref<80xi32, #tpu.memory_space<vmem>>, %arg12: memref<80xi32, #tpu.memory_space<vmem>>, %arg13: memref<80xi32, #tpu.memory_space<vmem>>, %arg14: memref<80xi32, #tpu.memory_space<vmem>>, %arg15: memref<80xi32, #tpu.memory_space<vmem>>, %arg16: memref<80x128xf32, #tpu.memory_space<vmem>>, %arg17: memref<80x128xf32, #tpu.memory_space<vmem>>, %arg18: memref<80x128xf32, #tpu.memory_space<vmem>>, %arg19: memref<80x128xf32, #tpu.memory_space<vmem>>, %arg20: memref<!tpu.dma_semaphore, #tpu.memory_space<semaphore_mem>>, %arg21: memref<!tpu.dma_semaphore, #tpu.memory_space<semaphore_mem>>, %arg22: memref<!tpu.dma_semaphore, #tpu.memory_space<semaphore_mem>>, %arg23: memref<!tpu.dma_semaphore, #tpu.memory_space<semaphore_mem>>, %arg24: memref<!tpu.dma_semaphore, #tpu.memory_space<semaphore_mem>>, %arg25: memref<!tpu.dma_semaphore, #tpu.memory_space<semaphore_mem>>, %arg26: memref<!tpu.dma_semaphore, #tpu.memory_space<semaphore_mem>>, %arg27: memref<!tpu.dma_semaphore, #tpu.memory_space<semaphore_mem>>) attributes {dimension_semantics = [#tpu.dimension_semantics<core_parallel>, #tpu.dimension_semantics<subcore_parallel>], iteration_bounds = array<i64: 2, 16>, scalar_prefetch = 0 : i64, scratch_operands = 21 : i64, tpu.core_type = #tpu.core_type<sc_vector_subcore>, window_params = [{transform_indices = #map}, {transform_indices = #map1}, {transform_indices = #map1}, {transform_indices = #map}, {transform_indices = #map2}]} {
    %mul3A = arith.constant 2 : i32
    %mul3A_0 = arith.muli %arg1, %mul3A : i32
    %add3A = arith.addi %mul3A_0, %arg0 : i32
    %mul3A_1 = arith.constant 10000 : i32
    %mul3A_2 = arith.muli %add3A, %mul3A_1 : i32
    %mul3A_3 = arith.constant 632 : i32
    %mul3A_4 = arith.muli %arg1, %mul3A_3 : i32
    "tpu.region"() ({
      %run_scoped3A = tpu.sem_alloc : memref<!tpu.dma_semaphore, #tpu.memory_space<semaphore_mem>>
      %dma_start3A_87 = arith.constant 0 : i32
      %dma_start3A_88 = tpu.memref_slice %arg7[%mul3A_4, %dma_start3A_87] : memref<10112x128xf32, #tpu.memory_space<vmem_shared>> -> memref<632x128xf32, #tpu.memory_space<vmem_shared>>
      tpu.enqueue_dma source(%arg5 : memref<632x128xf32, #tpu.memory_space<hbm>>) target(%dma_start3A_88 : memref<632x128xf32, #tpu.memory_space<vmem_shared>>) target_semaphore(%run_scoped3A : memref<!tpu.dma_semaphore, #tpu.memory_space<semaphore_mem>>)
      %dma_wait3A_89 = arith.constant 0 : i32
      %dma_wait3A_90 = tpu.memref_slice %arg7[%mul3A_4, %dma_wait3A_89] : memref<10112x128xf32, #tpu.memory_space<vmem_shared>> -> memref<632x128xf32, #tpu.memory_space<vmem_shared>>
      tpu.wait_dma2 semaphore(%run_scoped3A : memref<!tpu.dma_semaphore, #tpu.memory_space<semaphore_mem>>) src(%arg5 : memref<632x128xf32, #tpu.memory_space<hbm>>) dst(%dma_wait3A_90 : memref<632x128xf32, #tpu.memory_space<vmem_shared>>)
      tpu.yield
    }) : () -> ()
    %barrier3A = arith.constant 0 : index
    tpu.barrier barrier_id(%barrier3A)
    %add3A_5 = arith.constant 0 : i32
    %add3A_6 = arith.addi %mul3A_2, %add3A_5 : i32
    %multiple_of3A = tpu.assume_multiple %add3A_6, 8 : i32
    "tpu.region"() ({
      %run_scoped3A = tpu.sem_alloc : memref<!tpu.dma_semaphore, #tpu.memory_space<semaphore_mem>>
      %dma_start3A_87 = tpu.memref_slice %arg3[%multiple_of3A] : memref<320000xi32, #tpu.memory_space<hbm>> -> memref<80xi32, #tpu.memory_space<hbm>>
      %dma_start3A_88 = tpu.memref_slice %arg3[%multiple_of3A] : memref<320000xi32, #tpu.memory_space<hbm>> -> memref<80xi32, #tpu.memory_space<hbm>>
      tpu.enqueue_dma source(%dma_start3A_88 : memref<80xi32, #tpu.memory_space<hbm>>) target(%arg8 : memref<80xi32, #tpu.memory_space<vmem>>) target_semaphore(%run_scoped3A : memref<!tpu.dma_semaphore, #tpu.memory_space<semaphore_mem>>)
      %dma_wait3A_89 = tpu.memref_slice %arg3[%multiple_of3A] : memref<320000xi32, #tpu.memory_space<hbm>> -> memref<80xi32, #tpu.memory_space<hbm>>
      %dma_wait3A_90 = tpu.memref_slice %arg3[%multiple_of3A] : memref<320000xi32, #tpu.memory_space<hbm>> -> memref<80xi32, #tpu.memory_space<hbm>>
      tpu.wait_dma2 semaphore(%run_scoped3A : memref<!tpu.dma_semaphore, #tpu.memory_space<semaphore_mem>>) src(%dma_wait3A_90 : memref<80xi32, #tpu.memory_space<hbm>>) dst(%arg8 : memref<80xi32, #tpu.memory_space<vmem>>)
      tpu.yield
    }) : () -> ()
    "tpu.region"() ({
      %run_scoped3A = tpu.sem_alloc : memref<!tpu.dma_semaphore, #tpu.memory_space<semaphore_mem>>
      %dma_start3A_87 = tpu.memref_slice %arg4[%multiple_of3A] : memref<320000xi32, #tpu.memory_space<hbm>> -> memref<80xi32, #tpu.memory_space<hbm>>
      %dma_start3A_88 = tpu.memref_slice %arg4[%multiple_of3A] : memref<320000xi32, #tpu.memory_space<hbm>> -> memref<80xi32, #tpu.memory_space<hbm>>
      tpu.enqueue_dma source(%dma_start3A_88 : memref<80xi32, #tpu.memory_space<hbm>>) target(%arg12 : memref<80xi32, #tpu.memory_space<vmem>>) target_semaphore(%run_scoped3A : memref<!tpu.dma_semaphore, #tpu.memory_space<semaphore_mem>>)
      %dma_wait3A_89 = tpu.memref_slice %arg4[%multiple_of3A] : memref<320000xi32, #tpu.memory_space<hbm>> -> memref<80xi32, #tpu.memory_space<hbm>>
      %dma_wait3A_90 = tpu.memref_slice %arg4[%multiple_of3A] : memref<320000xi32, #tpu.memory_space<hbm>> -> memref<80xi32, #tpu.memory_space<hbm>>
      tpu.wait_dma2 semaphore(%run_scoped3A : memref<!tpu.dma_semaphore, #tpu.memory_space<semaphore_mem>>) src(%dma_wait3A_90 : memref<80xi32, #tpu.memory_space<hbm>>) dst(%arg12 : memref<80xi32, #tpu.memory_space<vmem>>)
      tpu.yield
    }) : () -> ()
    %dma_start3A = arith.constant 0 : i32
    %dma_start3A_7 = arith.constant 0 : i32
    %dma_start3A_8 = tpu.memref_slice %arg2[%dma_start3A, %dma_start3A_7] : memref<10000x128xf32, #tpu.memory_space<hbm>> -> memref<10000x128xf32, #tpu.memory_space<hbm>>
    tpu.enqueue_indirect_dma source(%dma_start3A_8 : memref<10000x128xf32, #tpu.memory_space<hbm>>) target(%arg16 : memref<80x128xf32, #tpu.memory_space<vmem>>) offsets(%arg8 : memref<80xi32, #tpu.memory_space<vmem>>) semaphore(%arg20 : memref<!tpu.dma_semaphore, #tpu.memory_space<semaphore_mem>>)
    %add3A_9 = arith.constant 80 : i32
    %add3A_10 = arith.addi %mul3A_2, %add3A_9 : i32
    %multiple_of3A_11 = tpu.assume_multiple %add3A_10, 8 : i32
    "tpu.region"() ({
      %run_scoped3A = tpu.sem_alloc : memref<!tpu.dma_semaphore, #tpu.memory_space<semaphore_mem>>
      %dma_start3A_87 = tpu.memref_slice %arg3[%multiple_of3A_11] : memref<320000xi32, #tpu.memory_space<hbm>> -> memref<80xi32, #tpu.memory_space<hbm>>
      %dma_start3A_88 = tpu.memref_slice %arg3[%multiple_of3A_11] : memref<320000xi32, #tpu.memory_space<hbm>> -> memref<80xi32, #tpu.memory_space<hbm>>
      tpu.enqueue_dma source(%dma_start3A_88 : memref<80xi32, #tpu.memory_space<hbm>>) target(%arg9 : memref<80xi32, #tpu.memory_space<vmem>>) target_semaphore(%run_scoped3A : memref<!tpu.dma_semaphore, #tpu.memory_space<semaphore_mem>>)
      %dma_wait3A_89 = tpu.memref_slice %arg3[%multiple_of3A_11] : memref<320000xi32, #tpu.memory_space<hbm>> -> memref<80xi32, #tpu.memory_space<hbm>>
      %dma_wait3A_90 = tpu.memref_slice %arg3[%multiple_of3A_11] : memref<320000xi32, #tpu.memory_space<hbm>> -> memref<80xi32, #tpu.memory_space<hbm>>
      tpu.wait_dma2 semaphore(%run_scoped3A : memref<!tpu.dma_semaphore, #tpu.memory_space<semaphore_mem>>) src(%dma_wait3A_90 : memref<80xi32, #tpu.memory_space<hbm>>) dst(%arg9 : memref<80xi32, #tpu.memory_space<vmem>>)
      tpu.yield
    }) : () -> ()
    "tpu.region"() ({
      %run_scoped3A = tpu.sem_alloc : memref<!tpu.dma_semaphore, #tpu.memory_space<semaphore_mem>>
      %dma_start3A_87 = tpu.memref_slice %arg4[%multiple_of3A_11] : memref<320000xi32, #tpu.memory_space<hbm>> -> memref<80xi32, #tpu.memory_space<hbm>>
      %dma_start3A_88 = tpu.memref_slice %arg4[%multiple_of3A_11] : memref<320000xi32, #tpu.memory_space<hbm>> -> memref<80xi32, #tpu.memory_space<hbm>>
      tpu.enqueue_dma source(%dma_start3A_88 : memref<80xi32, #tpu.memory_space<hbm>>) target(%arg13 : memref<80xi32, #tpu.memory_space<vmem>>) target_semaphore(%run_scoped3A : memref<!tpu.dma_semaphore, #tpu.memory_space<semaphore_mem>>)
      %dma_wait3A_89 = tpu.memref_slice %arg4[%multiple_of3A_11] : memref<320000xi32, #tpu.memory_space<hbm>> -> memref<80xi32, #tpu.memory_space<hbm>>
      %dma_wait3A_90 = tpu.memref_slice %arg4[%multiple_of3A_11] : memref<320000xi32, #tpu.memory_space<hbm>> -> memref<80xi32, #tpu.memory_space<hbm>>
      tpu.wait_dma2 semaphore(%run_scoped3A : memref<!tpu.dma_semaphore, #tpu.memory_space<semaphore_mem>>) src(%dma_wait3A_90 : memref<80xi32, #tpu.memory_space<hbm>>) dst(%arg13 : memref<80xi32, #tpu.memory_space<vmem>>)
      tpu.yield
    }) : () -> ()
    %dma_start3A_12 = arith.constant 0 : i32
    %dma_start3A_13 = arith.constant 0 : i32
    %dma_start3A_14 = tpu.memref_slice %arg2[%dma_start3A_12, %dma_start3A_13] : memref<10000x128xf32, #tpu.memory_space<hbm>> -> memref<10000x128xf32, #tpu.memory_space<hbm>>
    tpu.enqueue_indirect_dma source(%dma_start3A_14 : memref<10000x128xf32, #tpu.memory_space<hbm>>) target(%arg17 : memref<80x128xf32, #tpu.memory_space<vmem>>) offsets(%arg9 : memref<80xi32, #tpu.memory_space<vmem>>) semaphore(%arg21 : memref<!tpu.dma_semaphore, #tpu.memory_space<semaphore_mem>>)
    %add3A_15 = arith.constant 160 : i32
    %add3A_16 = arith.addi %mul3A_2, %add3A_15 : i32
    %multiple_of3A_17 = tpu.assume_multiple %add3A_16, 8 : i32
    "tpu.region"() ({
      %run_scoped3A = tpu.sem_alloc : memref<!tpu.dma_semaphore, #tpu.memory_space<semaphore_mem>>
      %dma_start3A_87 = tpu.memref_slice %arg3[%multiple_of3A_17] : memref<320000xi32, #tpu.memory_space<hbm>> -> memref<80xi32, #tpu.memory_space<hbm>>
      %dma_start3A_88 = tpu.memref_slice %arg3[%multiple_of3A_17] : memref<320000xi32, #tpu.memory_space<hbm>> -> memref<80xi32, #tpu.memory_space<hbm>>
      tpu.enqueue_dma source(%dma_start3A_88 : memref<80xi32, #tpu.memory_space<hbm>>) target(%arg10 : memref<80xi32, #tpu.memory_space<vmem>>) target_semaphore(%run_scoped3A : memref<!tpu.dma_semaphore, #tpu.memory_space<semaphore_mem>>)
      %dma_wait3A_89 = tpu.memref_slice %arg3[%multiple_of3A_17] : memref<320000xi32, #tpu.memory_space<hbm>> -> memref<80xi32, #tpu.memory_space<hbm>>
      %dma_wait3A_90 = tpu.memref_slice %arg3[%multiple_of3A_17] : memref<320000xi32, #tpu.memory_space<hbm>> -> memref<80xi32, #tpu.memory_space<hbm>>
      tpu.wait_dma2 semaphore(%run_scoped3A : memref<!tpu.dma_semaphore, #tpu.memory_space<semaphore_mem>>) src(%dma_wait3A_90 : memref<80xi32, #tpu.memory_space<hbm>>) dst(%arg10 : memref<80xi32, #tpu.memory_space<vmem>>)
      tpu.yield
    }) : () -> ()
    "tpu.region"() ({
      %run_scoped3A = tpu.sem_alloc : memref<!tpu.dma_semaphore, #tpu.memory_space<semaphore_mem>>
      %dma_start3A_87 = tpu.memref_slice %arg4[%multiple_of3A_17] : memref<320000xi32, #tpu.memory_space<hbm>> -> memref<80xi32, #tpu.memory_space<hbm>>
      %dma_start3A_88 = tpu.memref_slice %arg4[%multiple_of3A_17] : memref<320000xi32, #tpu.memory_space<hbm>> -> memref<80xi32, #tpu.memory_space<hbm>>
      tpu.enqueue_dma source(%dma_start3A_88 : memref<80xi32, #tpu.memory_space<hbm>>) target(%arg14 : memref<80xi32, #tpu.memory_space<vmem>>) target_semaphore(%run_scoped3A : memref<!tpu.dma_semaphore, #tpu.memory_space<semaphore_mem>>)
      %dma_wait3A_89 = tpu.memref_slice %arg4[%multiple_of3A_17] : memref<320000xi32, #tpu.memory_space<hbm>> -> memref<80xi32, #tpu.memory_space<hbm>>
      %dma_wait3A_90 = tpu.memref_slice %arg4[%multiple_of3A_17] : memref<320000xi32, #tpu.memory_space<hbm>> -> memref<80xi32, #tpu.memory_space<hbm>>
      tpu.wait_dma2 semaphore(%run_scoped3A : memref<!tpu.dma_semaphore, #tpu.memory_space<semaphore_mem>>) src(%dma_wait3A_90 : memref<80xi32, #tpu.memory_space<hbm>>) dst(%arg14 : memref<80xi32, #tpu.memory_space<vmem>>)
      tpu.yield
    }) : () -> ()
    %dma_start3A_18 = arith.constant 0 : i32
    %dma_start3A_19 = arith.constant 0 : i32
    %dma_start3A_20 = tpu.memref_slice %arg2[%dma_start3A_18, %dma_start3A_19] : memref<10000x128xf32, #tpu.memory_space<hbm>> -> memref<10000x128xf32, #tpu.memory_space<hbm>>
    tpu.enqueue_indirect_dma source(%dma_start3A_20 : memref<10000x128xf32, #tpu.memory_space<hbm>>) target(%arg18 : memref<80x128xf32, #tpu.memory_space<vmem>>) offsets(%arg10 : memref<80xi32, #tpu.memory_space<vmem>>) semaphore(%arg22 : memref<!tpu.dma_semaphore, #tpu.memory_space<semaphore_mem>>)
    %add3A_21 = arith.constant 240 : i32
    %add3A_22 = arith.addi %mul3A_2, %add3A_21 : i32
    %multiple_of3A_23 = tpu.assume_multiple %add3A_22, 8 : i32
    "tpu.region"() ({
      %run_scoped3A = tpu.sem_alloc : memref<!tpu.dma_semaphore, #tpu.memory_space<semaphore_mem>>
      %dma_start3A_87 = tpu.memref_slice %arg3[%multiple_of3A_23] : memref<320000xi32, #tpu.memory_space<hbm>> -> memref<80xi32, #tpu.memory_space<hbm>>
      %dma_start3A_88 = tpu.memref_slice %arg3[%multiple_of3A_23] : memref<320000xi32, #tpu.memory_space<hbm>> -> memref<80xi32, #tpu.memory_space<hbm>>
      tpu.enqueue_dma source(%dma_start3A_88 : memref<80xi32, #tpu.memory_space<hbm>>) target(%arg11 : memref<80xi32, #tpu.memory_space<vmem>>) target_semaphore(%run_scoped3A : memref<!tpu.dma_semaphore, #tpu.memory_space<semaphore_mem>>)
      %dma_wait3A_89 = tpu.memref_slice %arg3[%multiple_of3A_23] : memref<320000xi32, #tpu.memory_space<hbm>> -> memref<80xi32, #tpu.memory_space<hbm>>
      %dma_wait3A_90 = tpu.memref_slice %arg3[%multiple_of3A_23] : memref<320000xi32, #tpu.memory_space<hbm>> -> memref<80xi32, #tpu.memory_space<hbm>>
      tpu.wait_dma2 semaphore(%run_scoped3A : memref<!tpu.dma_semaphore, #tpu.memory_space<semaphore_mem>>) src(%dma_wait3A_90 : memref<80xi32, #tpu.memory_space<hbm>>) dst(%arg11 : memref<80xi32, #tpu.memory_space<vmem>>)
      tpu.yield
    }) : () -> ()
    "tpu.region"() ({
      %run_scoped3A = tpu.sem_alloc : memref<!tpu.dma_semaphore, #tpu.memory_space<semaphore_mem>>
      %dma_start3A_87 = tpu.memref_slice %arg4[%multiple_of3A_23] : memref<320000xi32, #tpu.memory_space<hbm>> -> memref<80xi32, #tpu.memory_space<hbm>>
      %dma_start3A_88 = tpu.memref_slice %arg4[%multiple_of3A_23] : memref<320000xi32, #tpu.memory_space<hbm>> -> memref<80xi32, #tpu.memory_space<hbm>>
      tpu.enqueue_dma source(%dma_start3A_88 : memref<80xi32, #tpu.memory_space<hbm>>) target(%arg15 : memref<80xi32, #tpu.memory_space<vmem>>) target_semaphore(%run_scoped3A : memref<!tpu.dma_semaphore, #tpu.memory_space<semaphore_mem>>)
      %dma_wait3A_89 = tpu.memref_slice %arg4[%multiple_of3A_23] : memref<320000xi32, #tpu.memory_space<hbm>> -> memref<80xi32, #tpu.memory_space<hbm>>
      %dma_wait3A_90 = tpu.memref_slice %arg4[%multiple_of3A_23] : memref<320000xi32, #tpu.memory_space<hbm>> -> memref<80xi32, #tpu.memory_space<hbm>>
      tpu.wait_dma2 semaphore(%run_scoped3A : memref<!tpu.dma_semaphore, #tpu.memory_space<semaphore_mem>>) src(%dma_wait3A_90 : memref<80xi32, #tpu.memory_space<hbm>>) dst(%arg15 : memref<80xi32, #tpu.memory_space<vmem>>)
      tpu.yield
    }) : () -> ()
    %dma_start3A_24 = arith.constant 0 : i32
    %dma_start3A_25 = arith.constant 0 : i32
    %dma_start3A_26 = tpu.memref_slice %arg2[%dma_start3A_24, %dma_start3A_25] : memref<10000x128xf32, #tpu.memory_space<hbm>> -> memref<10000x128xf32, #tpu.memory_space<hbm>>
    tpu.enqueue_indirect_dma source(%dma_start3A_26 : memref<10000x128xf32, #tpu.memory_space<hbm>>) target(%arg19 : memref<80x128xf32, #tpu.memory_space<vmem>>) offsets(%arg11 : memref<80xi32, #tpu.memory_space<vmem>>) semaphore(%arg23 : memref<!tpu.dma_semaphore, #tpu.memory_space<semaphore_mem>>)
    %scan3A = arith.constant 0 : i32
    %scan3A_27 = arith.constant 0 : i32
    %scan3A_28 = arith.constant 30 : i32
    %scan3A_29 = arith.addi %scan3A_27, %scan3A_28 : i32
    %scan3A_30 = arith.constant 1 : i32
    scf.for %scan3A_87 = %scan3A_27 to %scan3A_29 step %scan3A_30  : i32 {
      %dma_wait3A_88 = arith.constant 0 : i32
      %dma_wait3A_89 = arith.constant 0 : i32
      %dma_wait3A_90 = tpu.memref_slice %arg2[%dma_wait3A_88, %dma_wait3A_89] : memref<10000x128xf32, #tpu.memory_space<hbm>> -> memref<10000x128xf32, #tpu.memory_space<hbm>>
      tpu.wait_indirect_dma semaphore(%arg20 : memref<!tpu.dma_semaphore, #tpu.memory_space<semaphore_mem>>) src(%dma_wait3A_90 : memref<10000x128xf32, #tpu.memory_space<hbm>>) dst(%arg16 : memref<80x128xf32, #tpu.memory_space<vmem>>)
      %dma_start3A_91 = arith.constant 0 : i32
      %dma_start3A_92 = arith.constant 0 : i32
      %dma_start3A_93 = tpu.memref_slice %arg7[%dma_start3A_91, %dma_start3A_92] : memref<10112x128xf32, #tpu.memory_space<vmem_shared>> -> memref<10112x128xf32, #tpu.memory_space<vmem_shared>>
      tpu.enqueue_indirect_dma source(%arg16 : memref<80x128xf32, #tpu.memory_space<vmem>>) target(%dma_start3A_93 : memref<10112x128xf32, #tpu.memory_space<vmem_shared>>) offsets(%arg12 : memref<80xi32, #tpu.memory_space<vmem>>) semaphore(%arg24 : memref<!tpu.dma_semaphore, #tpu.memory_space<semaphore_mem>>) {add = true}
      %dma_wait3A_94 = arith.constant 0 : i32
      %dma_wait3A_95 = arith.constant 0 : i32
      %dma_wait3A_96 = tpu.memref_slice %arg2[%dma_wait3A_94, %dma_wait3A_95] : memref<10000x128xf32, #tpu.memory_space<hbm>> -> memref<10000x128xf32, #tpu.memory_space<hbm>>
      tpu.wait_indirect_dma semaphore(%arg21 : memref<!tpu.dma_semaphore, #tpu.memory_space<semaphore_mem>>) src(%dma_wait3A_96 : memref<10000x128xf32, #tpu.memory_space<hbm>>) dst(%arg17 : memref<80x128xf32, #tpu.memory_space<vmem>>)
      %dma_start3A_97 = arith.constant 0 : i32
      %dma_start3A_98 = arith.constant 0 : i32
      %dma_start3A_99 = tpu.memref_slice %arg7[%dma_start3A_97, %dma_start3A_98] : memref<10112x128xf32, #tpu.memory_space<vmem_shared>> -> memref<10112x128xf32, #tpu.memory_space<vmem_shared>>
      tpu.enqueue_indirect_dma source(%arg17 : memref<80x128xf32, #tpu.memory_space<vmem>>) target(%dma_start3A_99 : memref<10112x128xf32, #tpu.memory_space<vmem_shared>>) offsets(%arg13 : memref<80xi32, #tpu.memory_space<vmem>>) semaphore(%arg25 : memref<!tpu.dma_semaphore, #tpu.memory_space<semaphore_mem>>) {add = true}
      %dma_wait3A_100 = arith.constant 0 : i32
      %dma_wait3A_101 = arith.constant 0 : i32
      %dma_wait3A_102 = tpu.memref_slice %arg2[%dma_wait3A_100, %dma_wait3A_101] : memref<10000x128xf32, #tpu.memory_space<hbm>> -> memref<10000x128xf32, #tpu.memory_space<hbm>>
      tpu.wait_indirect_dma semaphore(%arg22 : memref<!tpu.dma_semaphore, #tpu.memory_space<semaphore_mem>>) src(%dma_wait3A_102 : memref<10000x128xf32, #tpu.memory_space<hbm>>) dst(%arg18 : memref<80x128xf32, #tpu.memory_space<vmem>>)
      %dma_start3A_103 = arith.constant 0 : i32
      %dma_start3A_104 = arith.constant 0 : i32
      %dma_start3A_105 = tpu.memref_slice %arg7[%dma_start3A_103, %dma_start3A_104] : memref<10112x128xf32, #tpu.memory_space<vmem_shared>> -> memref<10112x128xf32, #tpu.memory_space<vmem_shared>>
      tpu.enqueue_indirect_dma source(%arg18 : memref<80x128xf32, #tpu.memory_space<vmem>>) target(%dma_start3A_105 : memref<10112x128xf32, #tpu.memory_space<vmem_shared>>) offsets(%arg14 : memref<80xi32, #tpu.memory_space<vmem>>) semaphore(%arg26 : memref<!tpu.dma_semaphore, #tpu.memory_space<semaphore_mem>>) {add = true}
      %dma_wait3A_106 = arith.constant 0 : i32
      %dma_wait3A_107 = arith.constant 0 : i32
      %dma_wait3A_108 = tpu.memref_slice %arg2[%dma_wait3A_106, %dma_wait3A_107] : memref<10000x128xf32, #tpu.memory_space<hbm>> -> memref<10000x128xf32, #tpu.memory_space<hbm>>
      tpu.wait_indirect_dma semaphore(%arg23 : memref<!tpu.dma_semaphore, #tpu.memory_space<semaphore_mem>>) src(%dma_wait3A_108 : memref<10000x128xf32, #tpu.memory_space<hbm>>) dst(%arg19 : memref<80x128xf32, #tpu.memory_space<vmem>>)
      %dma_start3A_109 = arith.constant 0 : i32
      %dma_start3A_110 = arith.constant 0 : i32
      %dma_start3A_111 = tpu.memref_slice %arg7[%dma_start3A_109, %dma_start3A_110] : memref<10112x128xf32, #tpu.memory_space<vmem_shared>> -> memref<10112x128xf32, #tpu.memory_space<vmem_shared>>
      tpu.enqueue_indirect_dma source(%arg19 : memref<80x128xf32, #tpu.memory_space<vmem>>) target(%dma_start3A_111 : memref<10112x128xf32, #tpu.memory_space<vmem_shared>>) offsets(%arg15 : memref<80xi32, #tpu.memory_space<vmem>>) semaphore(%arg27 : memref<!tpu.dma_semaphore, #tpu.memory_space<semaphore_mem>>) {add = true}
      %dma_wait3A_112 = arith.constant 0 : i32
      %dma_wait3A_113 = arith.constant 0 : i32
      %dma_wait3A_114 = tpu.memref_slice %arg7[%dma_wait3A_112, %dma_wait3A_113] : memref<10112x128xf32, #tpu.memory_space<vmem_shared>> -> memref<10112x128xf32, #tpu.memory_space<vmem_shared>>
      tpu.wait_indirect_dma semaphore(%arg24 : memref<!tpu.dma_semaphore, #tpu.memory_space<semaphore_mem>>) src(%arg16 : memref<80x128xf32, #tpu.memory_space<vmem>>) dst(%dma_wait3A_114 : memref<10112x128xf32, #tpu.memory_space<vmem_shared>>)
      %mul3A_115 = arith.constant 4 : i32
      %mul3A_116 = arith.muli %mul3A_115, %scan3A_87 : i32
      %add3A_117 = arith.constant 4 : i32
      %add3A_118 = arith.addi %mul3A_116, %add3A_117 : i32
      %add3A_119 = arith.constant 0 : i32
      %add3A_120 = arith.addi %add3A_118, %add3A_119 : i32
      %mul3A_121 = arith.constant 80 : i32
      %mul3A_122 = arith.muli %add3A_120, %mul3A_121 : i32
      %add3A_123 = arith.addi %mul3A_2, %mul3A_122 : i32
      %multiple_of3A_124 = tpu.assume_multiple %add3A_123, 8 : i32
      "tpu.region"() ({
        %run_scoped3A = tpu.sem_alloc : memref<!tpu.dma_semaphore, #tpu.memory_space<semaphore_mem>>
        %dma_start3A_176 = tpu.memref_slice %arg3[%multiple_of3A_124] : memref<320000xi32, #tpu.memory_space<hbm>> -> memref<80xi32, #tpu.memory_space<hbm>>
        %dma_start3A_177 = tpu.memref_slice %arg3[%multiple_of3A_124] : memref<320000xi32, #tpu.memory_space<hbm>> -> memref<80xi32, #tpu.memory_space<hbm>>
        tpu.enqueue_dma source(%dma_start3A_177 : memref<80xi32, #tpu.memory_space<hbm>>) target(%arg8 : memref<80xi32, #tpu.memory_space<vmem>>) target_semaphore(%run_scoped3A : memref<!tpu.dma_semaphore, #tpu.memory_space<semaphore_mem>>)
        %dma_wait3A_178 = tpu.memref_slice %arg3[%multiple_of3A_124] : memref<320000xi32, #tpu.memory_space<hbm>> -> memref<80xi32, #tpu.memory_space<hbm>>
        %dma_wait3A_179 = tpu.memref_slice %arg3[%multiple_of3A_124] : memref<320000xi32, #tpu.memory_space<hbm>> -> memref<80xi32, #tpu.memory_space<hbm>>
        tpu.wait_dma2 semaphore(%run_scoped3A : memref<!tpu.dma_semaphore, #tpu.memory_space<semaphore_mem>>) src(%dma_wait3A_179 : memref<80xi32, #tpu.memory_space<hbm>>) dst(%arg8 : memref<80xi32, #tpu.memory_space<vmem>>)
        tpu.yield
      }) : () -> ()
      "tpu.region"() ({
        %run_scoped3A = tpu.sem_alloc : memref<!tpu.dma_semaphore, #tpu.memory_space<semaphore_mem>>
        %dma_start3A_176 = tpu.memref_slice %arg4[%multiple_of3A_124] : memref<320000xi32, #tpu.memory_space<hbm>> -> memref<80xi32, #tpu.memory_space<hbm>>
        %dma_start3A_177 = tpu.memref_slice %arg4[%multiple_of3A_124] : memref<320000xi32, #tpu.memory_space<hbm>> -> memref<80xi32, #tpu.memory_space<hbm>>
        tpu.enqueue_dma source(%dma_start3A_177 : memref<80xi32, #tpu.memory_space<hbm>>) target(%arg12 : memref<80xi32, #tpu.memory_space<vmem>>) target_semaphore(%run_scoped3A : memref<!tpu.dma_semaphore, #tpu.memory_space<semaphore_mem>>)
        %dma_wait3A_178 = tpu.memref_slice %arg4[%multiple_of3A_124] : memref<320000xi32, #tpu.memory_space<hbm>> -> memref<80xi32, #tpu.memory_space<hbm>>
        %dma_wait3A_179 = tpu.memref_slice %arg4[%multiple_of3A_124] : memref<320000xi32, #tpu.memory_space<hbm>> -> memref<80xi32, #tpu.memory_space<hbm>>
        tpu.wait_dma2 semaphore(%run_scoped3A : memref<!tpu.dma_semaphore, #tpu.memory_space<semaphore_mem>>) src(%dma_wait3A_179 : memref<80xi32, #tpu.memory_space<hbm>>) dst(%arg12 : memref<80xi32, #tpu.memory_space<vmem>>)
        tpu.yield
      }) : () -> ()
      %dma_start3A_125 = arith.constant 0 : i32
      %dma_start3A_126 = arith.constant 0 : i32
      %dma_start3A_127 = tpu.memref_slice %arg2[%dma_start3A_125, %dma_start3A_126] : memref<10000x128xf32, #tpu.memory_space<hbm>> -> memref<10000x128xf32, #tpu.memory_space<hbm>>
      tpu.enqueue_indirect_dma source(%dma_start3A_127 : memref<10000x128xf32, #tpu.memory_space<hbm>>) target(%arg16 : memref<80x128xf32, #tpu.memory_space<vmem>>) offsets(%arg8 : memref<80xi32, #tpu.memory_space<vmem>>) semaphore(%arg20 : memref<!tpu.dma_semaphore, #tpu.memory_space<semaphore_mem>>)
      %dma_wait3A_128 = arith.constant 0 : i32
      %dma_wait3A_129 = arith.constant 0 : i32
      %dma_wait3A_130 = tpu.memref_slice %arg7[%dma_wait3A_128, %dma_wait3A_129] : memref<10112x128xf32, #tpu.memory_space<vmem_shared>> -> memref<10112x128xf32, #tpu.memory_space<vmem_shared>>
      tpu.wait_indirect_dma semaphore(%arg25 : memref<!tpu.dma_semaphore, #tpu.memory_space<semaphore_mem>>) src(%arg17 : memref<80x128xf32, #tpu.memory_space<vmem>>) dst(%dma_wait3A_130 : memref<10112x128xf32, #tpu.memory_space<vmem_shared>>)
      %mul3A_131 = arith.constant 4 : i32
      %mul3A_132 = arith.muli %mul3A_131, %scan3A_87 : i32
      %add3A_133 = arith.constant 4 : i32
      %add3A_134 = arith.addi %mul3A_132, %add3A_133 : i32
      %add3A_135 = arith.constant 1 : i32
      %add3A_136 = arith.addi %add3A_134, %add3A_135 : i32
      %mul3A_137 = arith.constant 80 : i32
      %mul3A_138 = arith.muli %add3A_136, %mul3A_137 : i32
      %add3A_139 = arith.addi %mul3A_2, %mul3A_138 : i32
      %multiple_of3A_140 = tpu.assume_multiple %add3A_139, 8 : i32
      "tpu.region"() ({
        %run_scoped3A = tpu.sem_alloc : memref<!tpu.dma_semaphore, #tpu.memory_space<semaphore_mem>>
        %dma_start3A_176 = tpu.memref_slice %arg3[%multiple_of3A_140] : memref<320000xi32, #tpu.memory_space<hbm>> -> memref<80xi32, #tpu.memory_space<hbm>>
        %dma_start3A_177 = tpu.memref_slice %arg3[%multiple_of3A_140] : memref<320000xi32, #tpu.memory_space<hbm>> -> memref<80xi32, #tpu.memory_space<hbm>>
        tpu.enqueue_dma source(%dma_start3A_177 : memref<80xi32, #tpu.memory_space<hbm>>) target(%arg9 : memref<80xi32, #tpu.memory_space<vmem>>) target_semaphore(%run_scoped3A : memref<!tpu.dma_semaphore, #tpu.memory_space<semaphore_mem>>)
        %dma_wait3A_178 = tpu.memref_slice %arg3[%multiple_of3A_140] : memref<320000xi32, #tpu.memory_space<hbm>> -> memref<80xi32, #tpu.memory_space<hbm>>
        %dma_wait3A_179 = tpu.memref_slice %arg3[%multiple_of3A_140] : memref<320000xi32, #tpu.memory_space<hbm>> -> memref<80xi32, #tpu.memory_space<hbm>>
        tpu.wait_dma2 semaphore(%run_scoped3A : memref<!tpu.dma_semaphore, #tpu.memory_space<semaphore_mem>>) src(%dma_wait3A_179 : memref<80xi32, #tpu.memory_space<hbm>>) dst(%arg9 : memref<80xi32, #tpu.memory_space<vmem>>)
        tpu.yield
      }) : () -> ()
      "tpu.region"() ({
        %run_scoped3A = tpu.sem_alloc : memref<!tpu.dma_semaphore, #tpu.memory_space<semaphore_mem>>
        %dma_start3A_176 = tpu.memref_slice %arg4[%multiple_of3A_140] : memref<320000xi32, #tpu.memory_space<hbm>> -> memref<80xi32, #tpu.memory_space<hbm>>
        %dma_start3A_177 = tpu.memref_slice %arg4[%multiple_of3A_140] : memref<320000xi32, #tpu.memory_space<hbm>> -> memref<80xi32, #tpu.memory_space<hbm>>
        tpu.enqueue_dma source(%dma_start3A_177 : memref<80xi32, #tpu.memory_space<hbm>>) target(%arg13 : memref<80xi32, #tpu.memory_space<vmem>>) target_semaphore(%run_scoped3A : memref<!tpu.dma_semaphore, #tpu.memory_space<semaphore_mem>>)
        %dma_wait3A_178 = tpu.memref_slice %arg4[%multiple_of3A_140] : memref<320000xi32, #tpu.memory_space<hbm>> -> memref<80xi32, #tpu.memory_space<hbm>>
        %dma_wait3A_179 = tpu.memref_slice %arg4[%multiple_of3A_140] : memref<320000xi32, #tpu.memory_space<hbm>> -> memref<80xi32, #tpu.memory_space<hbm>>
        tpu.wait_dma2 semaphore(%run_scoped3A : memref<!tpu.dma_semaphore, #tpu.memory_space<semaphore_mem>>) src(%dma_wait3A_179 : memref<80xi32, #tpu.memory_space<hbm>>) dst(%arg13 : memref<80xi32, #tpu.memory_space<vmem>>)
        tpu.yield
      }) : () -> ()
      %dma_start3A_141 = arith.constant 0 : i32
      %dma_start3A_142 = arith.constant 0 : i32
      %dma_start3A_143 = tpu.memref_slice %arg2[%dma_start3A_141, %dma_start3A_142] : memref<10000x128xf32, #tpu.memory_space<hbm>> -> memref<10000x128xf32, #tpu.memory_space<hbm>>
      tpu.enqueue_indirect_dma source(%dma_start3A_143 : memref<10000x128xf32, #tpu.memory_space<hbm>>) target(%arg17 : memref<80x128xf32, #tpu.memory_space<vmem>>) offsets(%arg9 : memref<80xi32, #tpu.memory_space<vmem>>) semaphore(%arg21 : memref<!tpu.dma_semaphore, #tpu.memory_space<semaphore_mem>>)
      %dma_wait3A_144 = arith.constant 0 : i32
      %dma_wait3A_145 = arith.constant 0 : i32
      %dma_wait3A_146 = tpu.memref_slice %arg7[%dma_wait3A_144, %dma_wait3A_145] : memref<10112x128xf32, #tpu.memory_space<vmem_shared>> -> memref<10112x128xf32, #tpu.memory_space<vmem_shared>>
      tpu.wait_indirect_dma semaphore(%arg26 : memref<!tpu.dma_semaphore, #tpu.memory_space<semaphore_mem>>) src(%arg18 : memref<80x128xf32, #tpu.memory_space<vmem>>) dst(%dma_wait3A_146 : memref<10112x128xf32, #tpu.memory_space<vmem_shared>>)
      %mul3A_147 = arith.constant 4 : i32
      %mul3A_148 = arith.muli %mul3A_147, %scan3A_87 : i32
      %add3A_149 = arith.constant 4 : i32
      %add3A_150 = arith.addi %mul3A_148, %add3A_149 : i32
      %add3A_151 = arith.constant 2 : i32
      %add3A_152 = arith.addi %add3A_150, %add3A_151 : i32
      %mul3A_153 = arith.constant 80 : i32
      %mul3A_154 = arith.muli %add3A_152, %mul3A_153 : i32
      %add3A_155 = arith.addi %mul3A_2, %mul3A_154 : i32
      %multiple_of3A_156 = tpu.assume_multiple %add3A_155, 8 : i32
      "tpu.region"() ({
        %run_scoped3A = tpu.sem_alloc : memref<!tpu.dma_semaphore, #tpu.memory_space<semaphore_mem>>
        %dma_start3A_176 = tpu.memref_slice %arg3[%multiple_of3A_156] : memref<320000xi32, #tpu.memory_space<hbm>> -> memref<80xi32, #tpu.memory_space<hbm>>
        %dma_start3A_177 = tpu.memref_slice %arg3[%multiple_of3A_156] : memref<320000xi32, #tpu.memory_space<hbm>> -> memref<80xi32, #tpu.memory_space<hbm>>
        tpu.enqueue_dma source(%dma_start3A_177 : memref<80xi32, #tpu.memory_space<hbm>>) target(%arg10 : memref<80xi32, #tpu.memory_space<vmem>>) target_semaphore(%run_scoped3A : memref<!tpu.dma_semaphore, #tpu.memory_space<semaphore_mem>>)
        %dma_wait3A_178 = tpu.memref_slice %arg3[%multiple_of3A_156] : memref<320000xi32, #tpu.memory_space<hbm>> -> memref<80xi32, #tpu.memory_space<hbm>>
        %dma_wait3A_179 = tpu.memref_slice %arg3[%multiple_of3A_156] : memref<320000xi32, #tpu.memory_space<hbm>> -> memref<80xi32, #tpu.memory_space<hbm>>
        tpu.wait_dma2 semaphore(%run_scoped3A : memref<!tpu.dma_semaphore, #tpu.memory_space<semaphore_mem>>) src(%dma_wait3A_179 : memref<80xi32, #tpu.memory_space<hbm>>) dst(%arg10 : memref<80xi32, #tpu.memory_space<vmem>>)
        tpu.yield
      }) : () -> ()
      "tpu.region"() ({
        %run_scoped3A = tpu.sem_alloc : memref<!tpu.dma_semaphore, #tpu.memory_space<semaphore_mem>>
        %dma_start3A_176 = tpu.memref_slice %arg4[%multiple_of3A_156] : memref<320000xi32, #tpu.memory_space<hbm>> -> memref<80xi32, #tpu.memory_space<hbm>>
        %dma_start3A_177 = tpu.memref_slice %arg4[%multiple_of3A_156] : memref<320000xi32, #tpu.memory_space<hbm>> -> memref<80xi32, #tpu.memory_space<hbm>>
        tpu.enqueue_dma source(%dma_start3A_177 : memref<80xi32, #tpu.memory_space<hbm>>) target(%arg14 : memref<80xi32, #tpu.memory_space<vmem>>) target_semaphore(%run_scoped3A : memref<!tpu.dma_semaphore, #tpu.memory_space<semaphore_mem>>)
        %dma_wait3A_178 = tpu.memref_slice %arg4[%multiple_of3A_156] : memref<320000xi32, #tpu.memory_space<hbm>> -> memref<80xi32, #tpu.memory_space<hbm>>
        %dma_wait3A_179 = tpu.memref_slice %arg4[%multiple_of3A_156] : memref<320000xi32, #tpu.memory_space<hbm>> -> memref<80xi32, #tpu.memory_space<hbm>>
        tpu.wait_dma2 semaphore(%run_scoped3A : memref<!tpu.dma_semaphore, #tpu.memory_space<semaphore_mem>>) src(%dma_wait3A_179 : memref<80xi32, #tpu.memory_space<hbm>>) dst(%arg14 : memref<80xi32, #tpu.memory_space<vmem>>)
        tpu.yield
      }) : () -> ()
      %dma_start3A_157 = arith.constant 0 : i32
      %dma_start3A_158 = arith.constant 0 : i32
      %dma_start3A_159 = tpu.memref_slice %arg2[%dma_start3A_157, %dma_start3A_158] : memref<10000x128xf32, #tpu.memory_space<hbm>> -> memref<10000x128xf32, #tpu.memory_space<hbm>>
      tpu.enqueue_indirect_dma source(%dma_start3A_159 : memref<10000x128xf32, #tpu.memory_space<hbm>>) target(%arg18 : memref<80x128xf32, #tpu.memory_space<vmem>>) offsets(%arg10 : memref<80xi32, #tpu.memory_space<vmem>>) semaphore(%arg22 : memref<!tpu.dma_semaphore, #tpu.memory_space<semaphore_mem>>)
      %dma_wait3A_160 = arith.constant 0 : i32
      %dma_wait3A_161 = arith.constant 0 : i32
      %dma_wait3A_162 = tpu.memref_slice %arg7[%dma_wait3A_160, %dma_wait3A_161] : memref<10112x128xf32, #tpu.memory_space<vmem_shared>> -> memref<10112x128xf32, #tpu.memory_space<vmem_shared>>
      tpu.wait_indirect_dma semaphore(%arg27 : memref<!tpu.dma_semaphore, #tpu.memory_space<semaphore_mem>>) src(%arg19 : memref<80x128xf32, #tpu.memory_space<vmem>>) dst(%dma_wait3A_162 : memref<10112x128xf32, #tpu.memory_space<vmem_shared>>)
      %mul3A_163 = arith.constant 4 : i32
      %mul3A_164 = arith.muli %mul3A_163, %scan3A_87 : i32
      %add3A_165 = arith.constant 4 : i32
      %add3A_166 = arith.addi %mul3A_164, %add3A_165 : i32
      %add3A_167 = arith.constant 3 : i32
      %add3A_168 = arith.addi %add3A_166, %add3A_167 : i32
      %mul3A_169 = arith.constant 80 : i32
      %mul3A_170 = arith.muli %add3A_168, %mul3A_169 : i32
      %add3A_171 = arith.addi %mul3A_2, %mul3A_170 : i32
      %multiple_of3A_172 = tpu.assume_multiple %add3A_171, 8 : i32
      "tpu.region"() ({
        %run_scoped3A = tpu.sem_alloc : memref<!tpu.dma_semaphore, #tpu.memory_space<semaphore_mem>>
        %dma_start3A_176 = tpu.memref_slice %arg3[%multiple_of3A_172] : memref<320000xi32, #tpu.memory_space<hbm>> -> memref<80xi32, #tpu.memory_space<hbm>>
        %dma_start3A_177 = tpu.memref_slice %arg3[%multiple_of3A_172] : memref<320000xi32, #tpu.memory_space<hbm>> -> memref<80xi32, #tpu.memory_space<hbm>>
        tpu.enqueue_dma source(%dma_start3A_177 : memref<80xi32, #tpu.memory_space<hbm>>) target(%arg11 : memref<80xi32, #tpu.memory_space<vmem>>) target_semaphore(%run_scoped3A : memref<!tpu.dma_semaphore, #tpu.memory_space<semaphore_mem>>)
        %dma_wait3A_178 = tpu.memref_slice %arg3[%multiple_of3A_172] : memref<320000xi32, #tpu.memory_space<hbm>> -> memref<80xi32, #tpu.memory_space<hbm>>
        %dma_wait3A_179 = tpu.memref_slice %arg3[%multiple_of3A_172] : memref<320000xi32, #tpu.memory_space<hbm>> -> memref<80xi32, #tpu.memory_space<hbm>>
        tpu.wait_dma2 semaphore(%run_scoped3A : memref<!tpu.dma_semaphore, #tpu.memory_space<semaphore_mem>>) src(%dma_wait3A_179 : memref<80xi32, #tpu.memory_space<hbm>>) dst(%arg11 : memref<80xi32, #tpu.memory_space<vmem>>)
        tpu.yield
      }) : () -> ()
      "tpu.region"() ({
        %run_scoped3A = tpu.sem_alloc : memref<!tpu.dma_semaphore, #tpu.memory_space<semaphore_mem>>
        %dma_start3A_176 = tpu.memref_slice %arg4[%multiple_of3A_172] : memref<320000xi32, #tpu.memory_space<hbm>> -> memref<80xi32, #tpu.memory_space<hbm>>
        %dma_start3A_177 = tpu.memref_slice %arg4[%multiple_of3A_172] : memref<320000xi32, #tpu.memory_space<hbm>> -> memref<80xi32, #tpu.memory_space<hbm>>
        tpu.enqueue_dma source(%dma_start3A_177 : memref<80xi32, #tpu.memory_space<hbm>>) target(%arg15 : memref<80xi32, #tpu.memory_space<vmem>>) target_semaphore(%run_scoped3A : memref<!tpu.dma_semaphore, #tpu.memory_space<semaphore_mem>>)
        %dma_wait3A_178 = tpu.memref_slice %arg4[%multiple_of3A_172] : memref<320000xi32, #tpu.memory_space<hbm>> -> memref<80xi32, #tpu.memory_space<hbm>>
        %dma_wait3A_179 = tpu.memref_slice %arg4[%multiple_of3A_172] : memref<320000xi32, #tpu.memory_space<hbm>> -> memref<80xi32, #tpu.memory_space<hbm>>
        tpu.wait_dma2 semaphore(%run_scoped3A : memref<!tpu.dma_semaphore, #tpu.memory_space<semaphore_mem>>) src(%dma_wait3A_179 : memref<80xi32, #tpu.memory_space<hbm>>) dst(%arg15 : memref<80xi32, #tpu.memory_space<vmem>>)
        tpu.yield
      }) : () -> ()
      %dma_start3A_173 = arith.constant 0 : i32
      %dma_start3A_174 = arith.constant 0 : i32
      %dma_start3A_175 = tpu.memref_slice %arg2[%dma_start3A_173, %dma_start3A_174] : memref<10000x128xf32, #tpu.memory_space<hbm>> -> memref<10000x128xf32, #tpu.memory_space<hbm>>
      tpu.enqueue_indirect_dma source(%dma_start3A_175 : memref<10000x128xf32, #tpu.memory_space<hbm>>) target(%arg19 : memref<80x128xf32, #tpu.memory_space<vmem>>) offsets(%arg11 : memref<80xi32, #tpu.memory_space<vmem>>) semaphore(%arg23 : memref<!tpu.dma_semaphore, #tpu.memory_space<semaphore_mem>>)
    }
    %scan3A_31 = arith.constant 30 : i32
    %dma_wait3A = arith.constant 0 : i32
    %dma_wait3A_32 = arith.constant 0 : i32
    %dma_wait3A_33 = tpu.memref_slice %arg2[%dma_wait3A, %dma_wait3A_32] : memref<10000x128xf32, #tpu.memory_space<hbm>> -> memref<10000x128xf32, #tpu.memory_space<hbm>>
    tpu.wait_indirect_dma semaphore(%arg20 : memref<!tpu.dma_semaphore, #tpu.memory_space<semaphore_mem>>) src(%dma_wait3A_33 : memref<10000x128xf32, #tpu.memory_space<hbm>>) dst(%arg16 : memref<80x128xf32, #tpu.memory_space<vmem>>)
    %dma_start3A_34 = arith.constant 0 : i32
    %dma_start3A_35 = arith.constant 0 : i32
    %dma_start3A_36 = tpu.memref_slice %arg7[%dma_start3A_34, %dma_start3A_35] : memref<10112x128xf32, #tpu.memory_space<vmem_shared>> -> memref<10112x128xf32, #tpu.memory_space<vmem_shared>>
    tpu.enqueue_indirect_dma source(%arg16 : memref<80x128xf32, #tpu.memory_space<vmem>>) target(%dma_start3A_36 : memref<10112x128xf32, #tpu.memory_space<vmem_shared>>) offsets(%arg12 : memref<80xi32, #tpu.memory_space<vmem>>) semaphore(%arg24 : memref<!tpu.dma_semaphore, #tpu.memory_space<semaphore_mem>>) {add = true}
    %dma_wait3A_37 = arith.constant 0 : i32
    %dma_wait3A_38 = arith.constant 0 : i32
    %dma_wait3A_39 = tpu.memref_slice %arg2[%dma_wait3A_37, %dma_wait3A_38] : memref<10000x128xf32, #tpu.memory_space<hbm>> -> memref<10000x128xf32, #tpu.memory_space<hbm>>
    tpu.wait_indirect_dma semaphore(%arg21 : memref<!tpu.dma_semaphore, #tpu.memory_space<semaphore_mem>>) src(%dma_wait3A_39 : memref<10000x128xf32, #tpu.memory_space<hbm>>) dst(%arg17 : memref<80x128xf32, #tpu.memory_space<vmem>>)
    %dma_start3A_40 = arith.constant 0 : i32
    %dma_start3A_41 = arith.constant 0 : i32
    %dma_start3A_42 = tpu.memref_slice %arg7[%dma_start3A_40, %dma_start3A_41] : memref<10112x128xf32, #tpu.memory_space<vmem_shared>> -> memref<10112x128xf32, #tpu.memory_space<vmem_shared>>
    tpu.enqueue_indirect_dma source(%arg17 : memref<80x128xf32, #tpu.memory_space<vmem>>) target(%dma_start3A_42 : memref<10112x128xf32, #tpu.memory_space<vmem_shared>>) offsets(%arg13 : memref<80xi32, #tpu.memory_space<vmem>>) semaphore(%arg25 : memref<!tpu.dma_semaphore, #tpu.memory_space<semaphore_mem>>) {add = true}
    %dma_wait3A_43 = arith.constant 0 : i32
    %dma_wait3A_44 = arith.constant 0 : i32
    %dma_wait3A_45 = tpu.memref_slice %arg2[%dma_wait3A_43, %dma_wait3A_44] : memref<10000x128xf32, #tpu.memory_space<hbm>> -> memref<10000x128xf32, #tpu.memory_space<hbm>>
    tpu.wait_indirect_dma semaphore(%arg22 : memref<!tpu.dma_semaphore, #tpu.memory_space<semaphore_mem>>) src(%dma_wait3A_45 : memref<10000x128xf32, #tpu.memory_space<hbm>>) dst(%arg18 : memref<80x128xf32, #tpu.memory_space<vmem>>)
    %dma_start3A_46 = arith.constant 0 : i32
    %dma_start3A_47 = arith.constant 0 : i32
    %dma_start3A_48 = tpu.memref_slice %arg7[%dma_start3A_46, %dma_start3A_47] : memref<10112x128xf32, #tpu.memory_space<vmem_shared>> -> memref<10112x128xf32, #tpu.memory_space<vmem_shared>>
    tpu.enqueue_indirect_dma source(%arg18 : memref<80x128xf32, #tpu.memory_space<vmem>>) target(%dma_start3A_48 : memref<10112x128xf32, #tpu.memory_space<vmem_shared>>) offsets(%arg14 : memref<80xi32, #tpu.memory_space<vmem>>) semaphore(%arg26 : memref<!tpu.dma_semaphore, #tpu.memory_space<semaphore_mem>>) {add = true}
    %dma_wait3A_49 = arith.constant 0 : i32
    %dma_wait3A_50 = arith.constant 0 : i32
    %dma_wait3A_51 = tpu.memref_slice %arg2[%dma_wait3A_49, %dma_wait3A_50] : memref<10000x128xf32, #tpu.memory_space<hbm>> -> memref<10000x128xf32, #tpu.memory_space<hbm>>
    tpu.wait_indirect_dma semaphore(%arg23 : memref<!tpu.dma_semaphore, #tpu.memory_space<semaphore_mem>>) src(%dma_wait3A_51 : memref<10000x128xf32, #tpu.memory_space<hbm>>) dst(%arg19 : memref<80x128xf32, #tpu.memory_space<vmem>>)
    %dma_start3A_52 = arith.constant 0 : i32
    %dma_start3A_53 = arith.constant 0 : i32
    %dma_start3A_54 = tpu.memref_slice %arg7[%dma_start3A_52, %dma_start3A_53] : memref<10112x128xf32, #tpu.memory_space<vmem_shared>> -> memref<10112x128xf32, #tpu.memory_space<vmem_shared>>
    tpu.enqueue_indirect_dma source(%arg19 : memref<80x128xf32, #tpu.memory_space<vmem>>) target(%dma_start3A_54 : memref<10112x128xf32, #tpu.memory_space<vmem_shared>>) offsets(%arg15 : memref<80xi32, #tpu.memory_space<vmem>>) semaphore(%arg27 : memref<!tpu.dma_semaphore, #tpu.memory_space<semaphore_mem>>) {add = true}
    %dma_wait3A_55 = arith.constant 0 : i32
    %dma_wait3A_56 = arith.constant 0 : i32
    %dma_wait3A_57 = tpu.memref_slice %arg7[%dma_wait3A_55, %dma_wait3A_56] : memref<10112x128xf32, #tpu.memory_space<vmem_shared>> -> memref<10112x128xf32, #tpu.memory_space<vmem_shared>>
    tpu.wait_indirect_dma semaphore(%arg24 : memref<!tpu.dma_semaphore, #tpu.memory_space<semaphore_mem>>) src(%arg16 : memref<80x128xf32, #tpu.memory_space<vmem>>) dst(%dma_wait3A_57 : memref<10112x128xf32, #tpu.memory_space<vmem_shared>>)
    %add3A_58 = arith.constant 9920 : i32
    %add3A_59 = arith.addi %mul3A_2, %add3A_58 : i32
    %multiple_of3A_60 = tpu.assume_multiple %add3A_59, 8 : i32
    "tpu.region"() ({
      %run_scoped3A = tpu.sem_alloc : memref<!tpu.dma_semaphore, #tpu.memory_space<semaphore_mem>>
      %dma_start3A_87 = tpu.memref_slice %arg3[%multiple_of3A_60] : memref<320000xi32, #tpu.memory_space<hbm>> -> memref<80xi32, #tpu.memory_space<hbm>>
      %dma_start3A_88 = tpu.memref_slice %arg3[%multiple_of3A_60] : memref<320000xi32, #tpu.memory_space<hbm>> -> memref<80xi32, #tpu.memory_space<hbm>>
      tpu.enqueue_dma source(%dma_start3A_88 : memref<80xi32, #tpu.memory_space<hbm>>) target(%arg8 : memref<80xi32, #tpu.memory_space<vmem>>) target_semaphore(%run_scoped3A : memref<!tpu.dma_semaphore, #tpu.memory_space<semaphore_mem>>)
      %dma_wait3A_89 = tpu.memref_slice %arg3[%multiple_of3A_60] : memref<320000xi32, #tpu.memory_space<hbm>> -> memref<80xi32, #tpu.memory_space<hbm>>
      %dma_wait3A_90 = tpu.memref_slice %arg3[%multiple_of3A_60] : memref<320000xi32, #tpu.memory_space<hbm>> -> memref<80xi32, #tpu.memory_space<hbm>>
      tpu.wait_dma2 semaphore(%run_scoped3A : memref<!tpu.dma_semaphore, #tpu.memory_space<semaphore_mem>>) src(%dma_wait3A_90 : memref<80xi32, #tpu.memory_space<hbm>>) dst(%arg8 : memref<80xi32, #tpu.memory_space<vmem>>)
      tpu.yield
    }) : () -> ()
    "tpu.region"() ({
      %run_scoped3A = tpu.sem_alloc : memref<!tpu.dma_semaphore, #tpu.memory_space<semaphore_mem>>
      %dma_start3A_87 = tpu.memref_slice %arg4[%multiple_of3A_60] : memref<320000xi32, #tpu.memory_space<hbm>> -> memref<80xi32, #tpu.memory_space<hbm>>
      %dma_start3A_88 = tpu.memref_slice %arg4[%multiple_of3A_60] : memref<320000xi32, #tpu.memory_space<hbm>> -> memref<80xi32, #tpu.memory_space<hbm>>
      tpu.enqueue_dma source(%dma_start3A_88 : memref<80xi32, #tpu.memory_space<hbm>>) target(%arg12 : memref<80xi32, #tpu.memory_space<vmem>>) target_semaphore(%run_scoped3A : memref<!tpu.dma_semaphore, #tpu.memory_space<semaphore_mem>>)
      %dma_wait3A_89 = tpu.memref_slice %arg4[%multiple_of3A_60] : memref<320000xi32, #tpu.memory_space<hbm>> -> memref<80xi32, #tpu.memory_space<hbm>>
      %dma_wait3A_90 = tpu.memref_slice %arg4[%multiple_of3A_60] : memref<320000xi32, #tpu.memory_space<hbm>> -> memref<80xi32, #tpu.memory_space<hbm>>
      tpu.wait_dma2 semaphore(%run_scoped3A : memref<!tpu.dma_semaphore, #tpu.memory_space<semaphore_mem>>) src(%dma_wait3A_90 : memref<80xi32, #tpu.memory_space<hbm>>) dst(%arg12 : memref<80xi32, #tpu.memory_space<vmem>>)
      tpu.yield
    }) : () -> ()
    %dma_start3A_61 = arith.constant 0 : i32
    %dma_start3A_62 = arith.constant 0 : i32
    %dma_start3A_63 = tpu.memref_slice %arg2[%dma_start3A_61, %dma_start3A_62] : memref<10000x128xf32, #tpu.memory_space<hbm>> -> memref<10000x128xf32, #tpu.memory_space<hbm>>
    tpu.enqueue_indirect_dma source(%dma_start3A_63 : memref<10000x128xf32, #tpu.memory_space<hbm>>) target(%arg16 : memref<80x128xf32, #tpu.memory_space<vmem>>) offsets(%arg8 : memref<80xi32, #tpu.memory_space<vmem>>) semaphore(%arg20 : memref<!tpu.dma_semaphore, #tpu.memory_space<semaphore_mem>>)
    %dma_wait3A_64 = arith.constant 0 : i32
    %dma_wait3A_65 = arith.constant 0 : i32
    %dma_wait3A_66 = tpu.memref_slice %arg2[%dma_wait3A_64, %dma_wait3A_65] : memref<10000x128xf32, #tpu.memory_space<hbm>> -> memref<10000x128xf32, #tpu.memory_space<hbm>>
    tpu.wait_indirect_dma semaphore(%arg20 : memref<!tpu.dma_semaphore, #tpu.memory_space<semaphore_mem>>) src(%dma_wait3A_66 : memref<10000x128xf32, #tpu.memory_space<hbm>>) dst(%arg16 : memref<80x128xf32, #tpu.memory_space<vmem>>)
    %dma_start3A_67 = arith.constant 0 : i32
    %dma_start3A_68 = arith.constant 0 : i32
    %dma_start3A_69 = tpu.memref_slice %arg7[%dma_start3A_67, %dma_start3A_68] : memref<10112x128xf32, #tpu.memory_space<vmem_shared>> -> memref<10112x128xf32, #tpu.memory_space<vmem_shared>>
    tpu.enqueue_indirect_dma source(%arg16 : memref<80x128xf32, #tpu.memory_space<vmem>>) target(%dma_start3A_69 : memref<10112x128xf32, #tpu.memory_space<vmem_shared>>) offsets(%arg12 : memref<80xi32, #tpu.memory_space<vmem>>) semaphore(%arg24 : memref<!tpu.dma_semaphore, #tpu.memory_space<semaphore_mem>>) {add = true}
    %dma_wait3A_70 = arith.constant 0 : i32
    %dma_wait3A_71 = arith.constant 0 : i32
    %dma_wait3A_72 = tpu.memref_slice %arg7[%dma_wait3A_70, %dma_wait3A_71] : memref<10112x128xf32, #tpu.memory_space<vmem_shared>> -> memref<10112x128xf32, #tpu.memory_space<vmem_shared>>
    tpu.wait_indirect_dma semaphore(%arg24 : memref<!tpu.dma_semaphore, #tpu.memory_space<semaphore_mem>>) src(%arg16 : memref<80x128xf32, #tpu.memory_space<vmem>>) dst(%dma_wait3A_72 : memref<10112x128xf32, #tpu.memory_space<vmem_shared>>)
    %dma_wait3A_73 = arith.constant 0 : i32
    %dma_wait3A_74 = arith.constant 0 : i32
    %dma_wait3A_75 = tpu.memref_slice %arg7[%dma_wait3A_73, %dma_wait3A_74] : memref<10112x128xf32, #tpu.memory_space<vmem_shared>> -> memref<10112x128xf32, #tpu.memory_space<vmem_shared>>
    tpu.wait_indirect_dma semaphore(%arg25 : memref<!tpu.dma_semaphore, #tpu.memory_space<semaphore_mem>>) src(%arg17 : memref<80x128xf32, #tpu.memory_space<vmem>>) dst(%dma_wait3A_75 : memref<10112x128xf32, #tpu.memory_space<vmem_shared>>)
    %dma_wait3A_76 = arith.constant 0 : i32
    %dma_wait3A_77 = arith.constant 0 : i32
    %dma_wait3A_78 = tpu.memref_slice %arg7[%dma_wait3A_76, %dma_wait3A_77] : memref<10112x128xf32, #tpu.memory_space<vmem_shared>> -> memref<10112x128xf32, #tpu.memory_space<vmem_shared>>
    tpu.wait_indirect_dma semaphore(%arg26 : memref<!tpu.dma_semaphore, #tpu.memory_space<semaphore_mem>>) src(%arg18 : memref<80x128xf32, #tpu.memory_space<vmem>>) dst(%dma_wait3A_78 : memref<10112x128xf32, #tpu.memory_space<vmem_shared>>)
    %dma_wait3A_79 = arith.constant 0 : i32
    %dma_wait3A_80 = arith.constant 0 : i32
    %dma_wait3A_81 = tpu.memref_slice %arg7[%dma_wait3A_79, %dma_wait3A_80] : memref<10112x128xf32, #tpu.memory_space<vmem_shared>> -> memref<10112x128xf32, #tpu.memory_space<vmem_shared>>
    tpu.wait_indirect_dma semaphore(%arg27 : memref<!tpu.dma_semaphore, #tpu.memory_space<semaphore_mem>>) src(%arg19 : memref<80x128xf32, #tpu.memory_space<vmem>>) dst(%dma_wait3A_81 : memref<10112x128xf32, #tpu.memory_space<vmem_shared>>)
    %barrier3A_82 = arith.constant 0 : index
    tpu.barrier barrier_id(%barrier3A_82)
    %mul3A_83 = arith.constant 632 : i32
    %mul3A_84 = arith.muli %arg1, %mul3A_83 : i32
    %mul3A_85 = arith.constant 632 : i32
    %mul3A_86 = arith.muli %arg1, %mul3A_85 : i32
    "tpu.region"() ({
      %run_scoped3A = tpu.sem_alloc : memref<!tpu.dma_semaphore, #tpu.memory_space<semaphore_mem>>
      %dma_start3A_87 = arith.constant 0 : i32
      %dma_start3A_88 = tpu.memref_slice %arg6[%arg0, %mul3A_86, %dma_start3A_87] : memref<2x10112x128xf32, #tpu.memory_space<hbm>> -> memref<1x632x128xf32, #tpu.memory_space<hbm>>
      %dma_start3A_89 = tpu.memref_squeeze %dma_start3A_88 : memref<1x632x128xf32, #tpu.memory_space<hbm>> -> memref<632x128xf32, #tpu.memory_space<hbm>>
      %dma_start3A_90 = arith.constant 0 : i32
      %dma_start3A_91 = tpu.memref_slice %arg7[%mul3A_84, %dma_start3A_90] : memref<10112x128xf32, #tpu.memory_space<vmem_shared>> -> memref<632x128xf32, #tpu.memory_space<vmem_shared>>
      tpu.enqueue_dma source(%dma_start3A_91 : memref<632x128xf32, #tpu.memory_space<vmem_shared>>) target(%dma_start3A_89 : memref<632x128xf32, #tpu.memory_space<hbm>>) target_semaphore(%run_scoped3A : memref<!tpu.dma_semaphore, #tpu.memory_space<semaphore_mem>>)
      %dma_wait3A_92 = arith.constant 0 : i32
      %dma_wait3A_93 = tpu.memref_slice %arg6[%arg0, %mul3A_86, %dma_wait3A_92] : memref<2x10112x128xf32, #tpu.memory_space<hbm>> -> memref<1x632x128xf32, #tpu.memory_space<hbm>>
      %dma_wait3A_94 = tpu.memref_squeeze %dma_wait3A_93 : memref<1x632x128xf32, #tpu.memory_space<hbm>> -> memref<632x128xf32, #tpu.memory_space<hbm>>
      %dma_wait3A_95 = arith.constant 0 : i32
      %dma_wait3A_96 = tpu.memref_slice %arg7[%mul3A_84, %dma_wait3A_95] : memref<10112x128xf32, #tpu.memory_space<vmem_shared>> -> memref<632x128xf32, #tpu.memory_space<vmem_shared>>
      tpu.wait_dma2 semaphore(%run_scoped3A : memref<!tpu.dma_semaphore, #tpu.memory_space<semaphore_mem>>) src(%dma_wait3A_96 : memref<632x128xf32, #tpu.memory_space<vmem_shared>>) dst(%dma_wait3A_94 : memref<632x128xf32, #tpu.memory_space<hbm>>)
      tpu.yield
    }) : () -> ()
    return
  }
}

module attributes {stable_mosaic.version = 14 : i64} {
  func.func @_attn_body(%arg0: i32, %arg1: memref<1000x128xf32, #tpu.memory_space<vmem>>, %arg2: memref<10000x128xbf16, #tpu.memory_space<vmem>>, %arg3: memref<10000x128xbf16, #tpu.memory_space<vmem>>, %arg4: memref<1000x128xf32, #tpu.memory_space<vmem>>, %arg5: memref<1x128xf32, #tpu.memory_space<vmem>>, %arg6: memref<1x128xf32, #tpu.memory_space<vmem>>, %arg7: memref<1000x128xf32, #tpu.memory_space<vmem>>) attributes {dimension_semantics = [#tpu.dimension_semantics<arbitrary>], iteration_bounds = array<i64: 10>, scalar_prefetch = 0 : i64, scratch_operands = 0 : i64, tpu.core_type = #tpu.core_type<tc>, window_params = [{transform_indices = @transform_0, window_bounds = array<i64: 1000, 128>}, {pipeline_mode = #tpu.pipeline_mode<synchronous>, transform_indices = @transform_1, window_bounds = array<i64: 10000, 128>}, {pipeline_mode = #tpu.pipeline_mode<synchronous>, transform_indices = @transform_2, window_bounds = array<i64: 10000, 128>}, {transform_indices = @transform_3, window_bounds = array<i64: 1000, 128>}, {pipeline_mode = #tpu.pipeline_mode<synchronous>, transform_indices = @transform_4, window_bounds = array<i64: 1, 128>}, {pipeline_mode = #tpu.pipeline_mode<synchronous>, transform_indices = @transform_5, window_bounds = array<i64: 1, 128>}, {transform_indices = @transform_6, window_bounds = array<i64: 1000, 128>}]} {
    %get3A = arith.constant 0 : index
    %get3A_0 = arith.constant 0 : index
    %get3A_1 = vector.load %arg1[%get3A, %get3A_0] : memref<1000x128xf32, #tpu.memory_space<vmem>>, vector<1000x128xf32>
    %mul3A = arith.constant 0.0883883461 : f32
    %mul3A_2 = vector.broadcast %mul3A : f32 to vector<1000x128xf32>
    %mul3A_3 = arith.mulf %get3A_1, %mul3A_2 : vector<1000x128xf32>
    %convert_element_type3A = arith.truncf %mul3A_3 : vector<1000x128xf32> to vector<1000x128xbf16>
    %broadcast_in_dim3A = arith.constant 0.000000e+00 : f32
    %broadcast_in_dim3A_4 = vector.broadcast %broadcast_in_dim3A : f32 to vector<1000x1xf32>
    %broadcast_in_dim3A_5 = arith.constant 0.000000e+00 : f32
    %broadcast_in_dim3A_6 = vector.broadcast %broadcast_in_dim3A_5 : f32 to vector<1000x128xf32>
    %scan3A = arith.constant 0 : i32
    %scan3A_7 = arith.constant 10 : i32
    %scan3A_8 = arith.addi %scan3A, %scan3A_7 : i32
    %scan3A_9 = arith.constant 1 : i32
    %scan3A_10:2 = scf.for %scan3A_33 = %scan3A to %scan3A_8 step %scan3A_9 iter_args(%scan3A_34 = %broadcast_in_dim3A_4, %scan3A_35 = %broadcast_in_dim3A_6) -> (vector<1000x1xf32>, vector<1000x128xf32>)  : i32 {
      %mul3A_36 = arith.constant 1000 : i32
      %mul3A_37 = arith.muli %scan3A_33, %mul3A_36 : i32
      %get3A_38 = arith.index_cast %mul3A_37 : i32 to index
      %get3A_39 = arith.constant 0 : index
      %get3A_40 = vector.load %arg2[%get3A_38, %get3A_39] : memref<10000x128xbf16, #tpu.memory_space<vmem>>, vector<1000x128xbf16>
      %mul3A_41 = arith.constant 1000 : i32
      %mul3A_42 = arith.muli %scan3A_33, %mul3A_41 : i32
      %get3A_43 = arith.index_cast %mul3A_42 : i32 to index
      %get3A_44 = arith.constant 0 : index
      %get3A_45 = vector.load %arg3[%get3A_43, %get3A_44] : memref<10000x128xbf16, #tpu.memory_space<vmem>>, vector<1000x128xbf16>
      %dot_general3A = arith.constant dense<0.000000e+00> : vector<1000x1000xf32>
      %dot_general3A_46 = tpu.matmul %convert_element_type3A, %get3A_40, %dot_general3A {dimension_numbers = #tpu.dot_dimension_numbers<[1], [1], [0], [0], [0, 0, 1, 0], [], []>, transpose_lhs_hint = false} : vector<1000x128xbf16>, vector<1000x128xbf16>, vector<1000x1000xf32> -> vector<1000x1000xf32>
      %exp3A = math.exp %dot_general3A_46 : vector<1000x1000xf32>
      %reduce_sum3A = arith.constant dense<0.000000e+00> : vector<1000xf32>
      %reduce_sum3A_47 = vector.multi_reduction <add>, %exp3A, %reduce_sum3A [1] : vector<1000x1000xf32> to vector<1000xf32>
      %broadcast_in_dim3A_48 = vector.shape_cast %reduce_sum3A_47 : vector<1000xf32> to vector<1000x1xf32>
      %add3A_49 = arith.addf %scan3A_34, %broadcast_in_dim3A_48 : vector<1000x1xf32>
      %convert_element_type3A_50 = arith.truncf %exp3A : vector<1000x1000xf32> to vector<1000x1000xbf16>
      %dot_general3A_51 = arith.constant dense<0.000000e+00> : vector<1000x128xf32>
      %dot_general3A_52 = tpu.matmul %convert_element_type3A_50, %get3A_45, %dot_general3A_51 {dimension_numbers = #tpu.dot_dimension_numbers<[1], [0], [0], [1], [0, 0, 1, 1], [], []>, transpose_lhs_hint = false} : vector<1000x1000xbf16>, vector<1000x128xbf16>, vector<1000x128xf32> -> vector<1000x128xf32>
      %add3A_53 = arith.addf %scan3A_35, %dot_general3A_52 : vector<1000x128xf32>
      scf.yield %add3A_49, %add3A_53 : vector<1000x1xf32>, vector<1000x128xf32>
    }
    %scan3A_11 = arith.constant 10 : i32
    %get3A_12 = arith.constant 0 : index
    %get3A_13 = arith.constant 0 : index
    %get3A_14 = vector.load %arg4[%get3A_12, %get3A_13] : memref<1000x128xf32, #tpu.memory_space<vmem>>, vector<1000x128xf32>
    %div3A = vector.broadcast %scan3A_10#0 : vector<1000x1xf32> to vector<1000x128xf32>
    %div3A_15 = arith.divf %scan3A_10#1, %div3A : vector<1000x128xf32>
    %add3A = arith.addf %get3A_14, %div3A_15 : vector<1000x128xf32>
    %get3A_16 = arith.constant 0 : index
    %get3A_17 = arith.constant 0 : index
    %get3A_18 = vector.load %arg5[%get3A_16, %get3A_17] : memref<1x128xf32, #tpu.memory_space<vmem>>, vector<1x128xf32>
    %mul3A_19 = arith.constant 0.999994993 : f32
    %mul3A_20 = vector.broadcast %mul3A_19 : f32 to vector<1x128xf32>
    %mul3A_21 = arith.mulf %get3A_18, %mul3A_20 : vector<1x128xf32>
    %mul3A_22 = vector.broadcast %mul3A_21 : vector<1x128xf32> to vector<1000x128xf32>
    %mul3A_23 = arith.mulf %add3A, %mul3A_22 : vector<1000x128xf32>
    %get3A_24 = arith.constant 0 : index
    %get3A_25 = arith.constant 0 : index
    %get3A_26 = vector.load %arg6[%get3A_24, %get3A_25] : memref<1x128xf32, #tpu.memory_space<vmem>>, vector<1x128xf32>
    %add3A_27 = vector.broadcast %get3A_26 : vector<1x128xf32> to vector<1000x128xf32>
    %add3A_28 = arith.addf %mul3A_23, %add3A_27 : vector<1000x128xf32>
    %max3A = arith.constant 0.000000e+00 : f32
    %max3A_29 = vector.broadcast %max3A : f32 to vector<1000x128xf32>
    %max3A_30 = arith.maximumf %add3A_28, %max3A_29 : vector<1000x128xf32>
    %swap3A = arith.constant 0 : index
    %swap3A_31 = arith.constant 0 : index
    %swap3A_32 = vector.load %arg7[%swap3A, %swap3A_31] : memref<1000x128xf32, #tpu.memory_space<vmem>>, vector<1000x128xf32>
    tpu.vector_store %arg7[%swap3A, %swap3A_31], %max3A_30 {strides = array<i32>} : memref<1000x128xf32, #tpu.memory_space<vmem>>, vector<1000x128xf32>,
    return
  }
  func.func @transform_0(%arg0: i32) -> (i32, i32) {
    %c0_i32 = arith.constant 0 : i32
    %c0_i32_0 = arith.constant 0 : i32
    return %arg0, %c0_i32 : i32, i32
  }
  func.func @transform_1(%arg0: i32) -> (i32, i32) {
    %c0_i32 = arith.constant 0 : i32
    %c0_i32_0 = arith.constant 0 : i32
    %c0_i32_1 = arith.constant 0 : i32
    return %c0_i32, %c0_i32_0 : i32, i32
  }
  func.func @transform_2(%arg0: i32) -> (i32, i32) {
    %c0_i32 = arith.constant 0 : i32
    %c0_i32_0 = arith.constant 0 : i32
    %c0_i32_1 = arith.constant 0 : i32
    return %c0_i32, %c0_i32_0 : i32, i32
  }
  func.func @transform_3(%arg0: i32) -> (i32, i32) {
    %c0_i32 = arith.constant 0 : i32
    %c0_i32_0 = arith.constant 0 : i32
    return %arg0, %c0_i32 : i32, i32
  }
  func.func @transform_4(%arg0: i32) -> (i32, i32) {
    %c0_i32 = arith.constant 0 : i32
    %c0_i32_0 = arith.constant 0 : i32
    %c0_i32_1 = arith.constant 0 : i32
    return %c0_i32, %c0_i32_0 : i32, i32
  }
  func.func @transform_5(%arg0: i32) -> (i32, i32) {
    %c0_i32 = arith.constant 0 : i32
    %c0_i32_0 = arith.constant 0 : i32
    %c0_i32_1 = arith.constant 0 : i32
    return %c0_i32, %c0_i32_0 : i32, i32
  }
  func.func @transform_6(%arg0: i32) -> (i32, i32) {
    %c0_i32 = arith.constant 0 : i32
    %c0_i32_0 = arith.constant 0 : i32
    return %arg0, %c0_i32 : i32, i32
  }
}

module attributes {stable_mosaic.version = 14 : i64} {
  func.func @_proj_body(%arg0: i32, %arg1: memref<1000x256xf32, #tpu.memory_space<vmem>>, %arg2: memref<128x128xf32, #tpu.memory_space<vmem>>, %arg3: memref<1x128xf32, #tpu.memory_space<vmem>>, %arg4: memref<128x128xf32, #tpu.memory_space<vmem>>, %arg5: memref<1x128xf32, #tpu.memory_space<vmem>>, %arg6: memref<128x128xf32, #tpu.memory_space<vmem>>, %arg7: memref<1x128xf32, #tpu.memory_space<vmem>>, %arg8: memref<128x128xf32, #tpu.memory_space<vmem>>, %arg9: memref<1x128xf32, #tpu.memory_space<vmem>>, %arg10: memref<128x128xf32, #tpu.memory_space<vmem>>, %arg11: memref<1x128xf32, #tpu.memory_space<vmem>>, %arg12: memref<1000x128xf32, #tpu.memory_space<vmem>>, %arg13: memref<1000x128xf32, #tpu.memory_space<vmem>>, %arg14: memref<1000x128xbf16, #tpu.memory_space<vmem>>, %arg15: memref<1000x128xbf16, #tpu.memory_space<vmem>>) attributes {dimension_semantics = [#tpu.dimension_semantics<arbitrary>], iteration_bounds = array<i64: 10>, scalar_prefetch = 0 : i64, scratch_operands = 0 : i64, tpu.core_type = #tpu.core_type<tc>, window_params = [{transform_indices = @transform_0, window_bounds = array<i64: 1000, 256>}, {pipeline_mode = #tpu.pipeline_mode<synchronous>, transform_indices = @transform_1, window_bounds = array<i64: 128, 128>}, {pipeline_mode = #tpu.pipeline_mode<synchronous>, transform_indices = @transform_2, window_bounds = array<i64: 1, 128>}, {pipeline_mode = #tpu.pipeline_mode<synchronous>, transform_indices = @transform_3, window_bounds = array<i64: 128, 128>}, {pipeline_mode = #tpu.pipeline_mode<synchronous>, transform_indices = @transform_4, window_bounds = array<i64: 1, 128>}, {pipeline_mode = #tpu.pipeline_mode<synchronous>, transform_indices = @transform_5, window_bounds = array<i64: 128, 128>}, {pipeline_mode = #tpu.pipeline_mode<synchronous>, transform_indices = @transform_6, window_bounds = array<i64: 1, 128>}, {pipeline_mode = #tpu.pipeline_mode<synchronous>, transform_indices = @transform_7, window_bounds = array<i64: 128, 128>}, {pipeline_mode = #tpu.pipeline_mode<synchronous>, transform_indices = @transform_8, window_bounds = array<i64: 1, 128>}, {pipeline_mode = #tpu.pipeline_mode<synchronous>, transform_indices = @transform_9, window_bounds = array<i64: 128, 128>}, {pipeline_mode = #tpu.pipeline_mode<synchronous>, transform_indices = @transform_10, window_bounds = array<i64: 1, 128>}, {transform_indices = @transform_11, window_bounds = array<i64: 1000, 128>}, {transform_indices = @transform_12, window_bounds = array<i64: 1000, 128>}, {transform_indices = @transform_13, window_bounds = array<i64: 1000, 128>}, {transform_indices = @transform_14, window_bounds = array<i64: 1000, 128>}]} {
    %get3A = arith.constant 0 : index
    %get3A_0 = arith.constant 0 : index
    %get3A_1 = vector.load %arg1[%get3A, %get3A_0] : memref<1000x256xf32, #tpu.memory_space<vmem>>, vector<1000x256xf32>
    %slice3A = vector.extract_strided_slice %get3A_1 {offsets = [0, 0], sizes = [1000, 128], strides = [1, 1]} : vector<1000x256xf32> to vector<1000x128xf32>
    %get3A_2 = arith.constant 0 : index
    %get3A_3 = arith.constant 0 : index
    %get3A_4 = vector.load %arg2[%get3A_2, %get3A_3] : memref<128x128xf32, #tpu.memory_space<vmem>>, vector<128x128xf32>
    %dot_general3A = arith.constant dense<0.000000e+00> : vector<1000x128xf32>
    %dot_general3A_5 = tpu.matmul %slice3A, %get3A_4, %dot_general3A {dimension_numbers = #tpu.dot_dimension_numbers<[1], [1], [0], [0], [0, 0, 1, 0], [], []>, transpose_lhs_hint = false} : vector<1000x128xf32>, vector<128x128xf32>, vector<1000x128xf32> -> vector<1000x128xf32>
    %get3A_6 = arith.constant 0 : index
    %get3A_7 = arith.constant 0 : index
    %get3A_8 = vector.load %arg3[%get3A_6, %get3A_7] : memref<1x128xf32, #tpu.memory_space<vmem>>, vector<1x128xf32>
    %add3A = vector.broadcast %get3A_8 : vector<1x128xf32> to vector<1000x128xf32>
    %add3A_9 = arith.addf %dot_general3A_5, %add3A : vector<1000x128xf32>
    %max3A = arith.constant 0.000000e+00 : f32
    %max3A_10 = vector.broadcast %max3A : f32 to vector<1000x128xf32>
    %max3A_11 = arith.maximumf %add3A_9, %max3A_10 : vector<1000x128xf32>
    %slice3A_12 = vector.extract_strided_slice %get3A_1 {offsets = [0, 128], sizes = [1000, 128], strides = [1, 1]} : vector<1000x256xf32> to vector<1000x128xf32>
    %get3A_13 = arith.constant 0 : index
    %get3A_14 = arith.constant 0 : index
    %get3A_15 = vector.load %arg4[%get3A_13, %get3A_14] : memref<128x128xf32, #tpu.memory_space<vmem>>, vector<128x128xf32>
    %dot_general3A_16 = arith.constant dense<0.000000e+00> : vector<1000x128xf32>
    %dot_general3A_17 = tpu.matmul %slice3A_12, %get3A_15, %dot_general3A_16 {dimension_numbers = #tpu.dot_dimension_numbers<[1], [1], [0], [0], [0, 0, 1, 0], [], []>, transpose_lhs_hint = false} : vector<1000x128xf32>, vector<128x128xf32>, vector<1000x128xf32> -> vector<1000x128xf32>
    %get3A_18 = arith.constant 0 : index
    %get3A_19 = arith.constant 0 : index
    %get3A_20 = vector.load %arg5[%get3A_18, %get3A_19] : memref<1x128xf32, #tpu.memory_space<vmem>>, vector<1x128xf32>
    %add3A_21 = vector.broadcast %get3A_20 : vector<1x128xf32> to vector<1000x128xf32>
    %add3A_22 = arith.addf %dot_general3A_17, %add3A_21 : vector<1000x128xf32>
    %max3A_23 = arith.constant 0.000000e+00 : f32
    %max3A_24 = vector.broadcast %max3A_23 : f32 to vector<1000x128xf32>
    %max3A_25 = arith.maximumf %add3A_22, %max3A_24 : vector<1000x128xf32>
    %swap3A = arith.constant 0 : index
    %swap3A_26 = arith.constant 0 : index
    %swap3A_27 = vector.load %arg12[%swap3A, %swap3A_26] : memref<1000x128xf32, #tpu.memory_space<vmem>>, vector<1000x128xf32>
    tpu.vector_store %arg12[%swap3A, %swap3A_26], %max3A_11 {strides = array<i32>} : memref<1000x128xf32, #tpu.memory_space<vmem>>, vector<1000x128xf32>,
    %get3A_28 = arith.constant 0 : index
    %get3A_29 = arith.constant 0 : index
    %get3A_30 = vector.load %arg6[%get3A_28, %get3A_29] : memref<128x128xf32, #tpu.memory_space<vmem>>, vector<128x128xf32>
    %dot_general3A_31 = arith.constant dense<0.000000e+00> : vector<1000x128xf32>
    %dot_general3A_32 = tpu.matmul %max3A_11, %get3A_30, %dot_general3A_31 {dimension_numbers = #tpu.dot_dimension_numbers<[1], [1], [0], [0], [0, 0, 1, 0], [], []>, transpose_lhs_hint = false} : vector<1000x128xf32>, vector<128x128xf32>, vector<1000x128xf32> -> vector<1000x128xf32>
    %get3A_33 = arith.constant 0 : index
    %get3A_34 = arith.constant 0 : index
    %get3A_35 = vector.load %arg7[%get3A_33, %get3A_34] : memref<1x128xf32, #tpu.memory_space<vmem>>, vector<1x128xf32>
    %add3A_36 = vector.broadcast %get3A_35 : vector<1x128xf32> to vector<1000x128xf32>
    %add3A_37 = arith.addf %dot_general3A_32, %add3A_36 : vector<1000x128xf32>
    %swap3A_38 = arith.constant 0 : index
    %swap3A_39 = arith.constant 0 : index
    %swap3A_40 = vector.load %arg13[%swap3A_38, %swap3A_39] : memref<1000x128xf32, #tpu.memory_space<vmem>>, vector<1000x128xf32>
    tpu.vector_store %arg13[%swap3A_38, %swap3A_39], %add3A_37 {strides = array<i32>} : memref<1000x128xf32, #tpu.memory_space<vmem>>, vector<1000x128xf32>,
    %get3A_41 = arith.constant 0 : index
    %get3A_42 = arith.constant 0 : index
    %get3A_43 = vector.load %arg8[%get3A_41, %get3A_42] : memref<128x128xf32, #tpu.memory_space<vmem>>, vector<128x128xf32>
    %dot_general3A_44 = arith.constant dense<0.000000e+00> : vector<1000x128xf32>
    %dot_general3A_45 = tpu.matmul %max3A_25, %get3A_43, %dot_general3A_44 {dimension_numbers = #tpu.dot_dimension_numbers<[1], [1], [0], [0], [0, 0, 1, 0], [], []>, transpose_lhs_hint = false} : vector<1000x128xf32>, vector<128x128xf32>, vector<1000x128xf32> -> vector<1000x128xf32>
    %get3A_46 = arith.constant 0 : index
    %get3A_47 = arith.constant 0 : index
    %get3A_48 = vector.load %arg9[%get3A_46, %get3A_47] : memref<1x128xf32, #tpu.memory_space<vmem>>, vector<1x128xf32>
    %add3A_49 = vector.broadcast %get3A_48 : vector<1x128xf32> to vector<1000x128xf32>
    %add3A_50 = arith.addf %dot_general3A_45, %add3A_49 : vector<1000x128xf32>
    %convert_element_type3A = arith.truncf %add3A_50 : vector<1000x128xf32> to vector<1000x128xbf16>
    %swap3A_51 = arith.constant 0 : index
    %swap3A_52 = arith.constant 0 : index
    %swap3A_53 = vector.load %arg14[%swap3A_51, %swap3A_52] : memref<1000x128xbf16, #tpu.memory_space<vmem>>, vector<1000x128xbf16>
    tpu.vector_store %arg14[%swap3A_51, %swap3A_52], %convert_element_type3A {strides = array<i32>} : memref<1000x128xbf16, #tpu.memory_space<vmem>>, vector<1000x128xbf16>,
    %get3A_54 = arith.constant 0 : index
    %get3A_55 = arith.constant 0 : index
    %get3A_56 = vector.load %arg10[%get3A_54, %get3A_55] : memref<128x128xf32, #tpu.memory_space<vmem>>, vector<128x128xf32>
    %dot_general3A_57 = arith.constant dense<0.000000e+00> : vector<1000x128xf32>
    %dot_general3A_58 = tpu.matmul %max3A_25, %get3A_56, %dot_general3A_57 {dimension_numbers = #tpu.dot_dimension_numbers<[1], [1], [0], [0], [0, 0, 1, 0], [], []>, transpose_lhs_hint = false} : vector<1000x128xf32>, vector<128x128xf32>, vector<1000x128xf32> -> vector<1000x128xf32>
    %get3A_59 = arith.constant 0 : index
    %get3A_60 = arith.constant 0 : index
    %get3A_61 = vector.load %arg11[%get3A_59, %get3A_60] : memref<1x128xf32, #tpu.memory_space<vmem>>, vector<1x128xf32>
    %add3A_62 = vector.broadcast %get3A_61 : vector<1x128xf32> to vector<1000x128xf32>
    %add3A_63 = arith.addf %dot_general3A_58, %add3A_62 : vector<1000x128xf32>
    %convert_element_type3A_64 = arith.truncf %add3A_63 : vector<1000x128xf32> to vector<1000x128xbf16>
    %swap3A_65 = arith.constant 0 : index
    %swap3A_66 = arith.constant 0 : index
    %swap3A_67 = vector.load %arg15[%swap3A_65, %swap3A_66] : memref<1000x128xbf16, #tpu.memory_space<vmem>>, vector<1000x128xbf16>
    tpu.vector_store %arg15[%swap3A_65, %swap3A_66], %convert_element_type3A_64 {strides = array<i32>} : memref<1000x128xbf16, #tpu.memory_space<vmem>>, vector<1000x128xbf16>,
    return
  }
  func.func @transform_0(%arg0: i32) -> (i32, i32) {
    %c0_i32 = arith.constant 0 : i32
    %c0_i32_0 = arith.constant 0 : i32
    return %arg0, %c0_i32 : i32, i32
  }
  func.func @transform_1(%arg0: i32) -> (i32, i32) {
    %c0_i32 = arith.constant 0 : i32
    %c0_i32_0 = arith.constant 0 : i32
    %c0_i32_1 = arith.constant 0 : i32
    return %c0_i32, %c0_i32_0 : i32, i32
  }
  func.func @transform_2(%arg0: i32) -> (i32, i32) {
    %c0_i32 = arith.constant 0 : i32
    %c0_i32_0 = arith.constant 0 : i32
    %c0_i32_1 = arith.constant 0 : i32
    return %c0_i32, %c0_i32_0 : i32, i32
  }
  func.func @transform_3(%arg0: i32) -> (i32, i32) {
    %c0_i32 = arith.constant 0 : i32
    %c0_i32_0 = arith.constant 0 : i32
    %c0_i32_1 = arith.constant 0 : i32
    return %c0_i32, %c0_i32_0 : i32, i32
  }
  func.func @transform_4(%arg0: i32) -> (i32, i32) {
    %c0_i32 = arith.constant 0 : i32
    %c0_i32_0 = arith.constant 0 : i32
    %c0_i32_1 = arith.constant 0 : i32
    return %c0_i32, %c0_i32_0 : i32, i32
  }
  func.func @transform_5(%arg0: i32) -> (i32, i32) {
    %c0_i32 = arith.constant 0 : i32
    %c0_i32_0 = arith.constant 0 : i32
    %c0_i32_1 = arith.constant 0 : i32
    return %c0_i32, %c0_i32_0 : i32, i32
  }
  func.func @transform_6(%arg0: i32) -> (i32, i32) {
    %c0_i32 = arith.constant 0 : i32
    %c0_i32_0 = arith.constant 0 : i32
    %c0_i32_1 = arith.constant 0 : i32
    return %c0_i32, %c0_i32_0 : i32, i32
  }
  func.func @transform_7(%arg0: i32) -> (i32, i32) {
    %c0_i32 = arith.constant 0 : i32
    %c0_i32_0 = arith.constant 0 : i32
    %c0_i32_1 = arith.constant 0 : i32
    return %c0_i32, %c0_i32_0 : i32, i32
  }
  func.func @transform_8(%arg0: i32) -> (i32, i32) {
    %c0_i32 = arith.constant 0 : i32
    %c0_i32_0 = arith.constant 0 : i32
    %c0_i32_1 = arith.constant 0 : i32
    return %c0_i32, %c0_i32_0 : i32, i32
  }
  func.func @transform_9(%arg0: i32) -> (i32, i32) {
    %c0_i32 = arith.constant 0 : i32
    %c0_i32_0 = arith.constant 0 : i32
    %c0_i32_1 = arith.constant 0 : i32
    return %c0_i32, %c0_i32_0 : i32, i32
  }
  func.func @transform_10(%arg0: i32) -> (i32, i32) {
    %c0_i32 = arith.constant 0 : i32
    %c0_i32_0 = arith.constant 0 : i32
    %c0_i32_1 = arith.constant 0 : i32
    return %c0_i32, %c0_i32_0 : i32, i32
  }
  func.func @transform_11(%arg0: i32) -> (i32, i32) {
    %c0_i32 = arith.constant 0 : i32
    %c0_i32_0 = arith.constant 0 : i32
    return %arg0, %c0_i32 : i32, i32
  }
  func.func @transform_12(%arg0: i32) -> (i32, i32) {
    %c0_i32 = arith.constant 0 : i32
    %c0_i32_0 = arith.constant 0 : i32
    return %arg0, %c0_i32 : i32, i32
  }
  func.func @transform_13(%arg0: i32) -> (i32, i32) {
    %c0_i32 = arith.constant 0 : i32
    %c0_i32_0 = arith.constant 0 : i32
    return %arg0, %c0_i32 : i32, i32
  }
  func.func @transform_14(%arg0: i32) -> (i32, i32) {
    %c0_i32 = arith.constant 0 : i32
    %c0_i32_0 = arith.constant 0 : i32
    return %arg0, %c0_i32 : i32, i32
  }
}

module attributes {stable_mosaic.version = 14 : i64} {
  func.func @_sage_body(%arg0: i32, %arg1: memref<1000x128xf32, #tpu.memory_space<vmem>>, %arg2: memref<1000x128xf32, #tpu.memory_space<vmem>>, %arg3: memref<1000x128xf32, #tpu.memory_space<vmem>>, %arg4: memref<1000x128xf32, #tpu.memory_space<vmem>>, %arg5: memref<1000x128xf32, #tpu.memory_space<vmem>>, %arg6: memref<128x128xf32, #tpu.memory_space<vmem>>, %arg7: memref<1x128xf32, #tpu.memory_space<vmem>>, %arg8: memref<128x128xf32, #tpu.memory_space<vmem>>, %arg9: memref<1000x128xf32, #tpu.memory_space<vmem>>) attributes {dimension_semantics = [#tpu.dimension_semantics<arbitrary>], iteration_bounds = array<i64: 10>, scalar_prefetch = 0 : i64, scratch_operands = 0 : i64, tpu.core_type = #tpu.core_type<tc>, window_params = [{transform_indices = @transform_0, window_bounds = array<i64: 1000, 128>}, {transform_indices = @transform_1, window_bounds = array<i64: 1000, 128>}, {transform_indices = @transform_2, window_bounds = array<i64: 1000, 128>}, {transform_indices = @transform_3, window_bounds = array<i64: 1000, 128>}, {transform_indices = @transform_4, window_bounds = array<i64: 1000, 128>}, {pipeline_mode = #tpu.pipeline_mode<synchronous>, transform_indices = @transform_5, window_bounds = array<i64: 128, 128>}, {pipeline_mode = #tpu.pipeline_mode<synchronous>, transform_indices = @transform_6, window_bounds = array<i64: 1, 128>}, {pipeline_mode = #tpu.pipeline_mode<synchronous>, transform_indices = @transform_7, window_bounds = array<i64: 128, 128>}, {transform_indices = @transform_8, window_bounds = array<i64: 1000, 128>}]} {
    %get3A = arith.constant 0 : index
    %get3A_0 = arith.constant 0 : index
    %get3A_1 = vector.load %arg3[%get3A, %get3A_0] : memref<1000x128xf32, #tpu.memory_space<vmem>>, vector<1000x128xf32>
    %get3A_2 = arith.constant 0 : index
    %get3A_3 = arith.constant 0 : index
    %get3A_4 = vector.load %arg4[%get3A_2, %get3A_3] : memref<1000x128xf32, #tpu.memory_space<vmem>>, vector<1000x128xf32>
    %add3A = arith.addf %get3A_1, %get3A_4 : vector<1000x128xf32>
    %slice3A = vector.extract_strided_slice %add3A {offsets = [0, 0], sizes = [1000, 1], strides = [1, 1]} : vector<1000x128xf32> to vector<1000x1xf32>
    %max3A = arith.constant 1.000000e+00 : f32
    %max3A_5 = vector.broadcast %max3A : f32 to vector<1000x1xf32>
    %max3A_6 = arith.maximumf %slice3A, %max3A_5 : vector<1000x1xf32>
    %get3A_7 = arith.constant 0 : index
    %get3A_8 = arith.constant 0 : index
    %get3A_9 = vector.load %arg1[%get3A_7, %get3A_8] : memref<1000x128xf32, #tpu.memory_space<vmem>>, vector<1000x128xf32>
    %get3A_10 = arith.constant 0 : index
    %get3A_11 = arith.constant 0 : index
    %get3A_12 = vector.load %arg2[%get3A_10, %get3A_11] : memref<1000x128xf32, #tpu.memory_space<vmem>>, vector<1000x128xf32>
    %add3A_13 = arith.addf %get3A_9, %get3A_12 : vector<1000x128xf32>
    %div3A = vector.broadcast %max3A_6 : vector<1000x1xf32> to vector<1000x128xf32>
    %div3A_14 = arith.divf %add3A_13, %div3A : vector<1000x128xf32>
    %get3A_15 = arith.constant 0 : index
    %get3A_16 = arith.constant 0 : index
    %get3A_17 = vector.load %arg6[%get3A_15, %get3A_16] : memref<128x128xf32, #tpu.memory_space<vmem>>, vector<128x128xf32>
    %dot_general3A = arith.constant dense<0.000000e+00> : vector<1000x128xf32>
    %dot_general3A_18 = tpu.matmul %div3A_14, %get3A_17, %dot_general3A {dimension_numbers = #tpu.dot_dimension_numbers<[1], [1], [0], [0], [0, 0, 1, 0], [], []>, transpose_lhs_hint = false} : vector<1000x128xf32>, vector<128x128xf32>, vector<1000x128xf32> -> vector<1000x128xf32>
    %get3A_19 = arith.constant 0 : index
    %get3A_20 = arith.constant 0 : index
    %get3A_21 = vector.load %arg7[%get3A_19, %get3A_20] : memref<1x128xf32, #tpu.memory_space<vmem>>, vector<1x128xf32>
    %add3A_22 = vector.broadcast %get3A_21 : vector<1x128xf32> to vector<1000x128xf32>
    %add3A_23 = arith.addf %dot_general3A_18, %add3A_22 : vector<1000x128xf32>
    %get3A_24 = arith.constant 0 : index
    %get3A_25 = arith.constant 0 : index
    %get3A_26 = vector.load %arg5[%get3A_24, %get3A_25] : memref<1000x128xf32, #tpu.memory_space<vmem>>, vector<1000x128xf32>
    %get3A_27 = arith.constant 0 : index
    %get3A_28 = arith.constant 0 : index
    %get3A_29 = vector.load %arg8[%get3A_27, %get3A_28] : memref<128x128xf32, #tpu.memory_space<vmem>>, vector<128x128xf32>
    %dot_general3A_30 = arith.constant dense<0.000000e+00> : vector<1000x128xf32>
    %dot_general3A_31 = tpu.matmul %get3A_26, %get3A_29, %dot_general3A_30 {dimension_numbers = #tpu.dot_dimension_numbers<[1], [1], [0], [0], [0, 0, 1, 0], [], []>, transpose_lhs_hint = false} : vector<1000x128xf32>, vector<128x128xf32>, vector<1000x128xf32> -> vector<1000x128xf32>
    %add3A_32 = arith.addf %add3A_23, %dot_general3A_31 : vector<1000x128xf32>
    %max3A_33 = arith.constant 0.000000e+00 : f32
    %max3A_34 = vector.broadcast %max3A_33 : f32 to vector<1000x128xf32>
    %max3A_35 = arith.maximumf %add3A_32, %max3A_34 : vector<1000x128xf32>
    %swap3A = arith.constant 0 : index
    %swap3A_36 = arith.constant 0 : index
    %swap3A_37 = vector.load %arg9[%swap3A, %swap3A_36] : memref<1000x128xf32, #tpu.memory_space<vmem>>, vector<1000x128xf32>
    tpu.vector_store %arg9[%swap3A, %swap3A_36], %max3A_35 {strides = array<i32>} : memref<1000x128xf32, #tpu.memory_space<vmem>>, vector<1000x128xf32>,
    return
  }
  func.func @transform_0(%arg0: i32) -> (i32, i32) {
    %c0_i32 = arith.constant 0 : i32
    %c0_i32_0 = arith.constant 0 : i32
    return %arg0, %c0_i32 : i32, i32
  }
  func.func @transform_1(%arg0: i32) -> (i32, i32) {
    %c0_i32 = arith.constant 0 : i32
    %c0_i32_0 = arith.constant 0 : i32
    return %arg0, %c0_i32 : i32, i32
  }
  func.func @transform_2(%arg0: i32) -> (i32, i32) {
    %c0_i32 = arith.constant 0 : i32
    %c0_i32_0 = arith.constant 0 : i32
    return %arg0, %c0_i32 : i32, i32
  }
  func.func @transform_3(%arg0: i32) -> (i32, i32) {
    %c0_i32 = arith.constant 0 : i32
    %c0_i32_0 = arith.constant 0 : i32
    return %arg0, %c0_i32 : i32, i32
  }
  func.func @transform_4(%arg0: i32) -> (i32, i32) {
    %c0_i32 = arith.constant 0 : i32
    %c0_i32_0 = arith.constant 0 : i32
    return %arg0, %c0_i32 : i32, i32
  }
  func.func @transform_5(%arg0: i32) -> (i32, i32) {
    %c0_i32 = arith.constant 0 : i32
    %c0_i32_0 = arith.constant 0 : i32
    %c0_i32_1 = arith.constant 0 : i32
    return %c0_i32, %c0_i32_0 : i32, i32
  }
  func.func @transform_6(%arg0: i32) -> (i32, i32) {
    %c0_i32 = arith.constant 0 : i32
    %c0_i32_0 = arith.constant 0 : i32
    %c0_i32_1 = arith.constant 0 : i32
    return %c0_i32, %c0_i32_0 : i32, i32
  }
  func.func @transform_7(%arg0: i32) -> (i32, i32) {
    %c0_i32 = arith.constant 0 : i32
    %c0_i32_0 = arith.constant 0 : i32
    %c0_i32_1 = arith.constant 0 : i32
    return %c0_i32, %c0_i32_0 : i32, i32
  }
  func.func @transform_8(%arg0: i32) -> (i32, i32) {
    %c0_i32 = arith.constant 0 : i32
    %c0_i32_0 = arith.constant 0 : i32
    return %arg0, %c0_i32 : i32, i32
  }
}

module attributes {stable_mosaic.version = 14 : i64} {
  func.func @_cls_body(%arg0: i32, %arg1: memref<1000x128xf32, #tpu.memory_space<vmem>>, %arg2: memref<40x128xf32, #tpu.memory_space<vmem>>, %arg3: memref<1x40xf32, #tpu.memory_space<vmem>>, %arg4: memref<1x40xf32, #tpu.memory_space<vmem>>, %arg5: memref<1x40xf32, #tpu.memory_space<vmem>>, %arg6: memref<1000x40xf32, #tpu.memory_space<vmem>>) attributes {dimension_semantics = [#tpu.dimension_semantics<arbitrary>], iteration_bounds = array<i64: 10>, scalar_prefetch = 0 : i64, scratch_operands = 0 : i64, tpu.core_type = #tpu.core_type<tc>, window_params = [{transform_indices = @transform_0, window_bounds = array<i64: 1000, 128>}, {pipeline_mode = #tpu.pipeline_mode<synchronous>, transform_indices = @transform_1, window_bounds = array<i64: 40, 128>}, {pipeline_mode = #tpu.pipeline_mode<synchronous>, transform_indices = @transform_2, window_bounds = array<i64: 1, 40>}, {pipeline_mode = #tpu.pipeline_mode<synchronous>, transform_indices = @transform_3, window_bounds = array<i64: 1, 40>}, {pipeline_mode = #tpu.pipeline_mode<synchronous>, transform_indices = @transform_4, window_bounds = array<i64: 1, 40>}, {transform_indices = @transform_5, window_bounds = array<i64: 1000, 40>}]} {
    %get3A = arith.constant 0 : index
    %get3A_0 = arith.constant 0 : index
    %get3A_1 = vector.load %arg1[%get3A, %get3A_0] : memref<1000x128xf32, #tpu.memory_space<vmem>>, vector<1000x128xf32>
    %get3A_2 = arith.constant 0 : index
    %get3A_3 = arith.constant 0 : index
    %get3A_4 = vector.load %arg2[%get3A_2, %get3A_3] : memref<40x128xf32, #tpu.memory_space<vmem>>, vector<40x128xf32>
    %dot_general3A = arith.constant dense<0.000000e+00> : vector<1000x40xf32>
    %dot_general3A_5 = tpu.matmul %get3A_1, %get3A_4, %dot_general3A {dimension_numbers = #tpu.dot_dimension_numbers<[1], [1], [0], [0], [0, 0, 1, 0], [], []>, transpose_lhs_hint = false} : vector<1000x128xf32>, vector<40x128xf32>, vector<1000x40xf32> -> vector<1000x40xf32>
    %get3A_6 = arith.constant 0 : index
    %get3A_7 = arith.constant 0 : index
    %get3A_8 = vector.load %arg3[%get3A_6, %get3A_7] : memref<1x40xf32, #tpu.memory_space<vmem>>, vector<1x40xf32>
    %add3A = vector.broadcast %get3A_8 : vector<1x40xf32> to vector<1000x40xf32>
    %add3A_9 = arith.addf %dot_general3A_5, %add3A : vector<1000x40xf32>
    %get3A_10 = arith.constant 0 : index
    %get3A_11 = arith.constant 0 : index
    %get3A_12 = vector.load %arg4[%get3A_10, %get3A_11] : memref<1x40xf32, #tpu.memory_space<vmem>>, vector<1x40xf32>
    %mul3A = arith.constant 0.999994993 : f32
    %mul3A_13 = vector.broadcast %mul3A : f32 to vector<1x40xf32>
    %mul3A_14 = arith.mulf %get3A_12, %mul3A_13 : vector<1x40xf32>
    %mul3A_15 = vector.broadcast %mul3A_14 : vector<1x40xf32> to vector<1000x40xf32>
    %mul3A_16 = arith.mulf %add3A_9, %mul3A_15 : vector<1000x40xf32>
    %get3A_17 = arith.constant 0 : index
    %get3A_18 = arith.constant 0 : index
    %get3A_19 = vector.load %arg5[%get3A_17, %get3A_18] : memref<1x40xf32, #tpu.memory_space<vmem>>, vector<1x40xf32>
    %add3A_20 = vector.broadcast %get3A_19 : vector<1x40xf32> to vector<1000x40xf32>
    %add3A_21 = arith.addf %mul3A_16, %add3A_20 : vector<1000x40xf32>
    %swap3A = arith.constant 0 : index
    %swap3A_22 = arith.constant 0 : index
    %swap3A_23 = vector.load %arg6[%swap3A, %swap3A_22] : memref<1000x40xf32, #tpu.memory_space<vmem>>, vector<1000x40xf32>
    tpu.vector_store %arg6[%swap3A, %swap3A_22], %add3A_21 {strides = array<i32>} : memref<1000x40xf32, #tpu.memory_space<vmem>>, vector<1000x40xf32>,
    return
  }
  func.func @transform_0(%arg0: i32) -> (i32, i32) {
    %c0_i32 = arith.constant 0 : i32
    %c0_i32_0 = arith.constant 0 : i32
    return %arg0, %c0_i32 : i32, i32
  }
  func.func @transform_1(%arg0: i32) -> (i32, i32) {
    %c0_i32 = arith.constant 0 : i32
    %c0_i32_0 = arith.constant 0 : i32
    %c0_i32_1 = arith.constant 0 : i32
    return %c0_i32, %c0_i32_0 : i32, i32
  }
  func.func @transform_2(%arg0: i32) -> (i32, i32) {
    %c0_i32 = arith.constant 0 : i32
    %c0_i32_0 = arith.constant 0 : i32
    %c0_i32_1 = arith.constant 0 : i32
    return %c0_i32, %c0_i32_0 : i32, i32
  }
  func.func @transform_3(%arg0: i32) -> (i32, i32) {
    %c0_i32 = arith.constant 0 : i32
    %c0_i32_0 = arith.constant 0 : i32
    %c0_i32_1 = arith.constant 0 : i32
    return %c0_i32, %c0_i32_0 : i32, i32
  }
  func.func @transform_4(%arg0: i32) -> (i32, i32) {
    %c0_i32 = arith.constant 0 : i32
    %c0_i32_0 = arith.constant 0 : i32
    %c0_i32_1 = arith.constant 0 : i32
    return %c0_i32, %c0_i32_0 : i32, i32
  }
  func.func @transform_5(%arg0: i32) -> (i32, i32) {
    %c0_i32 = arith.constant 0 : i32
    %c0_i32_0 = arith.constant 0 : i32
    return %arg0, %c0_i32 : i32, i32
  }
}

</mosaic_0001>

<sc_bundles>
// kernel: kernel.10.cloned.1.call-start
scs
__scs_entry_jumppad:
0x0: {  	(pc) =	sbr.rel $0x88, $3  }
0x1: {  	(tag) =	ssettag $0x0;
	lr =	simm.s32 $0x1  }
0x2: {  	[smem:$0x3F89] =	sst lr;
	_ =	strace $0xD0000000  }
0x3: {  	_ = 	snop  }
0x4: {  	_ = 	snop  }
0x5: {  	_ = 	snop  }
0x6: {  	_ = 	snop  }
0x7: {  	_ = 	snop  }
__scs_overlays_trampoline_lowered:
0x8: {  	[smem:$0x3F98] =	sst s0  }
0x9: {  	[smem:$0x3F99] =	sst s1  }
0xa: {  	[smem:$0x3F9A] =	sst s2  }
0xb: {  	[smem:$0x3F9B] =	sst s3  }
0xc: {  	[smem:$0x3F9C] =	sst s4  }
0xd: {  	[smem:$0x3F9D] =	sst s5  }
0xe: {  	[smem:$0x3F9E] =	sst s6  }
0xf: {  	[smem:$0x3F9F] =	sst s7  }
0x10: {  	[smem:$0x3FA0] =	sst s8  }
0x11: {  	[smem:$0x3FA1] =	sst s9;
	s0 =	simm.s32 @!p0 $0x0  }
0x12: {  	s1 =	sld [smem:$0x3F87];
	s0 =	simm.s32 @p0 $0x1  }
0x13: {  	[smem:$0x3FA2] =	sst s0;
	s0 =	simm.s32 @!p1 $0x0  }
0x14: {  	s2 =	sld [smem:$0x3F86];
	s0 =	simm.s32 @p1 $0x1  }
0x15: {  	[smem:$0x3FA3] =	sst s0;
	s0 =	simm.s32 @!p2 $0x0  }
0x16: {  	s3 =	sld [smem:$0x3FDB];
	s0 =	simm.s32 @p2 $0x1  }
0x17: {  	s4 =	simm.s32 $0x1BF5;
	[smem:$0x3FA5] =	sst s0  }
0x18: {  	s0 =	sld [smem:$0x3F88];
	_ =	swait.ge [sflag:s4], $0x0  }
0x19: {  	s7 =	sld [smem:$0x3F89]  }
0x1a: {  	s8 =	sadd.s32 $0xFFFFE003, lr  }
0x1b: {  	s9 =	sadd.s32 $0xFFFFFEF7, lr;
	s5 =	simm.s32 $0xFFFFFFFF;
	p2 =	slt.u32 s8, $0xFFFFF086  }
0x1c: {  	p1 =	slt.u32 s9, $0xF7A;
	s5 =	simm.s32 @!p2 $0x0  }
0x1d: {  	s5 =	simm.s32 @p1 $0x1;
	p0 =	seq.s32 s7, s2  }
0x1e: {  	s7 =	smul.u32 @!p0 $0xF7A, s2;
	p2 =	seq.s32 @!p0 s5, $0x0  }
0x1f: {  	s9 =	smul.u32 $0xF7A, s1;
	s8 =	simm.s32 @!p0 $0x1BF5;
	p2 =	por !p2, p0  }
0x20: {  	[sflag:s8] =	ssyncset.s32 @!p0 $0xFFFFF086;
	s6 =	sadd.s32 @!p0 s3, s7;
	s7 =	simm.s32 @!p0 $0x108  }
0x21: {  	s3 =	sadd.s32 s3, s9;
	s6 =	sadd.s32 @!p0 $0x88, s6;
	s7 =	simm.s32 @p2 $0x1082  }
0x22: {  	[simem:s7], [sflag:s8] =	dma.local @!p0 [hbm:s6], $0xF7A  }
0x23: {  	s9 =	sor.u32 $0xD0000000, s2;
	s6 =	simm.s32 $0x108;
	_ =	swait.ge @!p0 [sflag:s8], $0x0  }
0x24: {  	s3 =	sadd.s32 $0x88, s3;
	s6 =	simm.s32 @!p1 $0x1082;
	[sflag:s4] =	ssyncset.s32 $0xFFFFF086  }
0x25: {  	[simem:s6], [sflag:s4] =	dma.local [hbm:s3], $0xF7A  }
0x26: {  	[smem:$0x3F89] =	sst s1;
	(tag) =	ssettag s2;
	_ =	strace s9  }
0x27: {  	s1 =	sld [smem:$0x3F99]  }
0x28: {  	s2 =	sld [smem:$0x3F9A]  }
0x29: {  	s4 =	sld [smem:$0x3F9C]  }
0x2a: {  	p0 =	seq.s32 s5, $0x0;
	s5 =	sld [smem:$0x3F9D]  }
0x2b: {  	s6 =	sld [smem:$0x3F9E]  }
0x2c: {  	s7 =	sld [smem:$0x3F9F]  }
0x2d: {  	s3 =	simm.s32 $0x108;
	s8 =	sld [smem:$0x3FA0]  }
0x2e: {  	s3 =	simm.s32 @!p0 $0x1082;
	s9 =	sld [smem:$0x3FA1]  }
0x2f: {  	lr =	sadd.s32 s0, s3;
	s0 =	sld [smem:$0x3F98]  }
0x30: {  	s3 =	sld [smem:$0x3F9B]  }
0x31: {  	[smem:$0x3FA4] =	sst s10  }
0x32: {  	s10 =	sld [smem:$0x3FA2];
	_ =	sdelay $0x3  }
0x33: {  	p0 =	seq.s32 s10, $0x1;
	s10 =	sld [smem:$0x3FA4];
	_ =	sdelay $0x3  }
0x34: {  	[smem:$0x3FA4] =	sst s10  }
0x35: {  	s10 =	sld [smem:$0x3FA3];
	_ =	sdelay $0x3  }
0x36: {  	p1 =	seq.s32 s10, $0x1;
	s10 =	sld [smem:$0x3FA4];
	_ =	sdelay $0x3  }
0x37: {  	[smem:$0x3FA4] =	sst s10  }
0x38: {  	s10 =	sld [smem:$0x3FA5]  }
0x39: {  	_ = 	snop;
	(pc) =	sbr.ind lr, $3  }
0x3a: {  	_ = 	snop  }
0x3b: {  	_ = 	snop  }
0x3c: {  	p2 =	seq.s32 s10, $0x1;
	s10 =	sld [smem:$0x3FA4]  }
0x3d: {  	_ =	shalt  }
0x3e: {  	_ =	shalt  }
0x3f: {  	_ =	shalt  }
0x40: {  	_ =	shalt  }
0x41: {  	_ =	shalt  }
0x42: {  	_ =	shalt  }
0x43: {  	_ =	shalt  }
0x44: {  	_ =	shalt  }
0x45: {  	_ =	shalt  }
0x46: {  	_ =	shalt  }
0x47: {  	_ =	shalt  }
0x48: {  	_ =	shalt  }
0x49: {  	_ =	shalt  }
0x4a: {  	_ =	shalt  }
0x4b: {  	_ =	shalt  }
0x4c: {  	_ =	shalt  }
0x4d: {  	_ =	shalt  }
0x4e: {  	_ =	shalt  }
0x4f: {  	_ =	shalt  }
0x50: {  	_ =	shalt  }
0x51: {  	_ =	shalt  }
0x52: {  	_ =	shalt  }
0x53: {  	_ =	shalt  }
0x54: {  	_ =	shalt  }
0x55: {  	_ =	shalt  }
0x56: {  	_ =	shalt  }
0x57: {  	_ =	shalt  }
0x58: {  	_ =	shalt  }
0x59: {  	_ =	shalt  }
0x5a: {  	_ =	shalt  }
0x5b: {  	_ =	shalt  }
0x5c: {  	_ =	shalt  }
0x5d: {  	_ =	shalt  }
0x5e: {  	_ =	shalt  }
0x5f: {  	_ =	shalt  }
0x60: {  	_ =	shalt  }
0x61: {  	_ =	shalt  }
0x62: {  	_ =	shalt  }
0x63: {  	_ =	shalt  }
0x64: {  	_ =	shalt  }
0x65: {  	_ =	shalt  }
0x66: {  	_ =	shalt  }
0x67: {  	_ =	shalt  }
0x68: {  	_ =	shalt  }
0x69: {  	_ =	shalt  }
0x6a: {  	_ =	shalt  }
0x6b: {  	_ =	shalt  }
0x6c: {  	_ =	shalt  }
0x6d: {  	_ =	shalt  }
0x6e: {  	_ =	shalt  }
0x6f: {  	_ =	shalt  }
0x70: {  	_ =	shalt  }
0x71: {  	_ =	shalt  }
0x72: {  	_ =	shalt  }
0x73: {  	_ =	shalt  }
0x74: {  	_ =	shalt  }
0x75: {  	_ =	shalt  }
0x76: {  	_ =	shalt  }
0x77: {  	_ =	shalt  }
0x78: {  	_ =	shalt  }
0x79: {  	_ =	shalt  }
0x7a: {  	_ =	shalt  }
0x7b: {  	_ =	shalt  }
0x7c: {  	_ =	shalt  }
0x7d: {  	_ =	shalt  }
0x7e: {  	_ =	shalt  }
0x7f: {  	_ =	shalt  }
0x80: {  	_ =	shalt  }
0x81: {  	_ =	shalt  }
0x82: {  	_ =	shalt  }
0x83: {  	_ =	shalt  }
0x84: {  	_ =	shalt  }
0x85: {  	_ =	shalt  }
0x86: {  	_ =	shalt  }
0x87: {  	_ =	shalt  }
.Lfunc_end0:
.L_simem_size_0:
called_computation_lowered:
.L_overlay_start_0:
0x88: {  	s2 =	sld [smem:$0x3FD9]  }
0x89: {  	s3 =	sld [smem:$0x3FFE];
	_ =	sdelay $0x1  }
0x8a: {  	s1 =	srdreg.scid  }
0x8b: {  	s0 =	sand.u32 $0x1, s1  }
0x8c: {  	s17 =	sshll.u32 s0, $0xA;
	s2 =	sadd.s32 s3, s2  }
0x8d: {  	s2 =	sadd.s32 s2, s17  }
0x8e: {  	[smem:$0x3FB0] =	sst s2  }
0x8f: {  	_ = 	snop  }
0x90: {  	s2 =	sld [smem:$0x3FD0];
	(tm) =	ssettm $0x1  }
0x91: {  	s18 =	sld [smem:$0x3FFB];
	_ =	sdelay $0x3  }
0x92: {  	_ =	strace s18  }
0x93: {  	s3 =	sld [smem:$0x3FFC];
	_ =	sdelay $0x3  }
0x94: {  	_ =	strace s3  }
0x95: {  	s3 =	sld [smem:$0x3FFD];
	_ =	sdelay $0x3  }
0x96: {  	_ =	strace s3  }
0x97: {  	_ =	strace $0x8FFFFFFF  }
0x98: {  	s19 =	sld [smem:$0x3FDB];
	_ =	sdelay $0x1  }
0x99: {  	s4 =	simm.s32 $_scs_section_size  }
0x9a: {  	s5 =	simm.s32 $_size__tile_overlayer_lowered;
	s6 =	simm.s32 $_tile_overlayer_lowered  }
0x9b: {  	s22 =	simm.s32 $0x1BFF;
	s21 =	sshll.u32 s6, $0x1;
	s3 =	sadd.s32 s4, s19  }
0x9c: {  	s7 =	simm.s32 $0x0;
	s20 =	sshll.u32 s5, $0x1;
	s5 =	sadd.s32 s21, s3  }
0x9d: {  	[timem:s7], [sflag:s22] =	dma.local [hbm:s5], s20  }
0x9e: {  	_ =	swait.ge [sflag:s22], s20  }
0x9f: {  	s4 =	ssub.s32 $0x0, s20;
	[sflag:s22] =	ssyncset.done $0x0  }
0xa0: {  	[sflag:s22] =	ssyncadd.s32 s4;
	_ =	sdelay $0x1  }
0xa1: {  	s23 =	simm.s32 $0x1B8B  }
0xa2: {  	_ =	swait.ge [sflag:s23], $0x1  }
0xa3: {  	[sflag:s23] =	ssyncset.done $0x0  }
0xa4: {  	s25 =	simm.s32 $0x1B8E;
	s24 =	sld [smem:$0x3FFE];
	[sflag:s23] =	ssyncadd.s32 $0xFFFFFFFF  }
0xa5: {  	s26 =	simm.s32 $execute0_lowered;
	[smem:$0x3FD2] =	sst s25  }
0xa6: {  	s5 =	sshll.u32 s26, $0x1;
	_ =	strace $0x80000046;
	[dreg:$0x1] =	wrdreg $0xFFFFFFFF  }
0xa7: {  	s28 =	simm.s32 $_size_execute0_lowered;
	s3 =	sadd.s32 s3, s5;
	[dreg:$0x0] =	wrdreg $0x0  }
0xa8: {  	s5 =	sshll.u32 s28, $0x1;
	[dreg:$0x2] =	wrdreg s3  }
0xa9: {  	[dreg:$0x3] =	wrdreg s5  }
0xaa: {  	[dreg:$0x4] =	wrdreg $0xC0  }
0xab: {  	_ =	task [dreg:s7], $0x5FFFF  }
0xac: {  	[dreg:$0x1] =	wrdreg $0xFFFFFFFF  }
0xad: {  	[dreg:$0x0] =	wrdreg $0x60  }
0xae: {  	[dreg:$0x2] =	wrdreg s2  }
0xaf: {  	[dreg:$0x3] =	wrdreg s24  }
0xb0: {  	[dreg:$0x4] =	wrdreg $0x0  }
0xb1: {  	[dreg:$0x5] =	wrdreg $0x9  }
0xb2: {  	_ =	task.clear_ibuf [dreg:s7], $0x6FFFF;
	_ =	strace $0x90000046  }
0xb3: {  	s29 =	simm.s32 $0x9;
	_ =	strace $0x80000048  }
0xb4: {  	_ =	swait.ge [sflag:s29], $0x1  }
0xb5: {  	[sflag:s29] =	ssyncadd.s32 $0xFFFFFFFF  }
0xb6: {  	_ =	strace $0x90000048  }
0xb7: {  	_ =	sfence  }
0xb8: {  	s30 =	sld [smem:$0x0];
	_ =	sdelay $0x2  }
0xb9: {  	s31 =	sshll.u32 s1, $0xD;
	s1 =	sshrl.u32 s1, $0x2  }
0xba: {  	s3 =	sand.u32 $0x4000, s31;
	s1 =	sadd.s32 s1, s30  }
0xbb: {  	s0 =	sor.u32 s3, s0;
	s1 =	sshll.u32 s1, $0x11  }
0xbc: {  	s0 =	sor.u32 s1, s0  }
0xbd: {  	s0 =	sadd.s32 $0x8F2B, s0  }
0xbe: {  	[sflag:s0] =	ssyncadd.remote.s32 $0x1  }
0xbf: {  	_ =	sfence.sel $0xFFFF  }
0xc0: {  	[dreg:$0x0] =	wrdreg $0xFFFFFFFF;
	(pc) =	sbr.abs _section_cstart, $3  }
0xc1: {  	[dreg:$0x1] =	wrdreg $0xFFFFFFFF  }
0xc2: {  	_ =	task.clear_ibuf [dreg:s7], $0x2FFFF;
	_ =	strace $0x9FFFFFFF  }
0xc3: {  	(tm) =	ssettm $0x7FFFFFFF  }
tec
execute0_lowered:
.L_overlay_start_1:
0x0: {  	(tag) =	ssettag $0x1  }
0x1: {  	s1 =	rddreg [dreg:$0x0]  }
0x2: {  	s7 =	rddreg [dreg:$0x1]  }
0x3: {  	s3 =	rddreg [dreg:$0x2]  }
0x4: {  	s0 =	srdreg.scid;
	s2 =	rddreg [dreg:$0x3];
	s4 =	simm.s32 $0x0  }
0x5: {  	s15 =	simm.s32 $0x13D00;
	s16 =	simm.s32 $0x13C00;
	s17 =	simm.s32 $0x50  }
0x6: {  	s18 =	simm.s32 $0x13C80;
	s19 =	simm.s32 $0x1;
	s8 =	sand.u32 $0x1, s0  }
0x7: {  	s20 =	simm.s32 $0x2;
	s0 =	stileid.u32;
	s5 =	smul.u32 $0x13C000, s8  }
0x8: {  	s21 =	simm.s32 $0x0;
	[smem:$0x7FF] =	sst s4;
	s6 =	smul.u32 $0x13C00, s0  }
0x9: {  	_ =	strace $0x80000047;
	s26 =	smul.u32 $0x4F000, s0;
	s10 =	ssub.s32 $0x2, s8  }
0xa: {  	s11 =	sshll.u32 s0, $0x1;
	s12 =	smul.u32 $0x4E20, s0;
	s29 =	sshll.u32 s0, $0x6  }
0xb: {  	s13 =	sshrl.u32 s10, $0x1;
	s11 =	sor.u32 s8, s11;
	s8 =	smul.u32 $0x2710, s8  }
0xc: {  	s6 =	sadd.s32 s6, s5;
	s5 =	sadd.s32 $0xE200, s7;
	s10 =	ssub.s32 s10, s13  }
0xd: {  	s11 =	smul.u32 $0x2710, s11;
	s9 =	sshrl.u32 s6, $0x3;
	s6 =	sadd.s32 $0xE800, s7  }
0xe: {  	s12 =	sadd.s32 s8, s12;
	s10 =	smax.u32 s10, $0x1;
	s9 =	sadd.s32 s9, s7  }
0xf: {  	s7 =	sshrl.u32 s26, $0x2;
	s30 =	sshrl.u32 s11, $0x3;
	s31 =	sadd.s32 $0x50, s12  }
0x10: {  	s11 =	sadd.s32 $0xA0, s12;
	s28 =	sadd.s32 s7, s3;
	s7 =	sor.u32 $0x1C03, s29  }
0x11: {  	s8 =	sadd.s32 s1, s30;
	s9 =	sadd.s32 $0x11000, s9;
	s14 =	sshrl.u32 s31, $0x3  }
0x12: {  	s12 =	sadd.s32 s14, s1;
	s13 =	sshrl.u32 s28, $0x3;
	s14 =	simm.s32 $0x3  }
.LBB2_1:
0x13: {  	[spmem:s13], [sflag:s7] =	dma.local [hbm:s6], $0x2780  }
0x14: {  	_ =	swait.ge [sflag:s14], $0x2780  }
0x15: {  	[sflag:s14] =	ssyncset.done $0x0  }
0x16: {  	[sflag:s14] =	ssyncadd.s32 $0xFFFFD880  }
0x17: {  	[tilespmem:s15], [sflag:$0x3] =	stream.linear.gather [hbm4b:s5+s4], $0x2800, $0x38;
	[tilespmem:$0x16500] =	vst v63  }
0x18: {  	_ =	swait.ge [sflag:s14], $0x2800  }
0x19: {  	[sflag:s14] =	ssyncset.done $0x0  }
0x1a: {  	[sflag:s14] =	ssyncadd.s32 $0xFFFFD800  }
0x1b: {  	[bflag:$0x0] =	sbarrier.arrive $0xFFFF  }
0x1c: {  	[tilespmem:s16], [sflag:$0x3] =	stream.linear.gather [hbm4b:s8+s4], $0x50, $0x38;
	[tilespmem:$0x16500] =	vst v63  }
0x1d: {  	_ =	swait.ge [sflag:s14], $0x50  }
0x1e: {  	[sflag:s14] =	ssyncset.done $0x0  }
0x1f: {  	[sflag:s14] =	ssyncadd.s32 $0xFFFFFFB0  }
0x20: {  	[spmem:s3] =	stream.indirect.scatter.add.f32 [tilespmem:s15], [sflag:$0x1], $0x80, s16, s17, $0xb8;
	[tilespmem:$0x16500] =	vst v63  }
0x21: {  	s22 =	sadd.s32 $0x0, s12  }
0x22: {  	[tilespmem:s18], [sflag:$0x3] =	stream.linear.gather [hbm4b:s22+s4], $0x50, $0x38;
	[tilespmem:$0x16500] =	vst v63  }
0x23: {  	_ =	swait.ge [sflag:s14], $0x50  }
0x24: {  	[sflag:s14] =	ssyncset.done $0x0  }
0x25: {  	[sflag:s14] =	ssyncadd.s32 $0xFFFFFFB0  }
0x26: {  	[spmem:s3] =	stream.indirect.scatter.add.f32 [tilespmem:s15], [sflag:$0x2], $0x80, s18, s17, $0xb8;
	[tilespmem:$0x16500] =	vst v63  }
0x27: {  	_ =	swait.ge [sflag:s19], $0x2800  }
0x28: {  	s31 =	sshrl.u32 s11, $0x3;
	[sflag:s19] =	ssyncset.done $0x0  }
0x29: {  	s22 =	sadd.s32 s1, s31;
	[sflag:s19] =	ssyncadd.s32 $0xFFFFD800  }
0x2a: {  	[tilespmem:s16], [sflag:$0x3] =	stream.linear.gather [hbm4b:s22+s4], $0x50, $0x38;
	[tilespmem:$0x16500] =	vst v63  }
0x2b: {  	_ =	swait.ge [sflag:s14], $0x50  }
0x2c: {  	[sflag:s14] =	ssyncset.done $0x0  }
0x2d: {  	[sflag:s14] =	ssyncadd.s32 $0xFFFFFFB0  }
0x2e: {  	[spmem:s3] =	stream.indirect.scatter.add.f32 [tilespmem:s15], [sflag:$0x1], $0x80, s16, s17, $0xb8;
	[tilespmem:$0x16500] =	vst v63  }
0x2f: {  	s23 =	simm.s32 $0x14;
	_ =	swait.ge [sflag:s20], $0x2800  }
0x30: {  	s24 =	simm.s32 $0x28;
	s22 =	sadd.s32 $0xA0, s11;
	[sflag:s20] =	ssyncset.done $0x0  }
.LBB2_2:
0x31: {  	s25 =	sadd.s32 s23, s12  }
0x32: {  	[sflag:s20] =	ssyncadd.s32 $0xFFFFD800;
	s23 =	smov.u32 s24;
	s26 =	sadd.s32 $0x14, s24  }
0x33: {  	[tilespmem:s18], [sflag:$0x3] =	stream.linear.gather [hbm4b:s25+s4], $0x50, $0x38;
	[tilespmem:$0x16500] =	vst v63  }
0x34: {  	p0 =	sne.s32 s24, $0x4C4;
	_ =	swait.ge [sflag:s14], $0x50  }
0x35: {  	[sflag:s14] =	ssyncset.done $0x0  }
0x36: {  	[sflag:s14] =	ssyncadd.s32 $0xFFFFFFB0  }
0x37: {  	[spmem:s3] =	stream.indirect.scatter.add.f32 [tilespmem:s15], [sflag:$0x2], $0x80, s18, s17, $0xb8;
	[tilespmem:$0x16500] =	vst v63  }
0x38: {  	_ =	swait.ge [sflag:s19], $0x2800  }
0x39: {  	s24 =	sshrl.u32 s22, $0x3;
	[sflag:s19] =	ssyncset.done $0x0  }
0x3a: {  	s24 =	sadd.s32 s1, s24;
	[sflag:s19] =	ssyncadd.s32 $0xFFFFD800  }
0x3b: {  	[tilespmem:s16], [sflag:$0x3] =	stream.linear.gather [hbm4b:s24+s4], $0x50, $0x38;
	[tilespmem:$0x16500] =	vst v63  }
0x3c: {  	_ =	swait.ge [sflag:s14], $0x50  }
.Ltmp0:
0x3d: {  	[sflag:s14] =	ssyncset.done $0x0;
	(pc) =	sbr.rel @p0 .LBB2_2-.Ltmp0, $4  }
0x3e: {  	[sflag:s14] =	ssyncadd.s32 $0xFFFFFFB0  }
0x3f: {  	[spmem:s3] =	stream.indirect.scatter.add.f32 [tilespmem:s15], [sflag:$0x1], $0x80, s16, s17, $0xb8;
	[tilespmem:$0x16500] =	vst v63  }
0x40: {  	_ =	swait.ge [sflag:s20], $0x2800  }
0x41: {  	s22 =	sadd.s32 $0xA0, s22;
	s24 =	smov.u32 s26;
	[sflag:s20] =	ssyncset.done $0x0  }
0x42: {  	s23 =	sadd.s32 s23, s12;
	[sflag:s20] =	ssyncadd.s32 $0xFFFFD800  }
0x43: {  	[tilespmem:s18], [sflag:$0x3] =	stream.linear.gather [hbm4b:s23+s4], $0x50, $0x38;
	[tilespmem:$0x16500] =	vst v63  }
0x44: {  	_ =	swait.ge [sflag:s14], $0x50  }
0x45: {  	[sflag:s14] =	ssyncset.done $0x0  }
0x46: {  	[sflag:s14] =	ssyncadd.s32 $0xFFFFFFB0  }
0x47: {  	[spmem:s3] =	stream.indirect.scatter.add.f32 [tilespmem:s15], [sflag:$0x2], $0x80, s18, s17, $0xb8;
	[tilespmem:$0x16500] =	vst v63  }
0x48: {  	_ =	swait.ge [sflag:s19], $0x2800  }
0x49: {  	s22 =	sshrl.u32 s22, $0x3;
	[sflag:s19] =	ssyncset.done $0x0  }
0x4a: {  	s22 =	sadd.s32 s1, s22;
	[sflag:s19] =	ssyncadd.s32 $0xFFFFD800  }
0x4b: {  	[tilespmem:s16], [sflag:$0x3] =	stream.linear.gather [hbm4b:s22+s4], $0x50, $0x38;
	[tilespmem:$0x16500] =	vst v63  }
0x4c: {  	_ =	swait.ge [sflag:s14], $0x50  }
0x4d: {  	[sflag:s14] =	ssyncset.done $0x0  }
0x4e: {  	[sflag:s14] =	ssyncadd.s32 $0xFFFFFFB0  }
0x4f: {  	[spmem:s3] =	stream.indirect.scatter.add.f32 [tilespmem:s15], [sflag:$0x1], $0x80, s16, s17, $0xb8;
	[tilespmem:$0x16500] =	vst v63  }
0x50: {  	_ =	swait.ge [sflag:s20], $0x2800  }
0x51: {  	[sflag:s20] =	ssyncset.done $0x0  }
0x52: {  	[sflag:s20] =	ssyncadd.s32 $0xFFFFD800  }
0x53: {  	_ =	swait.ge [sflag:s19], $0x2800  }
0x54: {  	s21 =	sadd.s32 $0x1, s21;
	[sflag:s19] =	ssyncset.done $0x0  }
0x55: {  	p0 =	sne.s32 s21, s10;
	[sflag:s19] =	ssyncadd.s32 $0xFFFFD800  }
.Ltmp1:
0x56: {  	[bflag:$0x0] =	sbarrier.arrive $0xFFFF;
	(pc) =	sbr.rel @p0 .LBB2_1-.Ltmp1, $4  }
0x57: {  	[hbm:s9], [sflag:s7] =	dma.local [spmem:s13], $0x2780  }
0x58: {  	_ =	swait.ge [sflag:s14], $0x2780  }
0x59: {  	[sflag:s14] =	ssyncset.done $0x0  }
0x5a: {  	[sflag:s14] =	ssyncadd.s32 $0xFFFFD880  }
0x5b: {  	_ =	sfence.sel $0x180000  }
0x5c: {  	[bflag:$0x0] =	sbarrier.arrive $0xFFFF  }
0x5d: {  	p0 =	sne.s32 s0, $0x0;
	_ =	strace $0x90000047  }
0x5e: {  	s0 =	sadd.s32 @!p0 $0x100000, s2;
	[bflag:$0x2] =	sbarrier.arrive $0xFFFF  }
0x5f: {  	[sflag:s0] =	ssyncadd.tile.s32 @!p0 $0x1;
	_ =	shalt  }
.Lfunc_end2:
_tile_overlayer_lowered:
.L_overlay_start_2:
0x60: {  	(tag) =	ssettag $0x2  }
0x61: {  	s0 =	rddreg [dreg:$0x0];
	s2 =	stileid.u32  }
0x62: {  	s1 =	rddreg [dreg:$0x1];
	p0 =	sne.s32 s2, $0x0  }
0x63: {  	s3 =	rddreg [dreg:$0x2];
	[bflag:$0x3] =	sbarrier.arrive $0xFFFF;
	s2 =	simm.s32 @!p0 $0x1C03  }
0x64: {  	[timem:s3], [sflag:s2] =	dma.local @!p0 [hbm:s0], s1  }
0x65: {  	s0 =	simm.s32 @!p0 $0x3  }
0x66: {  	_ =	swait.ge @!p0 [sflag:s0], s1  }
0x67: {  	s1 =	ssub.s32 @!p0 $0x0, s1;
	[sflag:s0] =	ssyncset.done @!p0 $0x0  }
0x68: {  	[sflag:s0] =	ssyncadd.s32 @!p0 s1  }
0x69: {  	[bflag:$0x3] =	sbarrier.arrive $0xFFFF  }
0x6a: {  	_ =	shalt  }

// kernel: kernel.13.cloned.1.call-start
scs
__scs_entry_jumppad:
0x0: {  	(pc) =	sbr.rel $0x88, $3  }
0x1: {  	(tag) =	ssettag $0x0;
	lr =	simm.s32 $0x1  }
0x2: {  	[smem:$0x3F89] =	sst lr;
	_ =	strace $0xD0000000  }
0x3: {  	_ = 	snop  }
0x4: {  	_ = 	snop  }
0x5: {  	_ = 	snop  }
0x6: {  	_ = 	snop  }
0x7: {  	_ = 	snop  }
__scs_overlays_trampoline_lowered:
0x8: {  	[smem:$0x3F98] =	sst s0  }
0x9: {  	[smem:$0x3F99] =	sst s1  }
0xa: {  	[smem:$0x3F9A] =	sst s2  }
0xb: {  	[smem:$0x3F9B] =	sst s3  }
0xc: {  	[smem:$0x3F9C] =	sst s4  }
0xd: {  	[smem:$0x3F9D] =	sst s5  }
0xe: {  	[smem:$0x3F9E] =	sst s6  }
0xf: {  	[smem:$0x3F9F] =	sst s7  }
0x10: {  	[smem:$0x3FA0] =	sst s8  }
0x11: {  	[smem:$0x3FA1] =	sst s9;
	s0 =	simm.s32 @!p0 $0x0  }
0x12: {  	s1 =	sld [smem:$0x3F87];
	s0 =	simm.s32 @p0 $0x1  }
0x13: {  	[smem:$0x3FA2] =	sst s0;
	s0 =	simm.s32 @!p1 $0x0  }
0x14: {  	s2 =	sld [smem:$0x3F86];
	s0 =	simm.s32 @p1 $0x1  }
0x15: {  	[smem:$0x3FA3] =	sst s0;
	s0 =	simm.s32 @!p2 $0x0  }
0x16: {  	s3 =	sld [smem:$0x3FDB];
	s0 =	simm.s32 @p2 $0x1  }
0x17: {  	s4 =	simm.s32 $0x1BF5;
	[smem:$0x3FA5] =	sst s0  }
0x18: {  	s0 =	sld [smem:$0x3F88];
	_ =	swait.ge [sflag:s4], $0x0  }
0x19: {  	s7 =	sld [smem:$0x3F89]  }
0x1a: {  	s8 =	sadd.s32 $0xFFFFE003, lr  }
0x1b: {  	s9 =	sadd.s32 $0xFFFFFEF7, lr;
	s5 =	simm.s32 $0xFFFFFFFF;
	p2 =	slt.u32 s8, $0xFFFFF086  }
0x1c: {  	p1 =	slt.u32 s9, $0xF7A;
	s5 =	simm.s32 @!p2 $0x0  }
0x1d: {  	s5 =	simm.s32 @p1 $0x1;
	p0 =	seq.s32 s7, s2  }
0x1e: {  	s7 =	smul.u32 @!p0 $0xF7A, s2;
	p2 =	seq.s32 @!p0 s5, $0x0  }
0x1f: {  	s9 =	smul.u32 $0xF7A, s1;
	s8 =	simm.s32 @!p0 $0x1BF5;
	p2 =	por !p2, p0  }
0x20: {  	[sflag:s8] =	ssyncset.s32 @!p0 $0xFFFFF086;
	s6 =	sadd.s32 @!p0 s3, s7;
	s7 =	simm.s32 @!p0 $0x108  }
0x21: {  	s3 =	sadd.s32 s3, s9;
	s6 =	sadd.s32 @!p0 $0x88, s6;
	s7 =	simm.s32 @p2 $0x1082  }
0x22: {  	[simem:s7], [sflag:s8] =	dma.local @!p0 [hbm:s6], $0xF7A  }
0x23: {  	s9 =	sor.u32 $0xD0000000, s2;
	s6 =	simm.s32 $0x108;
	_ =	swait.ge @!p0 [sflag:s8], $0x0  }
0x24: {  	s3 =	sadd.s32 $0x88, s3;
	s6 =	simm.s32 @!p1 $0x1082;
	[sflag:s4] =	ssyncset.s32 $0xFFFFF086  }
0x25: {  	[simem:s6], [sflag:s4] =	dma.local [hbm:s3], $0xF7A  }
0x26: {  	[smem:$0x3F89] =	sst s1;
	(tag) =	ssettag s2;
	_ =	strace s9  }
0x27: {  	s1 =	sld [smem:$0x3F99]  }
0x28: {  	s2 =	sld [smem:$0x3F9A]  }
0x29: {  	s4 =	sld [smem:$0x3F9C]  }
0x2a: {  	p0 =	seq.s32 s5, $0x0;
	s5 =	sld [smem:$0x3F9D]  }
0x2b: {  	s6 =	sld [smem:$0x3F9E]  }
0x2c: {  	s7 =	sld [smem:$0x3F9F]  }
0x2d: {  	s3 =	simm.s32 $0x108;
	s8 =	sld [smem:$0x3FA0]  }
0x2e: {  	s3 =	simm.s32 @!p0 $0x1082;
	s9 =	sld [smem:$0x3FA1]  }
0x2f: {  	lr =	sadd.s32 s0, s3;
	s0 =	sld [smem:$0x3F98]  }
0x30: {  	s3 =	sld [smem:$0x3F9B]  }
0x31: {  	[smem:$0x3FA4] =	sst s10  }
0x32: {  	s10 =	sld [smem:$0x3FA2];
	_ =	sdelay $0x3  }
0x33: {  	p0 =	seq.s32 s10, $0x1;
	s10 =	sld [smem:$0x3FA4];
	_ =	sdelay $0x3  }
0x34: {  	[smem:$0x3FA4] =	sst s10  }
0x35: {  	s10 =	sld [smem:$0x3FA3];
	_ =	sdelay $0x3  }
0x36: {  	p1 =	seq.s32 s10, $0x1;
	s10 =	sld [smem:$0x3FA4];
	_ =	sdelay $0x3  }
0x37: {  	[smem:$0x3FA4] =	sst s10  }
0x38: {  	s10 =	sld [smem:$0x3FA5]  }
0x39: {  	_ = 	snop;
	(pc) =	sbr.ind lr, $3  }
0x3a: {  	_ = 	snop  }
0x3b: {  	_ = 	snop  }
0x3c: {  	p2 =	seq.s32 s10, $0x1;
	s10 =	sld [smem:$0x3FA4]  }
0x3d: {  	_ =	shalt  }
0x3e: {  	_ =	shalt  }
0x3f: {  	_ =	shalt  }
0x40: {  	_ =	shalt  }
0x41: {  	_ =	shalt  }
0x42: {  	_ =	shalt  }
0x43: {  	_ =	shalt  }
0x44: {  	_ =	shalt  }
0x45: {  	_ =	shalt  }
0x46: {  	_ =	shalt  }
0x47: {  	_ =	shalt  }
0x48: {  	_ =	shalt  }
0x49: {  	_ =	shalt  }
0x4a: {  	_ =	shalt  }
0x4b: {  	_ =	shalt  }
0x4c: {  	_ =	shalt  }
0x4d: {  	_ =	shalt  }
0x4e: {  	_ =	shalt  }
0x4f: {  	_ =	shalt  }
0x50: {  	_ =	shalt  }
0x51: {  	_ =	shalt  }
0x52: {  	_ =	shalt  }
0x53: {  	_ =	shalt  }
0x54: {  	_ =	shalt  }
0x55: {  	_ =	shalt  }
0x56: {  	_ =	shalt  }
0x57: {  	_ =	shalt  }
0x58: {  	_ =	shalt  }
0x59: {  	_ =	shalt  }
0x5a: {  	_ =	shalt  }
0x5b: {  	_ =	shalt  }
0x5c: {  	_ =	shalt  }
0x5d: {  	_ =	shalt  }
0x5e: {  	_ =	shalt  }
0x5f: {  	_ =	shalt  }
0x60: {  	_ =	shalt  }
0x61: {  	_ =	shalt  }
0x62: {  	_ =	shalt  }
0x63: {  	_ =	shalt  }
0x64: {  	_ =	shalt  }
0x65: {  	_ =	shalt  }
0x66: {  	_ =	shalt  }
0x67: {  	_ =	shalt  }
0x68: {  	_ =	shalt  }
0x69: {  	_ =	shalt  }
0x6a: {  	_ =	shalt  }
0x6b: {  	_ =	shalt  }
0x6c: {  	_ =	shalt  }
0x6d: {  	_ =	shalt  }
0x6e: {  	_ =	shalt  }
0x6f: {  	_ =	shalt  }
0x70: {  	_ =	shalt  }
0x71: {  	_ =	shalt  }
0x72: {  	_ =	shalt  }
0x73: {  	_ =	shalt  }
0x74: {  	_ =	shalt  }
0x75: {  	_ =	shalt  }
0x76: {  	_ =	shalt  }
0x77: {  	_ =	shalt  }
0x78: {  	_ =	shalt  }
0x79: {  	_ =	shalt  }
0x7a: {  	_ =	shalt  }
0x7b: {  	_ =	shalt  }
0x7c: {  	_ =	shalt  }
0x7d: {  	_ =	shalt  }
0x7e: {  	_ =	shalt  }
0x7f: {  	_ =	shalt  }
0x80: {  	_ =	shalt  }
0x81: {  	_ =	shalt  }
0x82: {  	_ =	shalt  }
0x83: {  	_ =	shalt  }
0x84: {  	_ =	shalt  }
0x85: {  	_ =	shalt  }
0x86: {  	_ =	shalt  }
0x87: {  	_ =	shalt  }
.Lfunc_end0:
.L_simem_size_0:
called_computation.1_lowered:
.L_overlay_start_0:
0x88: {  	s2 =	sld [smem:$0x3FD9]  }
0x89: {  	s3 =	sld [smem:$0x3FFE];
	_ =	sdelay $0x1  }
0x8a: {  	s1 =	srdreg.scid  }
0x8b: {  	s0 =	sand.u32 $0x1, s1  }
0x8c: {  	s17 =	sshll.u32 s0, $0xA;
	s2 =	sadd.s32 s3, s2  }
0x8d: {  	s2 =	sadd.s32 s2, s17  }
0x8e: {  	[smem:$0x3FB0] =	sst s2  }
0x8f: {  	_ = 	snop  }
0x90: {  	s18 =	sld [smem:$0x3FD0];
	(tm) =	ssettm $0x1  }
0x91: {  	s19 =	sld [smem:$0x3FFB];
	_ =	sdelay $0x3  }
0x92: {  	_ =	strace s19  }
0x93: {  	s2 =	sld [smem:$0x3FFC];
	_ =	sdelay $0x3  }
0x94: {  	_ =	strace s2  }
0x95: {  	s2 =	sld [smem:$0x3FFD];
	_ =	sdelay $0x3  }
0x96: {  	_ =	strace s2  }
0x97: {  	_ =	strace $0x8FFFFFFF  }
0x98: {  	s20 =	sld [smem:$0x3FDB];
	_ =	sdelay $0x1  }
0x99: {  	s4 =	simm.s32 $_scs_section_size  }
0x9a: {  	s5 =	simm.s32 $_size__tile_overlayer_lowered;
	s6 =	simm.s32 $_tile_overlayer_lowered  }
0x9b: {  	s7 =	simm.s32 $0x1BFF;
	s21 =	sshll.u32 s6, $0x1;
	s4 =	sadd.s32 s4, s20  }
0x9c: {  	s22 =	simm.s32 $0x0;
	s5 =	sshll.u32 s5, $0x1;
	s6 =	sadd.s32 s21, s4  }
0x9d: {  	[timem:s22], [sflag:s7] =	dma.local [hbm:s6], s5  }
0x9e: {  	_ =	swait.ge [sflag:s7], s5  }
0x9f: {  	s5 =	ssub.s32 $0x0, s5;
	[sflag:s7] =	ssyncset.done $0x0  }
0xa0: {  	[sflag:s7] =	ssyncadd.s32 s5;
	_ =	sdelay $0x1  }
0xa1: {  	s23 =	simm.s32 $0x1B8B  }
0xa2: {  	_ =	swait.ge [sflag:s23], $0x1  }
0xa3: {  	[sflag:s23] =	ssyncset.done $0x0  }
0xa4: {  	[sflag:s23] =	ssyncadd.s32 $0xFFFFFFFF  }
0xa5: {  	s5 =	sld [smem:$0x0]  }
0xa6: {  	s6 =	sand.u32 $0xFFFFFFFE, s1  }
0xa7: {  	p0 =	sne.s32 s1, s6  }
0xa8: {  	s6 =	sshll.u32 @p0 s6, $0xE  }
0xa9: {  	s6 =	sadd.s32 @p0 $0x11B8D, s6;
	s7 =	sshll.u32 @p0 s5, $0x11  }
0xaa: {  	s6 =	sor.u32 @p0 s7, s6  }
0xab: {  	[sflag:s6] =	ssyncadd.remote.s32 @p0 $0x1;
	_ =	sdelay $0x1  }
0xac: {  	s6 =	simm.s32 @p0 $0x1B8D  }
0xad: {  	_ =	swait.eq @p0 [sflag:s6], $0x1  }
0xae: {  	[sflag:s6] =	ssyncadd.s32 @p0 $0xFFFFFFFF  }
0xaf: {  	s7 =	sshll.u32 @!p0 s1, $0xE  }
0xb0: {  	s7 =	sor.u32 @!p0 $0x4000, s7;
	s6 =	simm.s32 @!p0 $0x1B8D  }
0xb1: {  	s5 =	sshll.u32 @!p0 s5, $0x11;
	s7 =	sadd.s32 @!p0 $0x11B8D, s7;
	_ =	swait.eq @!p0 [sflag:s6], $0x1  }
0xb2: {  	s5 =	sor.u32 @!p0 s5, s7;
	[sflag:s6] =	ssyncadd.s32 @!p0 $0xFFFFFFFF  }
0xb3: {  	s25 =	simm.s32 $0x1B8E;
	s24 =	sld [smem:$0x3FFE];
	[sflag:s5] =	ssyncadd.remote.s32 @!p0 $0x1  }
0xb4: {  	s26 =	simm.s32 $execute0_lowered;
	[smem:$0x3FD2] =	sst s25  }
0xb5: {  	s6 =	sshll.u32 s26, $0x1;
	_ =	strace $0x80000049;
	[dreg:$0x1] =	wrdreg $0xFFFFFFFF  }
0xb6: {  	s28 =	simm.s32 $_size_execute0_lowered;
	s4 =	sadd.s32 s4, s6;
	[dreg:$0x0] =	wrdreg $0x0  }
0xb7: {  	s6 =	sshll.u32 s28, $0x1;
	[dreg:$0x2] =	wrdreg s4  }
0xb8: {  	[dreg:$0x3] =	wrdreg s6  }
0xb9: {  	[dreg:$0x4] =	wrdreg $0xC0  }
0xba: {  	_ =	task [dreg:s22], $0x5FFFF  }
0xbb: {  	[dreg:$0x1] =	wrdreg $0xFFFFFFFF  }
0xbc: {  	[dreg:$0x0] =	wrdreg $0x60  }
0xbd: {  	[dreg:$0x2] =	wrdreg s24  }
0xbe: {  	[dreg:$0x3] =	wrdreg s18  }
0xbf: {  	[dreg:$0x4] =	wrdreg $0x0  }
0xc0: {  	[dreg:$0x5] =	wrdreg $0xA  }
0xc1: {  	_ =	task.clear_ibuf [dreg:s22], $0x6FFFF;
	_ =	strace $0x90000049  }
0xc2: {  	s29 =	simm.s32 $0xA;
	_ =	strace $0x8000004B  }
0xc3: {  	_ =	swait.ge [sflag:s29], $0x1  }
0xc4: {  	[sflag:s29] =	ssyncadd.s32 $0xFFFFFFFF  }
0xc5: {  	_ =	strace $0x9000004B  }
0xc6: {  	_ =	sfence  }
0xc7: {  	s30 =	sld [smem:$0x0];
	_ =	sdelay $0x2  }
0xc8: {  	s31 =	sshll.u32 s1, $0xD;
	s1 =	sshrl.u32 s1, $0x2  }
0xc9: {  	s4 =	sand.u32 $0x4000, s31;
	s1 =	sadd.s32 s1, s30  }
0xca: {  	s0 =	sor.u32 s4, s0;
	s1 =	sshll.u32 s1, $0x11  }
0xcb: {  	s0 =	sor.u32 s1, s0  }
0xcc: {  	s0 =	sadd.s32 $0x8F2B, s0  }
0xcd: {  	[sflag:s0] =	ssyncadd.remote.s32 $0x1  }
0xce: {  	_ =	sfence.sel $0xFFFF  }
0xcf: {  	[dreg:$0x0] =	wrdreg $0xFFFFFFFF;
	(pc) =	sbr.abs _section_cstart, $3  }
0xd0: {  	[dreg:$0x1] =	wrdreg $0xFFFFFFFF  }
0xd1: {  	_ =	task.clear_ibuf [dreg:s22], $0x2FFFF;
	_ =	strace $0x9FFFFFFF  }
0xd2: {  	(tm) =	ssettm $0x7FFFFFFF  }
0xd3: {  	_ =	shalt  }
tec
execute0_lowered:
.L_overlay_start_1:
0x0: {  	(tag) =	ssettag $0x1  }
0x1: {  	s0 =	rddreg [dreg:$0x0]  }
0x2: {  	s20 =	rddreg [dreg:$0x1]  }
0x3: {  	s2 =	rddreg [dreg:$0x2]  }
0x4: {  	s3 =	srdreg.scid;
	s4 =	simm.s32 $0x0;
	s1 =	stileid.u32  }
0x5: {  	s28 =	simm.s32 $0x13C80;
	s30 =	simm.s32 $0x13E80;
	s31 =	simm.s32 $0x16800  }
0x6: {  	s29 =	simm.s32 $0x14000;
	s3 =	sand.u32 $0x1, s3;
	s8 =	smul.u32 $0x13C00, s1  }
0x7: {  	[smem:$0x7FF] =	sst s4;
	s5 =	sadd.s32 $0x60000, s0;
	s12 =	smul.u32 $0x4F000, s1  }
0x8: {  	s6 =	sadd.s32 $0x4400, s0;
	s9 =	sadd.s32 $0xE800, s0;
	s15 =	smul.u32 $0x4E20, s1  }
0x9: {  	s11 =	sshll.u32 s1, $0x1;
	s14 =	sshll.u32 s1, $0x6;
	s7 =	smul.u32 $0x13C000, s3  }
0xa: {  	_ =	strace $0x8000004A;
	[dreg:$0xa] =	wrdreg s9;
	s13 =	ssub.s32 $0x2, s3  }
0xb: {  	s21 =	sor.u32 $0x1C09, s14;
	s1 =	smov.u32 s6;
	s10 =	sshrl.u32 s13, $0x1  }
0xc: {  	s9 =	sshrl.u32 s12, $0x2;
	[dreg:$0xc] =	wrdreg s21;
	s7 =	sadd.s32 s8, s7  }
0xd: {  	s8 =	sor.u32 s3, s11;
	s9 =	sadd.s32 s9, s2;
	s3 =	smul.u32 $0x2710, s3  }
0xe: {  	s7 =	sshrl.u32 s7, $0x3;
	s8 =	smul.u32 $0x2710, s8;
	[dreg:$0xb] =	wrdreg s9  }
0xf: {  	s0 =	sadd.s32 s7, s0;
	s7 =	ssub.s32 s13, s10;
	s3 =	sadd.s32 s3, s15  }
0x10: {  	s8 =	sshrl.u32 s8, $0x3;
	s25 =	sadd.s32 $0x230, s3;
	s0 =	sadd.s32 $0x87200, s0  }
0x11: {  	s13 =	sadd.s32 $0x1E0, s3;
	s6 =	sadd.s32 s6, s8;
	[dreg:$0x17] =	wrdreg s0  }
0x12: {  	s16 =	sadd.s32 $0xA, s8;
	s17 =	sadd.s32 s20, s8;
	[dreg:$0xd] =	wrdreg s6  }
0x13: {  	s12 =	sshrl.u32 s25, $0x3;
	s25 =	smax.u32 s7, $0x1;
	[dreg:$0xe] =	wrdreg s17  }
0x14: {  	s11 =	sadd.s32 $0x14, s8;
	s18 =	sadd.s32 s1, s16;
	[dreg:$0x18] =	wrdreg s25  }
0x15: {  	s24 =	sadd.s32 $0x1E, s8;
	s19 =	sadd.s32 s20, s16;
	[dreg:$0xf] =	wrdreg s18  }
0x16: {  	s8 =	sadd.s32 $0x4D8, s8;
	s22 =	sadd.s32 s1, s11;
	[dreg:$0x10] =	wrdreg s19  }
0x17: {  	s14 =	sshrl.u32 s13, $0x3;
	s23 =	sadd.s32 s20, s11;
	[dreg:$0x11] =	wrdreg s22  }
0x18: {  	s0 =	simm.s32 $0x13D00;
	s26 =	sadd.s32 s1, s24;
	[dreg:$0x12] =	wrdreg s23  }
0x19: {  	s7 =	simm.s32 $0x19000;
	s11 =	sadd.s32 s20, s24;
	[dreg:$0x13] =	wrdreg s26  }
0x1a: {  	s13 =	simm.s32 $0x2;
	s10 =	sadd.s32 s12, s20;
	[dreg:$0x14] =	wrdreg s11  }
0x1b: {  	s9 =	sadd.s32 s12, s1;
	s15 =	sadd.s32 s14, s20;
	[dreg:$0x4] =	wrdreg s10  }
0x1c: {  	s16 =	sadd.s32 $0x190, s3;
	s17 =	sadd.s32 s14, s1;
	[dreg:$0x5] =	wrdreg s9  }
0x1d: {  	s12 =	simm.s32 $0x1;
	s14 =	simm.s32 $0x3;
	[dreg:$0x6] =	wrdreg s15  }
0x1e: {  	s18 =	sshrl.u32 s16, $0x3;
	s19 =	sadd.s32 s1, s8;
	[dreg:$0x7] =	wrdreg s17  }
0x1f: {  	s23 =	sadd.s32 s20, s8;
	s26 =	sadd.s32 $0x140, s3;
	s3 =	simm.s32 $0x13F00  }
0x20: {  	s8 =	simm.s32 $0x13D80;
	s10 =	simm.s32 $0x13F80;
	s11 =	simm.s32 $0x1B800  }
0x21: {  	s15 =	simm.s32 $0x4;
	s16 =	simm.s32 $0x5;
	[dreg:$0x15] =	wrdreg s19  }
0x22: {  	s17 =	simm.s32 $0x6;
	s9 =	simm.s32 $0x0;
	[dreg:$0x16] =	wrdreg s23  }
0x23: {  	s22 =	sadd.s32 s18, s20;
	s24 =	sadd.s32 s18, s1;
	[dreg:$0x19] =	wrdreg s26  }
0x24: {  	s23 =	simm.s32 $0x9;
	s26 =	simm.s32 $0x50;
	[dreg:$0x8] =	wrdreg s22  }
0x25: {  	s18 =	simm.s32 $0x7;
	s19 =	simm.s32 $0x8;
	[dreg:$0x9] =	wrdreg s24  }
.LBB2_1:
0x26: {  	[dreg:$0x1a] =	wrdreg s9  }
0x27: {  	s6 =	rddreg [dreg:$0xb]  }
0x28: {  	s22 =	rddreg [dreg:$0xa];
	s6 =	sshrl.u32 s6, $0x3  }
0x29: {  	[dreg:$0x1b] =	wrdreg s6  }
0x2a: {  	[spmem:s6], [sflag:s21] =	dma.local [hbm:s22], $0x2780  }
0x2b: {  	_ =	swait.ge [sflag:s23], $0x2780  }
0x2c: {  	[sflag:s23] =	ssyncset.done $0x0  }
0x2d: {  	[sflag:s23] =	ssyncadd.s32 $0xFFFFD880  }
0x2e: {  	[bflag:$0x0] =	sbarrier.arrive $0xFFFF  }
0x2f: {  	s22 =	simm.s32 $0x13C00;
	s24 =	rddreg [dreg:$0xd]  }
0x30: {  	[tilespmem:s22], [sflag:$0x9] =	stream.linear.gather [hbm4b:s24+s4], $0x50, $0x38;
	[tilespmem:$0x1E000] =	vst v63  }
0x31: {  	_ =	swait.ge [sflag:s23], $0x50  }
0x32: {  	[sflag:s23] =	ssyncset.done $0x0  }
0x33: {  	s24 =	simm.s32 $0x13E00;
	s25 =	rddreg [dreg:$0xe];
	[sflag:s23] =	ssyncadd.s32 $0xFFFFFFB0  }
0x34: {  	[tilespmem:s24], [sflag:$0x9] =	stream.linear.gather [hbm4b:s25+s4], $0x50, $0x38;
	[tilespmem:$0x1E000] =	vst v63  }
0x35: {  	_ =	swait.ge [sflag:s23], $0x50  }
0x36: {  	[sflag:s23] =	ssyncset.done $0x0  }
0x37: {  	s25 =	simm.s32 $0x14000;
	[sflag:s23] =	ssyncadd.s32 $0xFFFFFFB0  }
0x38: {  	[tilespmem:s25], [sflag:$0x1] =	stream.indirect.gather [hbm4b:s5+s26], $0x80, s22, s26, $0xb8;
	[tilespmem:$0x1E000] =	vst v63  }
0x39: {  	s9 =	rddreg [dreg:$0xf]  }
0x3a: {  	[tilespmem:s28], [sflag:$0x9] =	stream.linear.gather [hbm4b:s9+s4], $0x50, $0x38;
	[tilespmem:$0x1E000] =	vst v63  }
0x3b: {  	_ =	swait.ge [sflag:s23], $0x50  }
0x3c: {  	[sflag:s23] =	ssyncset.done $0x0  }
0x3d: {  	s21 =	rddreg [dreg:$0x10];
	[sflag:s23] =	ssyncadd.s32 $0xFFFFFFB0  }
0x3e: {  	[tilespmem:s30], [sflag:$0x9] =	stream.linear.gather [hbm4b:s21+s4], $0x50, $0x38;
	[tilespmem:$0x1E000] =	vst v63  }
0x3f: {  	_ =	swait.ge [sflag:s23], $0x50  }
0x40: {  	[sflag:s23] =	ssyncset.done $0x0  }
0x41: {  	[sflag:s23] =	ssyncadd.s32 $0xFFFFFFB0  }
0x42: {  	[tilespmem:s31], [sflag:$0x2] =	stream.indirect.gather [hbm4b:s5+s26], $0x80, s28, s26, $0xb8;
	[tilespmem:$0x1E000] =	vst v63  }
0x43: {  	s9 =	rddreg [dreg:$0x11]  }
0x44: {  	[tilespmem:s0], [sflag:$0x9] =	stream.linear.gather [hbm4b:s9+s4], $0x50, $0x38;
	[tilespmem:$0x1E000] =	vst v63  }
0x45: {  	_ =	swait.ge [sflag:s23], $0x50  }
0x46: {  	[sflag:s23] =	ssyncset.done $0x0  }
0x47: {  	s21 =	rddreg [dreg:$0x12];
	[sflag:s23] =	ssyncadd.s32 $0xFFFFFFB0  }
0x48: {  	[tilespmem:s3], [sflag:$0x9] =	stream.linear.gather [hbm4b:s21+s4], $0x50, $0x38;
	[tilespmem:$0x1E000] =	vst v63  }
0x49: {  	_ =	swait.ge [sflag:s23], $0x50  }
0x4a: {  	[sflag:s23] =	ssyncset.done $0x0  }
0x4b: {  	[sflag:s23] =	ssyncadd.s32 $0xFFFFFFB0  }
0x4c: {  	[tilespmem:s7], [sflag:$0x3] =	stream.indirect.gather [hbm4b:s5+s26], $0x80, s0, s26, $0xb8;
	[tilespmem:$0x1E000] =	vst v63  }
0x4d: {  	s9 =	rddreg [dreg:$0x13]  }
0x4e: {  	[tilespmem:s8], [sflag:$0x9] =	stream.linear.gather [hbm4b:s9+s4], $0x50, $0x38;
	[tilespmem:$0x1E000] =	vst v63  }
0x4f: {  	_ =	swait.ge [sflag:s23], $0x50  }
0x50: {  	[sflag:s23] =	ssyncset.done $0x0  }
0x51: {  	s21 =	rddreg [dreg:$0x14];
	[sflag:s23] =	ssyncadd.s32 $0xFFFFFFB0  }
0x52: {  	[tilespmem:s10], [sflag:$0x9] =	stream.linear.gather [hbm4b:s21+s4], $0x50, $0x38;
	[tilespmem:$0x1E000] =	vst v63  }
0x53: {  	_ =	swait.ge [sflag:s23], $0x50  }
0x54: {  	[sflag:s23] =	ssyncset.done $0x0  }
0x55: {  	[sflag:s23] =	ssyncadd.s32 $0xFFFFFFB0  }
0x56: {  	[tilespmem:s11], [sflag:$0x4] =	stream.indirect.gather [hbm4b:s5+s26], $0x80, s8, s26, $0xb8;
	[tilespmem:$0x1E000] =	vst v63  }
0x57: {  	_ =	swait.ge [sflag:s12], $0x2800  }
0x58: {  	[sflag:s12] =	ssyncset.done $0x0  }
0x59: {  	[sflag:s12] =	ssyncadd.s32 $0xFFFFD800  }
0x5a: {  	[spmem:s2] =	stream.indirect.scatter.add.f32 [tilespmem:s25], [sflag:$0x5], $0x80, s24, s26, $0xb8;
	[tilespmem:$0x1E000] =	vst v63  }
0x5b: {  	_ =	swait.ge [sflag:s13], $0x2800  }
0x5c: {  	[sflag:s13] =	ssyncset.done $0x0  }
0x5d: {  	[sflag:s13] =	ssyncadd.s32 $0xFFFFD800  }
0x5e: {  	[spmem:s2] =	stream.indirect.scatter.add.f32 [tilespmem:s31], [sflag:$0x6], $0x80, s30, s26, $0xb8;
	[tilespmem:$0x1E000] =	vst v63  }
0x5f: {  	_ =	swait.ge [sflag:s14], $0x2800  }
0x60: {  	[sflag:s14] =	ssyncset.done $0x0  }
0x61: {  	[sflag:s14] =	ssyncadd.s32 $0xFFFFD800  }
0x62: {  	[spmem:s2] =	stream.indirect.scatter.add.f32 [tilespmem:s7], [sflag:$0x7], $0x80, s3, s26, $0xb8;
	[tilespmem:$0x1E000] =	vst v63  }
0x63: {  	_ =	swait.ge [sflag:s15], $0x2800  }
0x64: {  	[sflag:s15] =	ssyncset.done $0x0  }
0x65: {  	[sflag:s15] =	ssyncadd.s32 $0xFFFFD800  }
0x66: {  	[spmem:s2] =	stream.indirect.scatter.add.f32 [tilespmem:s11], [sflag:$0x8], $0x80, s10, s26, $0xb8;
	[tilespmem:$0x1E000] =	vst v63  }
0x67: {  	_ =	swait.ge [sflag:s16], $0x2800  }
0x68: {  	s6 =	rddreg [dreg:$0x19]  }
0x69: {  	[sflag:s16] =	ssyncset.done $0x0;
	s9 =	sshrl.u32 s6, $0x3  }
0x6a: {  	[sflag:s16] =	ssyncadd.s32 $0xFFFFD800;
	s21 =	sadd.s32 s1, s9  }
0x6b: {  	[tilespmem:s22], [sflag:$0x9] =	stream.linear.gather [hbm4b:s21+s4], $0x50, $0x38;
	[tilespmem:$0x1E000] =	vst v63  }
0x6c: {  	_ =	swait.ge [sflag:s23], $0x50  }
0x6d: {  	[sflag:s23] =	ssyncset.done $0x0  }
0x6e: {  	s9 =	sadd.s32 s20, s9;
	[sflag:s23] =	ssyncadd.s32 $0xFFFFFFB0  }
0x6f: {  	[tilespmem:s24], [sflag:$0x9] =	stream.linear.gather [hbm4b:s9+s4], $0x50, $0x38;
	[tilespmem:$0x1E000] =	vst v63  }
0x70: {  	_ =	swait.ge [sflag:s23], $0x50  }
0x71: {  	[sflag:s23] =	ssyncset.done $0x0  }
0x72: {  	[sflag:s23] =	ssyncadd.s32 $0xFFFFFFB0  }
0x73: {  	[tilespmem:s25], [sflag:$0x1] =	stream.indirect.gather [hbm4b:s5+s26], $0x80, s22, s26, $0xb8;
	[tilespmem:$0x1E000] =	vst v63  }
0x74: {  	_ =	swait.ge [sflag:s17], $0x2800  }
0x75: {  	s25 =	rddreg [dreg:$0x9];
	[sflag:s17] =	ssyncset.done $0x0  }
0x76: {  	[sflag:s17] =	ssyncadd.s32 $0xFFFFD800;
	s9 =	sadd.s32 $0x0, s25  }
0x77: {  	[tilespmem:s28], [sflag:$0x9] =	stream.linear.gather [hbm4b:s9+s4], $0x50, $0x38;
	[tilespmem:$0x1E000] =	vst v63  }
0x78: {  	_ =	swait.ge [sflag:s23], $0x50  }
0x79: {  	s21 =	rddreg [dreg:$0x8];
	[sflag:s23] =	ssyncset.done $0x0  }
0x7a: {  	[sflag:s23] =	ssyncadd.s32 $0xFFFFFFB0;
	s9 =	sadd.s32 $0x0, s21  }
0x7b: {  	[tilespmem:s30], [sflag:$0x9] =	stream.linear.gather [hbm4b:s9+s4], $0x50, $0x38;
	[tilespmem:$0x1E000] =	vst v63  }
0x7c: {  	_ =	swait.ge [sflag:s23], $0x50  }
0x7d: {  	[sflag:s23] =	ssyncset.done $0x0  }
0x7e: {  	[sflag:s23] =	ssyncadd.s32 $0xFFFFFFB0  }
0x7f: {  	[tilespmem:s31], [sflag:$0x2] =	stream.indirect.gather [hbm4b:s5+s26], $0x80, s28, s26, $0xb8;
	[tilespmem:$0x1E000] =	vst v63  }
0x80: {  	_ =	swait.ge [sflag:s18], $0x2800  }
0x81: {  	s22 =	rddreg [dreg:$0x7];
	[sflag:s18] =	ssyncset.done $0x0  }
0x82: {  	[sflag:s18] =	ssyncadd.s32 $0xFFFFD800;
	s9 =	sadd.s32 $0x0, s22  }
0x83: {  	[tilespmem:s0], [sflag:$0x9] =	stream.linear.gather [hbm4b:s9+s4], $0x50, $0x38;
	[tilespmem:$0x1E000] =	vst v63  }
0x84: {  	_ =	swait.ge [sflag:s23], $0x50  }
0x85: {  	s24 =	rddreg [dreg:$0x6];
	[sflag:s23] =	ssyncset.done $0x0  }
0x86: {  	[sflag:s23] =	ssyncadd.s32 $0xFFFFFFB0;
	s9 =	sadd.s32 $0x0, s24  }
0x87: {  	[tilespmem:s3], [sflag:$0x9] =	stream.linear.gather [hbm4b:s9+s4], $0x50, $0x38;
	[tilespmem:$0x1E000] =	vst v63  }
0x88: {  	_ =	swait.ge [sflag:s23], $0x50  }
0x89: {  	[sflag:s23] =	ssyncset.done $0x0  }
0x8a: {  	[sflag:s23] =	ssyncadd.s32 $0xFFFFFFB0  }
0x8b: {  	[tilespmem:s7], [sflag:$0x3] =	stream.indirect.gather [hbm4b:s5+s26], $0x80, s0, s26, $0xb8;
	[tilespmem:$0x1E000] =	vst v63  }
0x8c: {  	_ =	swait.ge [sflag:s19], $0x2800  }
0x8d: {  	s25 =	rddreg [dreg:$0x5];
	[sflag:s19] =	ssyncset.done $0x0  }
0x8e: {  	[sflag:s19] =	ssyncadd.s32 $0xFFFFD800;
	s9 =	sadd.s32 $0x0, s25  }
0x8f: {  	[tilespmem:s8], [sflag:$0x9] =	stream.linear.gather [hbm4b:s9+s4], $0x50, $0x38;
	[tilespmem:$0x1E000] =	vst v63  }
0x90: {  	_ =	swait.ge [sflag:s23], $0x50  }
0x91: {  	s28 =	rddreg [dreg:$0x4];
	[sflag:s23] =	ssyncset.done $0x0  }
0x92: {  	[sflag:s23] =	ssyncadd.s32 $0xFFFFFFB0;
	s9 =	sadd.s32 $0x0, s28  }
0x93: {  	[tilespmem:s10], [sflag:$0x9] =	stream.linear.gather [hbm4b:s9+s4], $0x50, $0x38;
	[tilespmem:$0x1E000] =	vst v63  }
0x94: {  	_ =	swait.ge [sflag:s23], $0x50  }
0x95: {  	[sflag:s23] =	ssyncset.done $0x0  }
0x96: {  	s22 =	sadd.s32 $0x140, s6;
	s9 =	simm.s32 $0x28;
	[sflag:s23] =	ssyncadd.s32 $0xFFFFFFB0  }
.LBB2_2:
0x97: {  	[tilespmem:s11], [sflag:$0x4] =	stream.indirect.gather [hbm4b:s5+s26], $0x80, s8, s26, $0xb8;
	[tilespmem:$0x1E000] =	vst v63  }
0x98: {  	_ =	swait.ge [sflag:s12], $0x2800  }
0x99: {  	[sflag:s12] =	ssyncset.done $0x0  }
0x9a: {  	s28 =	simm.s32 $0x13E00;
	[sflag:s12] =	ssyncadd.s32 $0xFFFFD800  }
0x9b: {  	[spmem:s2] =	stream.indirect.scatter.add.f32 [tilespmem:s29], [sflag:$0x5], $0x80, s28, s26, $0xb8;
	[tilespmem:$0x1E000] =	vst v63  }
0x9c: {  	_ =	swait.ge [sflag:s13], $0x2800  }
0x9d: {  	[sflag:s13] =	ssyncset.done $0x0  }
0x9e: {  	[sflag:s13] =	ssyncadd.s32 $0xFFFFD800  }
0x9f: {  	[spmem:s2] =	stream.indirect.scatter.add.f32 [tilespmem:s31], [sflag:$0x6], $0x80, s30, s26, $0xb8;
	[tilespmem:$0x1E000] =	vst v63  }
0xa0: {  	_ =	swait.ge [sflag:s14], $0x2800  }
0xa1: {  	[sflag:s14] =	ssyncset.done $0x0  }
0xa2: {  	[sflag:s14] =	ssyncadd.s32 $0xFFFFD800  }
0xa3: {  	[spmem:s2] =	stream.indirect.scatter.add.f32 [tilespmem:s7], [sflag:$0x7], $0x80, s3, s26, $0xb8;
	[tilespmem:$0x1E000] =	vst v63  }
0xa4: {  	_ =	swait.ge [sflag:s15], $0x2800  }
0xa5: {  	[sflag:s15] =	ssyncset.done $0x0  }
0xa6: {  	[sflag:s15] =	ssyncadd.s32 $0xFFFFD800  }
0xa7: {  	[spmem:s2] =	stream.indirect.scatter.add.f32 [tilespmem:s11], [sflag:$0x8], $0x80, s10, s26, $0xb8;
	[tilespmem:$0x1E000] =	vst v63  }
0xa8: {  	s6 =	smov.u32 s20;
	_ =	swait.ge [sflag:s16], $0x2800  }
0xa9: {  	s20 =	sshrl.u32 s22, $0x3;
	s24 =	smov.u32 s1;
	[sflag:s16] =	ssyncset.done $0x0  }
0xaa: {  	s25 =	simm.s32 $0x13C00;
	s1 =	sadd.s32 s1, s20;
	[sflag:s16] =	ssyncadd.s32 $0xFFFFD800  }
0xab: {  	[tilespmem:s25], [sflag:$0x9] =	stream.linear.gather [hbm4b:s1+s4], $0x50, $0x38;
	[tilespmem:$0x1E000] =	vst v63  }
0xac: {  	_ =	swait.ge [sflag:s23], $0x50  }
0xad: {  	[sflag:s23] =	ssyncset.done $0x0  }
0xae: {  	s1 =	sadd.s32 s6, s20;
	[sflag:s23] =	ssyncadd.s32 $0xFFFFFFB0  }
0xaf: {  	[tilespmem:s28], [sflag:$0x9] =	stream.linear.gather [hbm4b:s1+s4], $0x50, $0x38;
	[tilespmem:$0x1E000] =	vst v63  }
0xb0: {  	_ =	swait.ge [sflag:s23], $0x50  }
0xb1: {  	[sflag:s23] =	ssyncset.done $0x0  }
0xb2: {  	[sflag:s23] =	ssyncadd.s32 $0xFFFFFFB0  }
0xb3: {  	[tilespmem:s29], [sflag:$0x1] =	stream.indirect.gather [hbm4b:s5+s26], $0x80, s25, s26, $0xb8;
	[tilespmem:$0x1E000] =	vst v63  }
0xb4: {  	s21 =	smov.u32 s9;
	_ =	swait.ge [sflag:s17], $0x2800  }
0xb5: {  	s20 =	smov.u32 s6;
	s6 =	rddreg [dreg:$0x9];
	[sflag:s17] =	ssyncset.done $0x0  }
0xb6: {  	s28 =	simm.s32 $0x13C80;
	[sflag:s17] =	ssyncadd.s32 $0xFFFFD800;
	s1 =	sadd.s32 s21, s6  }
0xb7: {  	[tilespmem:s28], [sflag:$0x9] =	stream.linear.gather [hbm4b:s1+s4], $0x50, $0x38;
	[tilespmem:$0x1E000] =	vst v63  }
0xb8: {  	_ =	swait.ge [sflag:s23], $0x50  }
0xb9: {  	s25 =	rddreg [dreg:$0x8];
	[sflag:s23] =	ssyncset.done $0x0  }
0xba: {  	[sflag:s23] =	ssyncadd.s32 $0xFFFFFFB0;
	s1 =	sadd.s32 s21, s25  }
0xbb: {  	[tilespmem:s30], [sflag:$0x9] =	stream.linear.gather [hbm4b:s1+s4], $0x50, $0x38;
	[tilespmem:$0x1E000] =	vst v63  }
0xbc: {  	_ =	swait.ge [sflag:s23], $0x50  }
0xbd: {  	[sflag:s23] =	ssyncset.done $0x0  }
0xbe: {  	[sflag:s23] =	ssyncadd.s32 $0xFFFFFFB0  }
0xbf: {  	[tilespmem:s31], [sflag:$0x2] =	stream.indirect.gather [hbm4b:s5+s26], $0x80, s28, s26, $0xb8;
	[tilespmem:$0x1E000] =	vst v63  }
0xc0: {  	_ =	swait.ge [sflag:s18], $0x2800  }
0xc1: {  	s6 =	rddreg [dreg:$0x7];
	[sflag:s18] =	ssyncset.done $0x0  }
0xc2: {  	[sflag:s18] =	ssyncadd.s32 $0xFFFFD800;
	s1 =	sadd.s32 s21, s6  }
0xc3: {  	[tilespmem:s0], [sflag:$0x9] =	stream.linear.gather [hbm4b:s1+s4], $0x50, $0x38;
	[tilespmem:$0x1E000] =	vst v63  }
0xc4: {  	_ =	swait.ge [sflag:s23], $0x50  }
0xc5: {  	s25 =	rddreg [dreg:$0x6];
	[sflag:s23] =	ssyncset.done $0x0  }
0xc6: {  	[sflag:s23] =	ssyncadd.s32 $0xFFFFFFB0;
	s1 =	sadd.s32 s21, s25  }
0xc7: {  	[tilespmem:s3], [sflag:$0x9] =	stream.linear.gather [hbm4b:s1+s4], $0x50, $0x38;
	[tilespmem:$0x1E000] =	vst v63  }
0xc8: {  	_ =	swait.ge [sflag:s23], $0x50  }
0xc9: {  	[sflag:s23] =	ssyncset.done $0x0  }
0xca: {  	[sflag:s23] =	ssyncadd.s32 $0xFFFFFFB0  }
0xcb: {  	[tilespmem:s7], [sflag:$0x3] =	stream.indirect.gather [hbm4b:s5+s26], $0x80, s0, s26, $0xb8;
	[tilespmem:$0x1E000] =	vst v63  }
0xcc: {  	_ =	swait.ge [sflag:s19], $0x2800  }
0xcd: {  	s6 =	rddreg [dreg:$0x5];
	[sflag:s19] =	ssyncset.done $0x0  }
0xce: {  	[sflag:s19] =	ssyncadd.s32 $0xFFFFD800;
	s1 =	sadd.s32 s21, s6  }
0xcf: {  	[tilespmem:s8], [sflag:$0x9] =	stream.linear.gather [hbm4b:s1+s4], $0x50, $0x38;
	[tilespmem:$0x1E000] =	vst v63  }
0xd0: {  	_ =	swait.ge [sflag:s23], $0x50  }
0xd1: {  	p0 =	sne.s32 s9, $0x488;
	s25 =	rddreg [dreg:$0x4];
	[sflag:s23] =	ssyncset.done $0x0  }
.Ltmp0:
0xd2: {  	[sflag:s23] =	ssyncadd.s32 $0xFFFFFFB0;
	s1 =	sadd.s32 s21, s25;
	(pc) =	sbr.rel @p0 .LBB2_2-.Ltmp0, $4  }
0xd3: {  	[tilespmem:s10], [sflag:$0x9] =	stream.linear.gather [hbm4b:s1+s4], $0x50, $0x38;
	[tilespmem:$0x1E000] =	vst v63  }
0xd4: {  	_ =	swait.ge [sflag:s23], $0x50  }
0xd5: {  	s9 =	sadd.s32 $0x28, s9;
	[sflag:s23] =	ssyncset.done $0x0  }
0xd6: {  	s22 =	sadd.s32 $0x140, s22;
	s1 =	smov.u32 s24;
	[sflag:s23] =	ssyncadd.s32 $0xFFFFFFB0  }
0xd7: {  	[tilespmem:s11], [sflag:$0x4] =	stream.indirect.gather [hbm4b:s5+s26], $0x80, s8, s26, $0xb8;
	[tilespmem:$0x1E000] =	vst v63  }
0xd8: {  	_ =	swait.ge [sflag:s12], $0x2800  }
0xd9: {  	[sflag:s12] =	ssyncset.done $0x0  }
0xda: {  	s21 =	simm.s32 $0x13E00;
	s22 =	simm.s32 $0x14000;
	[sflag:s12] =	ssyncadd.s32 $0xFFFFD800  }
0xdb: {  	[spmem:s2] =	stream.indirect.scatter.add.f32 [tilespmem:s22], [sflag:$0x5], $0x80, s21, s26, $0xb8;
	[tilespmem:$0x1E000] =	vst v63  }
0xdc: {  	_ =	swait.ge [sflag:s13], $0x2800  }
0xdd: {  	[sflag:s13] =	ssyncset.done $0x0  }
0xde: {  	[sflag:s13] =	ssyncadd.s32 $0xFFFFD800  }
0xdf: {  	[spmem:s2] =	stream.indirect.scatter.add.f32 [tilespmem:s31], [sflag:$0x6], $0x80, s30, s26, $0xb8;
	[tilespmem:$0x1E000] =	vst v63  }
0xe0: {  	_ =	swait.ge [sflag:s14], $0x2800  }
0xe1: {  	[sflag:s14] =	ssyncset.done $0x0  }
0xe2: {  	[sflag:s14] =	ssyncadd.s32 $0xFFFFD800  }
0xe3: {  	[spmem:s2] =	stream.indirect.scatter.add.f32 [tilespmem:s7], [sflag:$0x7], $0x80, s3, s26, $0xb8;
	[tilespmem:$0x1E000] =	vst v63  }
0xe4: {  	_ =	swait.ge [sflag:s15], $0x2800  }
0xe5: {  	[sflag:s15] =	ssyncset.done $0x0  }
0xe6: {  	[sflag:s15] =	ssyncadd.s32 $0xFFFFD800  }
0xe7: {  	[spmem:s2] =	stream.indirect.scatter.add.f32 [tilespmem:s11], [sflag:$0x8], $0x80, s10, s26, $0xb8;
	[tilespmem:$0x1E000] =	vst v63  }
0xe8: {  	_ =	swait.ge [sflag:s16], $0x2800  }
0xe9: {  	[sflag:s16] =	ssyncset.done $0x0  }
0xea: {  	s9 =	simm.s32 $0x13C00;
	s6 =	rddreg [dreg:$0x15];
	[sflag:s16] =	ssyncadd.s32 $0xFFFFD800  }
0xeb: {  	[tilespmem:s9], [sflag:$0x9] =	stream.linear.gather [hbm4b:s6+s4], $0x50, $0x38;
	[tilespmem:$0x1E000] =	vst v63  }
0xec: {  	_ =	swait.ge [sflag:s23], $0x50  }
0xed: {  	[sflag:s23] =	ssyncset.done $0x0  }
0xee: {  	s25 =	rddreg [dreg:$0x16];
	[sflag:s23] =	ssyncadd.s32 $0xFFFFFFB0  }
0xef: {  	[tilespmem:s21], [sflag:$0x9] =	stream.linear.gather [hbm4b:s25+s4], $0x50, $0x38;
	[tilespmem:$0x1E000] =	vst v63  }
0xf0: {  	_ =	swait.ge [sflag:s23], $0x50  }
0xf1: {  	[sflag:s23] =	ssyncset.done $0x0  }
0xf2: {  	[sflag:s23] =	ssyncadd.s32 $0xFFFFFFB0  }
0xf3: {  	[tilespmem:s22], [sflag:$0x1] =	stream.indirect.gather [hbm4b:s5+s26], $0x80, s9, s26, $0xb8;
	[tilespmem:$0x1E000] =	vst v63  }
0xf4: {  	_ =	swait.ge [sflag:s12], $0x2800  }
0xf5: {  	[sflag:s12] =	ssyncset.done $0x0  }
0xf6: {  	[sflag:s12] =	ssyncadd.s32 $0xFFFFD800  }
0xf7: {  	[spmem:s2] =	stream.indirect.scatter.add.f32 [tilespmem:s22], [sflag:$0x5], $0x80, s21, s26, $0xb8;
	[tilespmem:$0x1E000] =	vst v63  }
0xf8: {  	_ =	swait.ge [sflag:s16], $0x2800  }
0xf9: {  	[sflag:s16] =	ssyncset.done $0x0  }
0xfa: {  	[sflag:s16] =	ssyncadd.s32 $0xFFFFD800  }
0xfb: {  	_ =	swait.ge [sflag:s17], $0x2800  }
0xfc: {  	[sflag:s17] =	ssyncset.done $0x0  }
0xfd: {  	[sflag:s17] =	ssyncadd.s32 $0xFFFFD800  }
0xfe: {  	_ =	swait.ge [sflag:s18], $0x2800  }
0xff: {  	[sflag:s18] =	ssyncset.done $0x0  }
0x100: {  	[sflag:s18] =	ssyncadd.s32 $0xFFFFD800  }
0x101: {  	_ =	swait.ge [sflag:s19], $0x2800  }
0x102: {  	[sflag:s19] =	ssyncset.done $0x0  }
0x103: {  	[sflag:s19] =	ssyncadd.s32 $0xFFFFD800  }
0x104: {  	[bflag:$0x0] =	sbarrier.arrive $0xFFFF  }
0x105: {  	s21 =	rddreg [dreg:$0xc]  }
0x106: {  	s9 =	rddreg [dreg:$0x17]  }
0x107: {  	s22 =	rddreg [dreg:$0x1b]  }
0x108: {  	[hbm:s9], [sflag:s21] =	dma.local [spmem:s22], $0x2780  }
0x109: {  	_ =	swait.ge [sflag:s23], $0x2780  }
0x10a: {  	s24 =	rddreg [dreg:$0x1a]  }
0x10b: {  	s25 =	rddreg [dreg:$0x18];
	s9 =	sadd.s32 $0x1, s24  }
0x10c: {  	p0 =	sne.s32 s9, s25  }
.Ltmp1:
0x10d: {  	_ = 	snop;
	(pc) =	sbr.rel @p0 .LBB2_1-.Ltmp1, $3  }
0x10e: {  	_ =	sdelay $0x1  }
0x10f: {  	[sflag:s23] =	ssyncset.done $0x0  }
0x110: {  	[sflag:s23] =	ssyncadd.s32 $0xFFFFD880  }
0x111: {  	_ =	sfence.sel $0x180000  }
0x112: {  	[bflag:$0x0] =	sbarrier.arrive $0xFFFF  }
0x113: {  	_ =	strace $0x9000004A  }
0x114: {  	s0 =	stileid.u32;
	[bflag:$0x2] =	sbarrier.arrive $0xFFFF  }
0x115: {  	p0 =	sne.s32 s0, $0x0;
	s0 =	rddreg [dreg:$0x3]  }
0x116: {  	s0 =	sadd.s32 @!p0 $0x100000, s0  }
0x117: {  	[sflag:s0] =	ssyncadd.tile.s32 @!p0 $0x1;
	_ =	shalt  }
.Lfunc_end2:
_tile_overlayer_lowered:
.L_overlay_start_2:
0x118: {  	(tag) =	ssettag $0x2  }
0x119: {  	s0 =	rddreg [dreg:$0x0];
	s2 =	stileid.u32  }
0x11a: {  	s1 =	rddreg [dreg:$0x1];
	p0 =	sne.s32 s2, $0x0  }
0x11b: {  	s3 =	rddreg [dreg:$0x2];
	[bflag:$0x3] =	sbarrier.arrive $0xFFFF;
	s2 =	simm.s32 @!p0 $0x1C09  }
0x11c: {  	[timem:s3], [sflag:s2] =	dma.local @!p0 [hbm:s0], s1  }
0x11d: {  	s0 =	simm.s32 @!p0 $0x9  }
0x11e: {  	_ =	swait.ge @!p0 [sflag:s0], s1  }
0x11f: {  	s1 =	ssub.s32 @!p0 $0x0, s1;
	[sflag:s0] =	ssyncset.done @!p0 $0x0  }
0x120: {  	[sflag:s0] =	ssyncadd.s32 @!p0 s1  }
0x121: {  	[bflag:$0x3] =	sbarrier.arrive $0xFFFF  }
0x122: {  	_ =	shalt  }

// kernel: kernel.16.cloned.1.call-start
scs
__scs_entry_jumppad:
0x0: {  	(pc) =	sbr.rel $0x88, $3  }
0x1: {  	(tag) =	ssettag $0x0;
	lr =	simm.s32 $0x1  }
0x2: {  	[smem:$0x3F89] =	sst lr;
	_ =	strace $0xD0000000  }
0x3: {  	_ = 	snop  }
0x4: {  	_ = 	snop  }
0x5: {  	_ = 	snop  }
0x6: {  	_ = 	snop  }
0x7: {  	_ = 	snop  }
__scs_overlays_trampoline_lowered:
0x8: {  	[smem:$0x3F98] =	sst s0  }
0x9: {  	[smem:$0x3F99] =	sst s1  }
0xa: {  	[smem:$0x3F9A] =	sst s2  }
0xb: {  	[smem:$0x3F9B] =	sst s3  }
0xc: {  	[smem:$0x3F9C] =	sst s4  }
0xd: {  	[smem:$0x3F9D] =	sst s5  }
0xe: {  	[smem:$0x3F9E] =	sst s6  }
0xf: {  	[smem:$0x3F9F] =	sst s7  }
0x10: {  	[smem:$0x3FA0] =	sst s8  }
0x11: {  	[smem:$0x3FA1] =	sst s9;
	s0 =	simm.s32 @!p0 $0x0  }
0x12: {  	s1 =	sld [smem:$0x3F87];
	s0 =	simm.s32 @p0 $0x1  }
0x13: {  	[smem:$0x3FA2] =	sst s0;
	s0 =	simm.s32 @!p1 $0x0  }
0x14: {  	s2 =	sld [smem:$0x3F86];
	s0 =	simm.s32 @p1 $0x1  }
0x15: {  	[smem:$0x3FA3] =	sst s0;
	s0 =	simm.s32 @!p2 $0x0  }
0x16: {  	s3 =	sld [smem:$0x3FDB];
	s0 =	simm.s32 @p2 $0x1  }
0x17: {  	s4 =	simm.s32 $0x1BF5;
	[smem:$0x3FA5] =	sst s0  }
0x18: {  	s0 =	sld [smem:$0x3F88];
	_ =	swait.ge [sflag:s4], $0x0  }
0x19: {  	s7 =	sld [smem:$0x3F89]  }
0x1a: {  	s8 =	sadd.s32 $0xFFFFE003, lr  }
0x1b: {  	s9 =	sadd.s32 $0xFFFFFEF7, lr;
	s5 =	simm.s32 $0xFFFFFFFF;
	p2 =	slt.u32 s8, $0xFFFFF086  }
0x1c: {  	p1 =	slt.u32 s9, $0xF7A;
	s5 =	simm.s32 @!p2 $0x0  }
0x1d: {  	s5 =	simm.s32 @p1 $0x1;
	p0 =	seq.s32 s7, s2  }
0x1e: {  	s7 =	smul.u32 @!p0 $0xF7A, s2;
	p2 =	seq.s32 @!p0 s5, $0x0  }
0x1f: {  	s9 =	smul.u32 $0xF7A, s1;
	s8 =	simm.s32 @!p0 $0x1BF5;
	p2 =	por !p2, p0  }
0x20: {  	[sflag:s8] =	ssyncset.s32 @!p0 $0xFFFFF086;
	s6 =	sadd.s32 @!p0 s3, s7;
	s7 =	simm.s32 @!p0 $0x108  }
0x21: {  	s3 =	sadd.s32 s3, s9;
	s6 =	sadd.s32 @!p0 $0x88, s6;
	s7 =	simm.s32 @p2 $0x1082  }
0x22: {  	[simem:s7], [sflag:s8] =	dma.local @!p0 [hbm:s6], $0xF7A  }
0x23: {  	s9 =	sor.u32 $0xD0000000, s2;
	s6 =	simm.s32 $0x108;
	_ =	swait.ge @!p0 [sflag:s8], $0x0  }
0x24: {  	s3 =	sadd.s32 $0x88, s3;
	s6 =	simm.s32 @!p1 $0x1082;
	[sflag:s4] =	ssyncset.s32 $0xFFFFF086  }
0x25: {  	[simem:s6], [sflag:s4] =	dma.local [hbm:s3], $0xF7A  }
0x26: {  	[smem:$0x3F89] =	sst s1;
	(tag) =	ssettag s2;
	_ =	strace s9  }
0x27: {  	s1 =	sld [smem:$0x3F99]  }
0x28: {  	s2 =	sld [smem:$0x3F9A]  }
0x29: {  	s4 =	sld [smem:$0x3F9C]  }
0x2a: {  	p0 =	seq.s32 s5, $0x0;
	s5 =	sld [smem:$0x3F9D]  }
0x2b: {  	s6 =	sld [smem:$0x3F9E]  }
0x2c: {  	s7 =	sld [smem:$0x3F9F]  }
0x2d: {  	s3 =	simm.s32 $0x108;
	s8 =	sld [smem:$0x3FA0]  }
0x2e: {  	s3 =	simm.s32 @!p0 $0x1082;
	s9 =	sld [smem:$0x3FA1]  }
0x2f: {  	lr =	sadd.s32 s0, s3;
	s0 =	sld [smem:$0x3F98]  }
0x30: {  	s3 =	sld [smem:$0x3F9B]  }
0x31: {  	[smem:$0x3FA4] =	sst s10  }
0x32: {  	s10 =	sld [smem:$0x3FA2];
	_ =	sdelay $0x3  }
0x33: {  	p0 =	seq.s32 s10, $0x1;
	s10 =	sld [smem:$0x3FA4];
	_ =	sdelay $0x3  }
0x34: {  	[smem:$0x3FA4] =	sst s10  }
0x35: {  	s10 =	sld [smem:$0x3FA3];
	_ =	sdelay $0x3  }
0x36: {  	p1 =	seq.s32 s10, $0x1;
	s10 =	sld [smem:$0x3FA4];
	_ =	sdelay $0x3  }
0x37: {  	[smem:$0x3FA4] =	sst s10  }
0x38: {  	s10 =	sld [smem:$0x3FA5]  }
0x39: {  	_ = 	snop;
	(pc) =	sbr.ind lr, $3  }
0x3a: {  	_ = 	snop  }
0x3b: {  	_ = 	snop  }
0x3c: {  	p2 =	seq.s32 s10, $0x1;
	s10 =	sld [smem:$0x3FA4]  }
0x3d: {  	_ =	shalt  }
0x3e: {  	_ =	shalt  }
0x3f: {  	_ =	shalt  }
0x40: {  	_ =	shalt  }
0x41: {  	_ =	shalt  }
0x42: {  	_ =	shalt  }
0x43: {  	_ =	shalt  }
0x44: {  	_ =	shalt  }
0x45: {  	_ =	shalt  }
0x46: {  	_ =	shalt  }
0x47: {  	_ =	shalt  }
0x48: {  	_ =	shalt  }
0x49: {  	_ =	shalt  }
0x4a: {  	_ =	shalt  }
0x4b: {  	_ =	shalt  }
0x4c: {  	_ =	shalt  }
0x4d: {  	_ =	shalt  }
0x4e: {  	_ =	shalt  }
0x4f: {  	_ =	shalt  }
0x50: {  	_ =	shalt  }
0x51: {  	_ =	shalt  }
0x52: {  	_ =	shalt  }
0x53: {  	_ =	shalt  }
0x54: {  	_ =	shalt  }
0x55: {  	_ =	shalt  }
0x56: {  	_ =	shalt  }
0x57: {  	_ =	shalt  }
0x58: {  	_ =	shalt  }
0x59: {  	_ =	shalt  }
0x5a: {  	_ =	shalt  }
0x5b: {  	_ =	shalt  }
0x5c: {  	_ =	shalt  }
0x5d: {  	_ =	shalt  }
0x5e: {  	_ =	shalt  }
0x5f: {  	_ =	shalt  }
0x60: {  	_ =	shalt  }
0x61: {  	_ =	shalt  }
0x62: {  	_ =	shalt  }
0x63: {  	_ =	shalt  }
0x64: {  	_ =	shalt  }
0x65: {  	_ =	shalt  }
0x66: {  	_ =	shalt  }
0x67: {  	_ =	shalt  }
0x68: {  	_ =	shalt  }
0x69: {  	_ =	shalt  }
0x6a: {  	_ =	shalt  }
0x6b: {  	_ =	shalt  }
0x6c: {  	_ =	shalt  }
0x6d: {  	_ =	shalt  }
0x6e: {  	_ =	shalt  }
0x6f: {  	_ =	shalt  }
0x70: {  	_ =	shalt  }
0x71: {  	_ =	shalt  }
0x72: {  	_ =	shalt  }
0x73: {  	_ =	shalt  }
0x74: {  	_ =	shalt  }
0x75: {  	_ =	shalt  }
0x76: {  	_ =	shalt  }
0x77: {  	_ =	shalt  }
0x78: {  	_ =	shalt  }
0x79: {  	_ =	shalt  }
0x7a: {  	_ =	shalt  }
0x7b: {  	_ =	shalt  }
0x7c: {  	_ =	shalt  }
0x7d: {  	_ =	shalt  }
0x7e: {  	_ =	shalt  }
0x7f: {  	_ =	shalt  }
0x80: {  	_ =	shalt  }
0x81: {  	_ =	shalt  }
0x82: {  	_ =	shalt  }
0x83: {  	_ =	shalt  }
0x84: {  	_ =	shalt  }
0x85: {  	_ =	shalt  }
0x86: {  	_ =	shalt  }
0x87: {  	_ =	shalt  }
.Lfunc_end0:
.L_simem_size_0:
called_computation.2_lowered:
.L_overlay_start_0:
0x88: {  	s2 =	sld [smem:$0x3FD9]  }
0x89: {  	s3 =	sld [smem:$0x3FFE];
	_ =	sdelay $0x1  }
0x8a: {  	s1 =	srdreg.scid  }
0x8b: {  	s0 =	sand.u32 $0x1, s1  }
0x8c: {  	s17 =	sshll.u32 s0, $0xA;
	s2 =	sadd.s32 s3, s2  }
0x8d: {  	s2 =	sadd.s32 s2, s17  }
0x8e: {  	[smem:$0x3FB0] =	sst s2  }
0x8f: {  	_ = 	snop  }
0x90: {  	s2 =	sld [smem:$0x3FD0];
	(tm) =	ssettm $0x1  }
0x91: {  	s18 =	sld [smem:$0x3FFB];
	_ =	sdelay $0x3  }
0x92: {  	_ =	strace s18  }
0x93: {  	s3 =	sld [smem:$0x3FFC];
	_ =	sdelay $0x3  }
0x94: {  	_ =	strace s3  }
0x95: {  	s3 =	sld [smem:$0x3FFD];
	_ =	sdelay $0x3  }
0x96: {  	_ =	strace s3  }
0x97: {  	_ =	strace $0x8FFFFFFF  }
0x98: {  	s19 =	sld [smem:$0x3FDB];
	_ =	sdelay $0x1  }
0x99: {  	s4 =	simm.s32 $_scs_section_size  }
0x9a: {  	s5 =	simm.s32 $_size__tile_overlayer_lowered;
	s6 =	simm.s32 $_tile_overlayer_lowered  }
0x9b: {  	s22 =	simm.s32 $0x1BFF;
	s21 =	sshll.u32 s6, $0x1;
	s3 =	sadd.s32 s4, s19  }
0x9c: {  	s7 =	simm.s32 $0x0;
	s20 =	sshll.u32 s5, $0x1;
	s5 =	sadd.s32 s21, s3  }
0x9d: {  	[timem:s7], [sflag:s22] =	dma.local [hbm:s5], s20  }
0x9e: {  	_ =	swait.ge [sflag:s22], s20  }
0x9f: {  	s4 =	ssub.s32 $0x0, s20;
	[sflag:s22] =	ssyncset.done $0x0  }
0xa0: {  	[sflag:s22] =	ssyncadd.s32 s4;
	_ =	sdelay $0x1  }
0xa1: {  	s23 =	simm.s32 $0x1B8B  }
0xa2: {  	_ =	swait.ge [sflag:s23], $0x1  }
0xa3: {  	[sflag:s23] =	ssyncset.done $0x0  }
0xa4: {  	s25 =	simm.s32 $0x1B8E;
	s24 =	sld [smem:$0x3FFE];
	[sflag:s23] =	ssyncadd.s32 $0xFFFFFFFF  }
0xa5: {  	s26 =	simm.s32 $execute0_lowered;
	[smem:$0x3FD2] =	sst s25  }
0xa6: {  	s5 =	sshll.u32 s26, $0x1;
	_ =	strace $0x8000004C;
	[dreg:$0x1] =	wrdreg $0xFFFFFFFF  }
0xa7: {  	s28 =	simm.s32 $_size_execute0_lowered;
	s3 =	sadd.s32 s3, s5;
	[dreg:$0x0] =	wrdreg $0x0  }
0xa8: {  	s5 =	sshll.u32 s28, $0x1;
	[dreg:$0x2] =	wrdreg s3  }
0xa9: {  	[dreg:$0x3] =	wrdreg s5  }
0xaa: {  	[dreg:$0x4] =	wrdreg $0xC0  }
0xab: {  	_ =	task [dreg:s7], $0x5FFFF  }
0xac: {  	[dreg:$0x1] =	wrdreg $0xFFFFFFFF  }
0xad: {  	[dreg:$0x0] =	wrdreg $0x60  }
0xae: {  	[dreg:$0x2] =	wrdreg s24  }
0xaf: {  	[dreg:$0x3] =	wrdreg s2  }
0xb0: {  	[dreg:$0x4] =	wrdreg $0x0  }
0xb1: {  	[dreg:$0x5] =	wrdreg $0x9  }
0xb2: {  	_ =	task.clear_ibuf [dreg:s7], $0x6FFFF;
	_ =	strace $0x9000004C  }
0xb3: {  	s29 =	simm.s32 $0x9;
	_ =	strace $0x8000004E  }
0xb4: {  	_ =	swait.ge [sflag:s29], $0x1  }
0xb5: {  	[sflag:s29] =	ssyncadd.s32 $0xFFFFFFFF  }
0xb6: {  	_ =	strace $0x9000004E  }
0xb7: {  	_ =	sfence  }
0xb8: {  	s30 =	sld [smem:$0x0];
	_ =	sdelay $0x2  }
0xb9: {  	s31 =	sshll.u32 s1, $0xD;
	s1 =	sshrl.u32 s1, $0x2  }
0xba: {  	s3 =	sand.u32 $0x4000, s31;
	s1 =	sadd.s32 s1, s30  }
0xbb: {  	s0 =	sor.u32 s3, s0;
	s1 =	sshll.u32 s1, $0x11  }
0xbc: {  	s0 =	sor.u32 s1, s0  }
0xbd: {  	s0 =	sadd.s32 $0x8F2B, s0  }
0xbe: {  	[sflag:s0] =	ssyncadd.remote.s32 $0x1  }
0xbf: {  	_ =	sfence.sel $0xFFFF  }
0xc0: {  	[dreg:$0x0] =	wrdreg $0xFFFFFFFF;
	(pc) =	sbr.abs _section_cstart, $3  }
0xc1: {  	[dreg:$0x1] =	wrdreg $0xFFFFFFFF  }
0xc2: {  	_ =	task.clear_ibuf [dreg:s7], $0x2FFFF;
	_ =	strace $0x9FFFFFFF  }
0xc3: {  	(tm) =	ssettm $0x7FFFFFFF  }
tec
execute0_lowered:
.L_overlay_start_1:
0x0: {  	(tag) =	ssettag $0x1  }
0x1: {  	s0 =	rddreg [dreg:$0x0]  }
0x2: {  	s20 =	rddreg [dreg:$0x1]  }
0x3: {  	s2 =	rddreg [dreg:$0x2]  }
0x4: {  	s3 =	srdreg.scid;
	s4 =	simm.s32 $0x0;
	s1 =	stileid.u32  }
0x5: {  	s28 =	simm.s32 $0x13C80;
	s30 =	simm.s32 $0x13E80;
	s31 =	simm.s32 $0x16800  }
0x6: {  	s29 =	simm.s32 $0x14000;
	s3 =	sand.u32 $0x1, s3;
	s8 =	smul.u32 $0x13C00, s1  }
0x7: {  	[smem:$0x7FF] =	sst s4;
	s5 =	sadd.s32 $0x11000, s0;
	s12 =	smul.u32 $0x4F000, s1  }
0x8: {  	s6 =	sadd.s32 $0x4400, s0;
	s9 =	sadd.s32 $0xE800, s0;
	s15 =	smul.u32 $0x4E20, s1  }
0x9: {  	s11 =	sshll.u32 s1, $0x1;
	s14 =	sshll.u32 s1, $0x6;
	s7 =	smul.u32 $0x13C000, s3  }
0xa: {  	_ =	strace $0x8000004D;
	[dreg:$0xa] =	wrdreg s9;
	s13 =	ssub.s32 $0x2, s3  }
0xb: {  	s21 =	sor.u32 $0x1C09, s14;
	s1 =	smov.u32 s6;
	s10 =	sshrl.u32 s13, $0x1  }
0xc: {  	s9 =	sshrl.u32 s12, $0x2;
	[dreg:$0xc] =	wrdreg s21;
	s7 =	sadd.s32 s8, s7  }
0xd: {  	s8 =	sor.u32 s3, s11;
	s9 =	sadd.s32 s9, s2;
	s3 =	smul.u32 $0x2710, s3  }
0xe: {  	s7 =	sshrl.u32 s7, $0x3;
	s8 =	smul.u32 $0x2710, s8;
	[dreg:$0xb] =	wrdreg s9  }
0xf: {  	s0 =	sadd.s32 s7, s0;
	s7 =	ssub.s32 s13, s10;
	s3 =	sadd.s32 s3, s15  }
0x10: {  	s8 =	sshrl.u32 s8, $0x3;
	s25 =	sadd.s32 $0x230, s3;
	s0 =	sadd.s32 $0x38200, s0  }
0x11: {  	s13 =	sadd.s32 $0x1E0, s3;
	s6 =	sadd.s32 s6, s8;
	[dreg:$0x17] =	wrdreg s0  }
0x12: {  	s16 =	sadd.s32 $0xA, s8;
	s17 =	sadd.s32 s20, s8;
	[dreg:$0xd] =	wrdreg s6  }
0x13: {  	s12 =	sshrl.u32 s25, $0x3;
	s25 =	smax.u32 s7, $0x1;
	[dreg:$0xe] =	wrdreg s17  }
0x14: {  	s11 =	sadd.s32 $0x14, s8;
	s18 =	sadd.s32 s1, s16;
	[dreg:$0x18] =	wrdreg s25  }
0x15: {  	s24 =	sadd.s32 $0x1E, s8;
	s19 =	sadd.s32 s20, s16;
	[dreg:$0xf] =	wrdreg s18  }
0x16: {  	s8 =	sadd.s32 $0x4D8, s8;
	s22 =	sadd.s32 s1, s11;
	[dreg:$0x10] =	wrdreg s19  }
0x17: {  	s14 =	sshrl.u32 s13, $0x3;
	s23 =	sadd.s32 s20, s11;
	[dreg:$0x11] =	wrdreg s22  }
0x18: {  	s0 =	simm.s32 $0x13D00;
	s26 =	sadd.s32 s1, s24;
	[dreg:$0x12] =	wrdreg s23  }
0x19: {  	s7 =	simm.s32 $0x19000;
	s11 =	sadd.s32 s20, s24;
	[dreg:$0x13] =	wrdreg s26  }
0x1a: {  	s13 =	simm.s32 $0x2;
	s10 =	sadd.s32 s12, s20;
	[dreg:$0x14] =	wrdreg s11  }
0x1b: {  	s9 =	sadd.s32 s12, s1;
	s15 =	sadd.s32 s14, s20;
	[dreg:$0x4] =	wrdreg s10  }
0x1c: {  	s16 =	sadd.s32 $0x190, s3;
	s17 =	sadd.s32 s14, s1;
	[dreg:$0x5] =	wrdreg s9  }
0x1d: {  	s12 =	simm.s32 $0x1;
	s14 =	simm.s32 $0x3;
	[dreg:$0x6] =	wrdreg s15  }
0x1e: {  	s18 =	sshrl.u32 s16, $0x3;
	s19 =	sadd.s32 s1, s8;
	[dreg:$0x7] =	wrdreg s17  }
0x1f: {  	s23 =	sadd.s32 s20, s8;
	s26 =	sadd.s32 $0x140, s3;
	s3 =	simm.s32 $0x13F00  }
0x20: {  	s8 =	simm.s32 $0x13D80;
	s10 =	simm.s32 $0x13F80;
	s11 =	simm.s32 $0x1B800  }
0x21: {  	s15 =	simm.s32 $0x4;
	s16 =	simm.s32 $0x5;
	[dreg:$0x15] =	wrdreg s19  }
0x22: {  	s17 =	simm.s32 $0x6;
	s9 =	simm.s32 $0x0;
	[dreg:$0x16] =	wrdreg s23  }
0x23: {  	s22 =	sadd.s32 s18, s20;
	s24 =	sadd.s32 s18, s1;
	[dreg:$0x19] =	wrdreg s26  }
0x24: {  	s23 =	simm.s32 $0x9;
	s26 =	simm.s32 $0x50;
	[dreg:$0x8] =	wrdreg s22  }
0x25: {  	s18 =	simm.s32 $0x7;
	s19 =	simm.s32 $0x8;
	[dreg:$0x9] =	wrdreg s24  }
.LBB2_1:
0x26: {  	[dreg:$0x1a] =	wrdreg s9  }
0x27: {  	s6 =	rddreg [dreg:$0xb]  }
0x28: {  	s22 =	rddreg [dreg:$0xa];
	s6 =	sshrl.u32 s6, $0x3  }
0x29: {  	[dreg:$0x1b] =	wrdreg s6  }
0x2a: {  	[spmem:s6], [sflag:s21] =	dma.local [hbm:s22], $0x2780  }
0x2b: {  	_ =	swait.ge [sflag:s23], $0x2780  }
0x2c: {  	[sflag:s23] =	ssyncset.done $0x0  }
0x2d: {  	[sflag:s23] =	ssyncadd.s32 $0xFFFFD880  }
0x2e: {  	[bflag:$0x0] =	sbarrier.arrive $0xFFFF  }
0x2f: {  	s22 =	simm.s32 $0x13C00;
	s24 =	rddreg [dreg:$0xd]  }
0x30: {  	[tilespmem:s22], [sflag:$0x9] =	stream.linear.gather [hbm4b:s24+s4], $0x50, $0x38;
	[tilespmem:$0x1E000] =	vst v63  }
0x31: {  	_ =	swait.ge [sflag:s23], $0x50  }
0x32: {  	[sflag:s23] =	ssyncset.done $0x0  }
0x33: {  	s24 =	simm.s32 $0x13E00;
	s25 =	rddreg [dreg:$0xe];
	[sflag:s23] =	ssyncadd.s32 $0xFFFFFFB0  }
0x34: {  	[tilespmem:s24], [sflag:$0x9] =	stream.linear.gather [hbm4b:s25+s4], $0x50, $0x38;
	[tilespmem:$0x1E000] =	vst v63  }
0x35: {  	_ =	swait.ge [sflag:s23], $0x50  }
0x36: {  	[sflag:s23] =	ssyncset.done $0x0  }
0x37: {  	s25 =	simm.s32 $0x14000;
	[sflag:s23] =	ssyncadd.s32 $0xFFFFFFB0  }
0x38: {  	[tilespmem:s25], [sflag:$0x1] =	stream.indirect.gather [hbm4b:s5+s26], $0x80, s22, s26, $0xb8;
	[tilespmem:$0x1E000] =	vst v63  }
0x39: {  	s9 =	rddreg [dreg:$0xf]  }
0x3a: {  	[tilespmem:s28], [sflag:$0x9] =	stream.linear.gather [hbm4b:s9+s4], $0x50, $0x38;
	[tilespmem:$0x1E000] =	vst v63  }
0x3b: {  	_ =	swait.ge [sflag:s23], $0x50  }
0x3c: {  	[sflag:s23] =	ssyncset.done $0x0  }
0x3d: {  	s21 =	rddreg [dreg:$0x10];
	[sflag:s23] =	ssyncadd.s32 $0xFFFFFFB0  }
0x3e: {  	[tilespmem:s30], [sflag:$0x9] =	stream.linear.gather [hbm4b:s21+s4], $0x50, $0x38;
	[tilespmem:$0x1E000] =	vst v63  }
0x3f: {  	_ =	swait.ge [sflag:s23], $0x50  }
0x40: {  	[sflag:s23] =	ssyncset.done $0x0  }
0x41: {  	[sflag:s23] =	ssyncadd.s32 $0xFFFFFFB0  }
0x42: {  	[tilespmem:s31], [sflag:$0x2] =	stream.indirect.gather [hbm4b:s5+s26], $0x80, s28, s26, $0xb8;
	[tilespmem:$0x1E000] =	vst v63  }
0x43: {  	s9 =	rddreg [dreg:$0x11]  }
0x44: {  	[tilespmem:s0], [sflag:$0x9] =	stream.linear.gather [hbm4b:s9+s4], $0x50, $0x38;
	[tilespmem:$0x1E000] =	vst v63  }
0x45: {  	_ =	swait.ge [sflag:s23], $0x50  }
0x46: {  	[sflag:s23] =	ssyncset.done $0x0  }
0x47: {  	s21 =	rddreg [dreg:$0x12];
	[sflag:s23] =	ssyncadd.s32 $0xFFFFFFB0  }
0x48: {  	[tilespmem:s3], [sflag:$0x9] =	stream.linear.gather [hbm4b:s21+s4], $0x50, $0x38;
	[tilespmem:$0x1E000] =	vst v63  }
0x49: {  	_ =	swait.ge [sflag:s23], $0x50  }
0x4a: {  	[sflag:s23] =	ssyncset.done $0x0  }
0x4b: {  	[sflag:s23] =	ssyncadd.s32 $0xFFFFFFB0  }
0x4c: {  	[tilespmem:s7], [sflag:$0x3] =	stream.indirect.gather [hbm4b:s5+s26], $0x80, s0, s26, $0xb8;
	[tilespmem:$0x1E000] =	vst v63  }
0x4d: {  	s9 =	rddreg [dreg:$0x13]  }
0x4e: {  	[tilespmem:s8], [sflag:$0x9] =	stream.linear.gather [hbm4b:s9+s4], $0x50, $0x38;
	[tilespmem:$0x1E000] =	vst v63  }
0x4f: {  	_ =	swait.ge [sflag:s23], $0x50  }
0x50: {  	[sflag:s23] =	ssyncset.done $0x0  }
0x51: {  	s21 =	rddreg [dreg:$0x14];
	[sflag:s23] =	ssyncadd.s32 $0xFFFFFFB0  }
0x52: {  	[tilespmem:s10], [sflag:$0x9] =	stream.linear.gather [hbm4b:s21+s4], $0x50, $0x38;
	[tilespmem:$0x1E000] =	vst v63  }
0x53: {  	_ =	swait.ge [sflag:s23], $0x50  }
0x54: {  	[sflag:s23] =	ssyncset.done $0x0  }
0x55: {  	[sflag:s23] =	ssyncadd.s32 $0xFFFFFFB0  }
0x56: {  	[tilespmem:s11], [sflag:$0x4] =	stream.indirect.gather [hbm4b:s5+s26], $0x80, s8, s26, $0xb8;
	[tilespmem:$0x1E000] =	vst v63  }
0x57: {  	_ =	swait.ge [sflag:s12], $0x2800  }
0x58: {  	[sflag:s12] =	ssyncset.done $0x0  }
0x59: {  	[sflag:s12] =	ssyncadd.s32 $0xFFFFD800  }
0x5a: {  	[spmem:s2] =	stream.indirect.scatter.add.f32 [tilespmem:s25], [sflag:$0x5], $0x80, s24, s26, $0xb8;
	[tilespmem:$0x1E000] =	vst v63  }
0x5b: {  	_ =	swait.ge [sflag:s13], $0x2800  }
0x5c: {  	[sflag:s13] =	ssyncset.done $0x0  }
0x5d: {  	[sflag:s13] =	ssyncadd.s32 $0xFFFFD800  }
0x5e: {  	[spmem:s2] =	stream.indirect.scatter.add.f32 [tilespmem:s31], [sflag:$0x6], $0x80, s30, s26, $0xb8;
	[tilespmem:$0x1E000] =	vst v63  }
0x5f: {  	_ =	swait.ge [sflag:s14], $0x2800  }
0x60: {  	[sflag:s14] =	ssyncset.done $0x0  }
0x61: {  	[sflag:s14] =	ssyncadd.s32 $0xFFFFD800  }
0x62: {  	[spmem:s2] =	stream.indirect.scatter.add.f32 [tilespmem:s7], [sflag:$0x7], $0x80, s3, s26, $0xb8;
	[tilespmem:$0x1E000] =	vst v63  }
0x63: {  	_ =	swait.ge [sflag:s15], $0x2800  }
0x64: {  	[sflag:s15] =	ssyncset.done $0x0  }
0x65: {  	[sflag:s15] =	ssyncadd.s32 $0xFFFFD800  }
0x66: {  	[spmem:s2] =	stream.indirect.scatter.add.f32 [tilespmem:s11], [sflag:$0x8], $0x80, s10, s26, $0xb8;
	[tilespmem:$0x1E000] =	vst v63  }
0x67: {  	_ =	swait.ge [sflag:s16], $0x2800  }
0x68: {  	s6 =	rddreg [dreg:$0x19]  }
0x69: {  	[sflag:s16] =	ssyncset.done $0x0;
	s9 =	sshrl.u32 s6, $0x3  }
0x6a: {  	[sflag:s16] =	ssyncadd.s32 $0xFFFFD800;
	s21 =	sadd.s32 s1, s9  }
0x6b: {  	[tilespmem:s22], [sflag:$0x9] =	stream.linear.gather [hbm4b:s21+s4], $0x50, $0x38;
	[tilespmem:$0x1E000] =	vst v63  }
0x6c: {  	_ =	swait.ge [sflag:s23], $0x50  }
0x6d: {  	[sflag:s23] =	ssyncset.done $0x0  }
0x6e: {  	s9 =	sadd.s32 s20, s9;
	[sflag:s23] =	ssyncadd.s32 $0xFFFFFFB0  }
0x6f: {  	[tilespmem:s24], [sflag:$0x9] =	stream.linear.gather [hbm4b:s9+s4], $0x50, $0x38;
	[tilespmem:$0x1E000] =	vst v63  }
0x70: {  	_ =	swait.ge [sflag:s23], $0x50  }
0x71: {  	[sflag:s23] =	ssyncset.done $0x0  }
0x72: {  	[sflag:s23] =	ssyncadd.s32 $0xFFFFFFB0  }
0x73: {  	[tilespmem:s25], [sflag:$0x1] =	stream.indirect.gather [hbm4b:s5+s26], $0x80, s22, s26, $0xb8;
	[tilespmem:$0x1E000] =	vst v63  }
0x74: {  	_ =	swait.ge [sflag:s17], $0x2800  }
0x75: {  	s25 =	rddreg [dreg:$0x9];
	[sflag:s17] =	ssyncset.done $0x0  }
0x76: {  	[sflag:s17] =	ssyncadd.s32 $0xFFFFD800;
	s9 =	sadd.s32 $0x0, s25  }
0x77: {  	[tilespmem:s28], [sflag:$0x9] =	stream.linear.gather [hbm4b:s9+s4], $0x50, $0x38;
	[tilespmem:$0x1E000] =	vst v63  }
0x78: {  	_ =	swait.ge [sflag:s23], $0x50  }
0x79: {  	s21 =	rddreg [dreg:$0x8];
	[sflag:s23] =	ssyncset.done $0x0  }
0x7a: {  	[sflag:s23] =	ssyncadd.s32 $0xFFFFFFB0;
	s9 =	sadd.s32 $0x0, s21  }
0x7b: {  	[tilespmem:s30], [sflag:$0x9] =	stream.linear.gather [hbm4b:s9+s4], $0x50, $0x38;
	[tilespmem:$0x1E000] =	vst v63  }
0x7c: {  	_ =	swait.ge [sflag:s23], $0x50  }
0x7d: {  	[sflag:s23] =	ssyncset.done $0x0  }
0x7e: {  	[sflag:s23] =	ssyncadd.s32 $0xFFFFFFB0  }
0x7f: {  	[tilespmem:s31], [sflag:$0x2] =	stream.indirect.gather [hbm4b:s5+s26], $0x80, s28, s26, $0xb8;
	[tilespmem:$0x1E000] =	vst v63  }
0x80: {  	_ =	swait.ge [sflag:s18], $0x2800  }
0x81: {  	s22 =	rddreg [dreg:$0x7];
	[sflag:s18] =	ssyncset.done $0x0  }
0x82: {  	[sflag:s18] =	ssyncadd.s32 $0xFFFFD800;
	s9 =	sadd.s32 $0x0, s22  }
0x83: {  	[tilespmem:s0], [sflag:$0x9] =	stream.linear.gather [hbm4b:s9+s4], $0x50, $0x38;
	[tilespmem:$0x1E000] =	vst v63  }
0x84: {  	_ =	swait.ge [sflag:s23], $0x50  }
0x85: {  	s24 =	rddreg [dreg:$0x6];
	[sflag:s23] =	ssyncset.done $0x0  }
0x86: {  	[sflag:s23] =	ssyncadd.s32 $0xFFFFFFB0;
	s9 =	sadd.s32 $0x0, s24  }
0x87: {  	[tilespmem:s3], [sflag:$0x9] =	stream.linear.gather [hbm4b:s9+s4], $0x50, $0x38;
	[tilespmem:$0x1E000] =	vst v63  }
0x88: {  	_ =	swait.ge [sflag:s23], $0x50  }
0x89: {  	[sflag:s23] =	ssyncset.done $0x0  }
0x8a: {  	[sflag:s23] =	ssyncadd.s32 $0xFFFFFFB0  }
0x8b: {  	[tilespmem:s7], [sflag:$0x3] =	stream.indirect.gather [hbm4b:s5+s26], $0x80, s0, s26, $0xb8;
	[tilespmem:$0x1E000] =	vst v63  }
0x8c: {  	_ =	swait.ge [sflag:s19], $0x2800  }
0x8d: {  	s25 =	rddreg [dreg:$0x5];
	[sflag:s19] =	ssyncset.done $0x0  }
0x8e: {  	[sflag:s19] =	ssyncadd.s32 $0xFFFFD800;
	s9 =	sadd.s32 $0x0, s25  }
0x8f: {  	[tilespmem:s8], [sflag:$0x9] =	stream.linear.gather [hbm4b:s9+s4], $0x50, $0x38;
	[tilespmem:$0x1E000] =	vst v63  }
0x90: {  	_ =	swait.ge [sflag:s23], $0x50  }
0x91: {  	s28 =	rddreg [dreg:$0x4];
	[sflag:s23] =	ssyncset.done $0x0  }
0x92: {  	[sflag:s23] =	ssyncadd.s32 $0xFFFFFFB0;
	s9 =	sadd.s32 $0x0, s28  }
0x93: {  	[tilespmem:s10], [sflag:$0x9] =	stream.linear.gather [hbm4b:s9+s4], $0x50, $0x38;
	[tilespmem:$0x1E000] =	vst v63  }
0x94: {  	_ =	swait.ge [sflag:s23], $0x50  }
0x95: {  	[sflag:s23] =	ssyncset.done $0x0  }
0x96: {  	s22 =	sadd.s32 $0x140, s6;
	s9 =	simm.s32 $0x28;
	[sflag:s23] =	ssyncadd.s32 $0xFFFFFFB0  }
.LBB2_2:
0x97: {  	[tilespmem:s11], [sflag:$0x4] =	stream.indirect.gather [hbm4b:s5+s26], $0x80, s8, s26, $0xb8;
	[tilespmem:$0x1E000] =	vst v63  }
0x98: {  	_ =	swait.ge [sflag:s12], $0x2800  }
0x99: {  	[sflag:s12] =	ssyncset.done $0x0  }
0x9a: {  	s28 =	simm.s32 $0x13E00;
	[sflag:s12] =	ssyncadd.s32 $0xFFFFD800  }
0x9b: {  	[spmem:s2] =	stream.indirect.scatter.add.f32 [tilespmem:s29], [sflag:$0x5], $0x80, s28, s26, $0xb8;
	[tilespmem:$0x1E000] =	vst v63  }
0x9c: {  	_ =	swait.ge [sflag:s13], $0x2800  }
0x9d: {  	[sflag:s13] =	ssyncset.done $0x0  }
0x9e: {  	[sflag:s13] =	ssyncadd.s32 $0xFFFFD800  }
0x9f: {  	[spmem:s2] =	stream.indirect.scatter.add.f32 [tilespmem:s31], [sflag:$0x6], $0x80, s30, s26, $0xb8;
	[tilespmem:$0x1E000] =	vst v63  }
0xa0: {  	_ =	swait.ge [sflag:s14], $0x2800  }
0xa1: {  	[sflag:s14] =	ssyncset.done $0x0  }
0xa2: {  	[sflag:s14] =	ssyncadd.s32 $0xFFFFD800  }
0xa3: {  	[spmem:s2] =	stream.indirect.scatter.add.f32 [tilespmem:s7], [sflag:$0x7], $0x80, s3, s26, $0xb8;
	[tilespmem:$0x1E000] =	vst v63  }
0xa4: {  	_ =	swait.ge [sflag:s15], $0x2800  }
0xa5: {  	[sflag:s15] =	ssyncset.done $0x0  }
0xa6: {  	[sflag:s15] =	ssyncadd.s32 $0xFFFFD800  }
0xa7: {  	[spmem:s2] =	stream.indirect.scatter.add.f32 [tilespmem:s11], [sflag:$0x8], $0x80, s10, s26, $0xb8;
	[tilespmem:$0x1E000] =	vst v63  }
0xa8: {  	s6 =	smov.u32 s20;
	_ =	swait.ge [sflag:s16], $0x2800  }
0xa9: {  	s20 =	sshrl.u32 s22, $0x3;
	s24 =	smov.u32 s1;
	[sflag:s16] =	ssyncset.done $0x0  }
0xaa: {  	s25 =	simm.s32 $0x13C00;
	s1 =	sadd.s32 s1, s20;
	[sflag:s16] =	ssyncadd.s32 $0xFFFFD800  }
0xab: {  	[tilespmem:s25], [sflag:$0x9] =	stream.linear.gather [hbm4b:s1+s4], $0x50, $0x38;
	[tilespmem:$0x1E000] =	vst v63  }
0xac: {  	_ =	swait.ge [sflag:s23], $0x50  }
0xad: {  	[sflag:s23] =	ssyncset.done $0x0  }
0xae: {  	s1 =	sadd.s32 s6, s20;
	[sflag:s23] =	ssyncadd.s32 $0xFFFFFFB0  }
0xaf: {  	[tilespmem:s28], [sflag:$0x9] =	stream.linear.gather [hbm4b:s1+s4], $0x50, $0x38;
	[tilespmem:$0x1E000] =	vst v63  }
0xb0: {  	_ =	swait.ge [sflag:s23], $0x50  }
0xb1: {  	[sflag:s23] =	ssyncset.done $0x0  }
0xb2: {  	[sflag:s23] =	ssyncadd.s32 $0xFFFFFFB0  }
0xb3: {  	[tilespmem:s29], [sflag:$0x1] =	stream.indirect.gather [hbm4b:s5+s26], $0x80, s25, s26, $0xb8;
	[tilespmem:$0x1E000] =	vst v63  }
0xb4: {  	s21 =	smov.u32 s9;
	_ =	swait.ge [sflag:s17], $0x2800  }
0xb5: {  	s20 =	smov.u32 s6;
	s6 =	rddreg [dreg:$0x9];
	[sflag:s17] =	ssyncset.done $0x0  }
0xb6: {  	s28 =	simm.s32 $0x13C80;
	[sflag:s17] =	ssyncadd.s32 $0xFFFFD800;
	s1 =	sadd.s32 s21, s6  }
0xb7: {  	[tilespmem:s28], [sflag:$0x9] =	stream.linear.gather [hbm4b:s1+s4], $0x50, $0x38;
	[tilespmem:$0x1E000] =	vst v63  }
0xb8: {  	_ =	swait.ge [sflag:s23], $0x50  }
0xb9: {  	s25 =	rddreg [dreg:$0x8];
	[sflag:s23] =	ssyncset.done $0x0  }
0xba: {  	[sflag:s23] =	ssyncadd.s32 $0xFFFFFFB0;
	s1 =	sadd.s32 s21, s25  }
0xbb: {  	[tilespmem:s30], [sflag:$0x9] =	stream.linear.gather [hbm4b:s1+s4], $0x50, $0x38;
	[tilespmem:$0x1E000] =	vst v63  }
0xbc: {  	_ =	swait.ge [sflag:s23], $0x50  }
0xbd: {  	[sflag:s23] =	ssyncset.done $0x0  }
0xbe: {  	[sflag:s23] =	ssyncadd.s32 $0xFFFFFFB0  }
0xbf: {  	[tilespmem:s31], [sflag:$0x2] =	stream.indirect.gather [hbm4b:s5+s26], $0x80, s28, s26, $0xb8;
	[tilespmem:$0x1E000] =	vst v63  }
0xc0: {  	_ =	swait.ge [sflag:s18], $0x2800  }
0xc1: {  	s6 =	rddreg [dreg:$0x7];
	[sflag:s18] =	ssyncset.done $0x0  }
0xc2: {  	[sflag:s18] =	ssyncadd.s32 $0xFFFFD800;
	s1 =	sadd.s32 s21, s6  }
0xc3: {  	[tilespmem:s0], [sflag:$0x9] =	stream.linear.gather [hbm4b:s1+s4], $0x50, $0x38;
	[tilespmem:$0x1E000] =	vst v63  }
0xc4: {  	_ =	swait.ge [sflag:s23], $0x50  }
0xc5: {  	s25 =	rddreg [dreg:$0x6];
	[sflag:s23] =	ssyncset.done $0x0  }
0xc6: {  	[sflag:s23] =	ssyncadd.s32 $0xFFFFFFB0;
	s1 =	sadd.s32 s21, s25  }
0xc7: {  	[tilespmem:s3], [sflag:$0x9] =	stream.linear.gather [hbm4b:s1+s4], $0x50, $0x38;
	[tilespmem:$0x1E000] =	vst v63  }
0xc8: {  	_ =	swait.ge [sflag:s23], $0x50  }
0xc9: {  	[sflag:s23] =	ssyncset.done $0x0  }
0xca: {  	[sflag:s23] =	ssyncadd.s32 $0xFFFFFFB0  }
0xcb: {  	[tilespmem:s7], [sflag:$0x3] =	stream.indirect.gather [hbm4b:s5+s26], $0x80, s0, s26, $0xb8;
	[tilespmem:$0x1E000] =	vst v63  }
0xcc: {  	_ =	swait.ge [sflag:s19], $0x2800  }
0xcd: {  	s6 =	rddreg [dreg:$0x5];
	[sflag:s19] =	ssyncset.done $0x0  }
0xce: {  	[sflag:s19] =	ssyncadd.s32 $0xFFFFD800;
	s1 =	sadd.s32 s21, s6  }
0xcf: {  	[tilespmem:s8], [sflag:$0x9] =	stream.linear.gather [hbm4b:s1+s4], $0x50, $0x38;
	[tilespmem:$0x1E000] =	vst v63  }
0xd0: {  	_ =	swait.ge [sflag:s23], $0x50  }
0xd1: {  	p0 =	sne.s32 s9, $0x488;
	s25 =	rddreg [dreg:$0x4];
	[sflag:s23] =	ssyncset.done $0x0  }
.Ltmp0:
0xd2: {  	[sflag:s23] =	ssyncadd.s32 $0xFFFFFFB0;
	s1 =	sadd.s32 s21, s25;
	(pc) =	sbr.rel @p0 .LBB2_2-.Ltmp0, $4  }
0xd3: {  	[tilespmem:s10], [sflag:$0x9] =	stream.linear.gather [hbm4b:s1+s4], $0x50, $0x38;
	[tilespmem:$0x1E000] =	vst v63  }
0xd4: {  	_ =	swait.ge [sflag:s23], $0x50  }
0xd5: {  	s9 =	sadd.s32 $0x28, s9;
	[sflag:s23] =	ssyncset.done $0x0  }
0xd6: {  	s22 =	sadd.s32 $0x140, s22;
	s1 =	smov.u32 s24;
	[sflag:s23] =	ssyncadd.s32 $0xFFFFFFB0  }
0xd7: {  	[tilespmem:s11], [sflag:$0x4] =	stream.indirect.gather [hbm4b:s5+s26], $0x80, s8, s26, $0xb8;
	[tilespmem:$0x1E000] =	vst v63  }
0xd8: {  	_ =	swait.ge [sflag:s12], $0x2800  }
0xd9: {  	[sflag:s12] =	ssyncset.done $0x0  }
0xda: {  	s21 =	simm.s32 $0x13E00;
	s22 =	simm.s32 $0x14000;
	[sflag:s12] =	ssyncadd.s32 $0xFFFFD800  }
0xdb: {  	[spmem:s2] =	stream.indirect.scatter.add.f32 [tilespmem:s22], [sflag:$0x5], $0x80, s21, s26, $0xb8;
	[tilespmem:$0x1E000] =	vst v63  }
0xdc: {  	_ =	swait.ge [sflag:s13], $0x2800  }
0xdd: {  	[sflag:s13] =	ssyncset.done $0x0  }
0xde: {  	[sflag:s13] =	ssyncadd.s32 $0xFFFFD800  }
0xdf: {  	[spmem:s2] =	stream.indirect.scatter.add.f32 [tilespmem:s31], [sflag:$0x6], $0x80, s30, s26, $0xb8;
	[tilespmem:$0x1E000] =	vst v63  }
0xe0: {  	_ =	swait.ge [sflag:s14], $0x2800  }
0xe1: {  	[sflag:s14] =	ssyncset.done $0x0  }
0xe2: {  	[sflag:s14] =	ssyncadd.s32 $0xFFFFD800  }
0xe3: {  	[spmem:s2] =	stream.indirect.scatter.add.f32 [tilespmem:s7], [sflag:$0x7], $0x80, s3, s26, $0xb8;
	[tilespmem:$0x1E000] =	vst v63  }
0xe4: {  	_ =	swait.ge [sflag:s15], $0x2800  }
0xe5: {  	[sflag:s15] =	ssyncset.done $0x0  }
0xe6: {  	[sflag:s15] =	ssyncadd.s32 $0xFFFFD800  }
0xe7: {  	[spmem:s2] =	stream.indirect.scatter.add.f32 [tilespmem:s11], [sflag:$0x8], $0x80, s10, s26, $0xb8;
	[tilespmem:$0x1E000] =	vst v63  }
0xe8: {  	_ =	swait.ge [sflag:s16], $0x2800  }
0xe9: {  	[sflag:s16] =	ssyncset.done $0x0  }
0xea: {  	s9 =	simm.s32 $0x13C00;
	s6 =	rddreg [dreg:$0x15];
	[sflag:s16] =	ssyncadd.s32 $0xFFFFD800  }
0xeb: {  	[tilespmem:s9], [sflag:$0x9] =	stream.linear.gather [hbm4b:s6+s4], $0x50, $0x38;
	[tilespmem:$0x1E000] =	vst v63  }
0xec: {  	_ =	swait.ge [sflag:s23], $0x50  }
0xed: {  	[sflag:s23] =	ssyncset.done $0x0  }
0xee: {  	s25 =	rddreg [dreg:$0x16];
	[sflag:s23] =	ssyncadd.s32 $0xFFFFFFB0  }
0xef: {  	[tilespmem:s21], [sflag:$0x9] =	stream.linear.gather [hbm4b:s25+s4], $0x50, $0x38;
	[tilespmem:$0x1E000] =	vst v63  }
0xf0: {  	_ =	swait.ge [sflag:s23], $0x50  }
0xf1: {  	[sflag:s23] =	ssyncset.done $0x0  }
0xf2: {  	[sflag:s23] =	ssyncadd.s32 $0xFFFFFFB0  }
0xf3: {  	[tilespmem:s22], [sflag:$0x1] =	stream.indirect.gather [hbm4b:s5+s26], $0x80, s9, s26, $0xb8;
	[tilespmem:$0x1E000] =	vst v63  }
0xf4: {  	_ =	swait.ge [sflag:s12], $0x2800  }
0xf5: {  	[sflag:s12] =	ssyncset.done $0x0  }
0xf6: {  	[sflag:s12] =	ssyncadd.s32 $0xFFFFD800  }
0xf7: {  	[spmem:s2] =	stream.indirect.scatter.add.f32 [tilespmem:s22], [sflag:$0x5], $0x80, s21, s26, $0xb8;
	[tilespmem:$0x1E000] =	vst v63  }
0xf8: {  	_ =	swait.ge [sflag:s16], $0x2800  }
0xf9: {  	[sflag:s16] =	ssyncset.done $0x0  }
0xfa: {  	[sflag:s16] =	ssyncadd.s32 $0xFFFFD800  }
0xfb: {  	_ =	swait.ge [sflag:s17], $0x2800  }
0xfc: {  	[sflag:s17] =	ssyncset.done $0x0  }
0xfd: {  	[sflag:s17] =	ssyncadd.s32 $0xFFFFD800  }
0xfe: {  	_ =	swait.ge [sflag:s18], $0x2800  }
0xff: {  	[sflag:s18] =	ssyncset.done $0x0  }
0x100: {  	[sflag:s18] =	ssyncadd.s32 $0xFFFFD800  }
0x101: {  	_ =	swait.ge [sflag:s19], $0x2800  }
0x102: {  	[sflag:s19] =	ssyncset.done $0x0  }
0x103: {  	[sflag:s19] =	ssyncadd.s32 $0xFFFFD800  }
0x104: {  	[bflag:$0x0] =	sbarrier.arrive $0xFFFF  }
0x105: {  	s21 =	rddreg [dreg:$0xc]  }
0x106: {  	s9 =	rddreg [dreg:$0x17]  }
0x107: {  	s22 =	rddreg [dreg:$0x1b]  }
0x108: {  	[hbm:s9], [sflag:s21] =	dma.local [spmem:s22], $0x2780  }
0x109: {  	_ =	swait.ge [sflag:s23], $0x2780  }
0x10a: {  	s24 =	rddreg [dreg:$0x1a]  }
0x10b: {  	s25 =	rddreg [dreg:$0x18];
	s9 =	sadd.s32 $0x1, s24  }
0x10c: {  	p0 =	sne.s32 s9, s25  }
.Ltmp1:
0x10d: {  	_ = 	snop;
	(pc) =	sbr.rel @p0 .LBB2_1-.Ltmp1, $3  }
0x10e: {  	_ =	sdelay $0x1  }
0x10f: {  	[sflag:s23] =	ssyncset.done $0x0  }
0x110: {  	[sflag:s23] =	ssyncadd.s32 $0xFFFFD880  }
0x111: {  	_ =	sfence.sel $0x180000  }
0x112: {  	[bflag:$0x0] =	sbarrier.arrive $0xFFFF  }
0x113: {  	_ =	strace $0x9000004D  }
0x114: {  	s0 =	stileid.u32;
	[bflag:$0x2] =	sbarrier.arrive $0xFFFF  }
0x115: {  	p0 =	sne.s32 s0, $0x0;
	s0 =	rddreg [dreg:$0x3]  }
0x116: {  	s0 =	sadd.s32 @!p0 $0x100000, s0  }
0x117: {  	[sflag:s0] =	ssyncadd.tile.s32 @!p0 $0x1;
	_ =	shalt  }
.Lfunc_end2:
_tile_overlayer_lowered:
.L_overlay_start_2:
0x118: {  	(tag) =	ssettag $0x2  }
0x119: {  	s0 =	rddreg [dreg:$0x0];
	s2 =	stileid.u32  }
0x11a: {  	s1 =	rddreg [dreg:$0x1];
	p0 =	sne.s32 s2, $0x0  }
0x11b: {  	s3 =	rddreg [dreg:$0x2];
	[bflag:$0x3] =	sbarrier.arrive $0xFFFF;
	s2 =	simm.s32 @!p0 $0x1C09  }
0x11c: {  	[timem:s3], [sflag:s2] =	dma.local @!p0 [hbm:s0], s1  }
0x11d: {  	s0 =	simm.s32 @!p0 $0x9  }
0x11e: {  	_ =	swait.ge @!p0 [sflag:s0], s1  }
0x11f: {  	s1 =	ssub.s32 @!p0 $0x0, s1;
	[sflag:s0] =	ssyncset.done @!p0 $0x0  }
0x120: {  	[sflag:s0] =	ssyncadd.s32 @!p0 s1  }
0x121: {  	[bflag:$0x3] =	sbarrier.arrive $0xFFFF  }
0x122: {  	_ =	shalt  }

</sc_bundles>
